<compile_context>
chip_gen: v7x
topology: tpu7x:2x2x1
jax: 0.10.2.dev20260603
libtpu: 0.0.44.dev20260713+nightly
codegen_flags: <defaults>
</compile_context>

<pallas_src>
import jax
import jax.numpy as jnp
from jax import lax
from jax.experimental import pallas as pl
from jax.experimental.pallas import tpu as pltpu
from jax.experimental.pallas import tpu_sc as plsc

DIM = 2048
BATCH = 16384

_info = plsc.get_sparse_core_info()
_NC = _info.num_cores
_NS = _info.num_subcores
_NW = _NC * _NS
_L = _info.num_lanes

_ROWS_PER_W = BATCH // _NW
_R = 8
_H = _R // 2
_CHUNKS = _ROWS_PER_W // _R
_G = DIM // _L
_NIN = 4
_NOUT = 2


def _permute_body(x_hbm, idx_hbm, out_hbm,
                  idx_v, in_v0, in_v1, in_v2, in_v3, out_v0, out_v1,
                  sem_i0, sem_i1, sem_i2, sem_i3, sem_o0, sem_o1):
    wid = lax.axis_index("s") * _NC + lax.axis_index("c")
    base_row = wid * _ROWS_PER_W
    in_bufs = (in_v0, in_v1, in_v2, in_v3)
    out_bufs = (out_v0, out_v1)
    sems_in = (sem_i0, sem_i1, sem_i2, sem_i3)
    sems_out = (sem_o0, sem_o1)

    def start_in(c, b):
        pltpu.make_async_copy(
            x_hbm.at[pl.ds(base_row + c * _R, _R)], in_bufs[b], sems_in[b]
        ).start()

    def wait_in(b):
        pltpu.make_async_copy(
            x_hbm.at[pl.ds(base_row, _R)], in_bufs[b], sems_in[b]
        ).wait()

    def start_out_half(c, b, half):
        pltpu.make_async_copy(
            out_bufs[b].at[pl.ds(half * _H, _H)],
            out_hbm.at[pl.ds(base_row + c * _R + half * _H, _H)],
            sems_out[b],
        ).start()

    def wait_out(b):
        pltpu.make_async_copy(
            out_bufs[b], out_hbm.at[pl.ds(base_row, _R)], sems_out[b]
        ).wait()

    for b in range(_NIN):
        start_in(b, b)
    pltpu.sync_copy(idx_hbm, idx_v)

    def quad_body(q, carry):
        c0 = q * _NIN
        for k in range(_NIN):
            c = c0 + k
            bi = k
            bo = k % _NOUT
            wait_in(bi)

            if k >= _NOUT:
                wait_out(bo)
            else:
                @pl.when(q >= 1)
                def _():
                    wait_out(bo)

            in_b = in_bufs[bi]
            out_b = out_bufs[bo]

            for half in range(2):
                @plsc.parallel_loop(0, _G, unroll=8)
                def g_body(g):
                    col = idx_v[pl.ds(g * _L, _L)]
                    for r in range(half * _H, (half + 1) * _H):
                        row_idx = jnp.full((_L,), r, jnp.int32)
                        vals = plsc.load_gather(in_b, [row_idx, col])
                        out_b[r, pl.ds(g * _L, _L)] = vals

                start_out_half(c, bo, half)

            @pl.when(q <= (_CHUNKS // _NIN) - 2)
            def _():
                start_in(c + _NIN, bi)

        return carry

    lax.fori_loop(0, _CHUNKS // _NIN, quad_body, 0)
    wait_out(0)
    wait_out(1)


def _permute(x, idx):
    kfn = pl.kernel(
        _permute_body,
        out_type=jax.ShapeDtypeStruct((BATCH, DIM), jnp.float32),
        mesh=plsc.VectorSubcoreMesh(core_axis_name="c", subcore_axis_name="s"),
        compiler_params=pltpu.CompilerParams(
            needs_layout_passes=False,
            disable_bounds_checks=True,
        ),
        scratch_types=[
            pltpu.VMEM((DIM,), jnp.int32),
            pltpu.VMEM((_R, DIM), jnp.float32),
            pltpu.VMEM((_R, DIM), jnp.float32),
            pltpu.VMEM((_R, DIM), jnp.float32),
            pltpu.VMEM((_R, DIM), jnp.float32),
            pltpu.VMEM((_R, DIM), jnp.float32),
            pltpu.VMEM((_R, DIM), jnp.float32),
            pltpu.SemaphoreType.DMA,
            pltpu.SemaphoreType.DMA,
            pltpu.SemaphoreType.DMA,
            pltpu.SemaphoreType.DMA,
            pltpu.SemaphoreType.DMA,
            pltpu.SemaphoreType.DMA,
        ],
    )
    return kfn(x, idx)


def kernel(x, logdet, perm, inv_perm, reverse):
    idx = jnp.where(reverse, inv_perm, perm).astype(jnp.int32)
    out = _permute(x, idx)
    return (out, logdet)

# --- scband reference (transcript-rebuilt; emitter-appended) ---
"""Pipeline reference for scband-permute-layer-11948599018048 (READ-ONLY COPY).

The authoritative reference and input builder live on the scoring server;
editing this copy changes nothing except your own understanding.
"""

import jax, jax.numpy as jnp
import numpy as np

DIM = 2048
BATCH = 16384


def setup_inputs(seed: int = 0) -> dict:
    key = jax.random.key(seed)
    kx, kl, kp = jax.random.split(key, 3)
    x = jax.random.normal(kx, (BATCH, DIM), dtype=jnp.float32)
    logdet = jax.random.normal(kl, (BATCH,), dtype=jnp.float32)
    perm = jax.random.permutation(kp, DIM)
    inv_perm = jnp.argsort(perm)
    return {
        "x": x,
        "logdet": logdet,
        "perm": perm,
        "inv_perm": inv_perm,
        "reverse": jnp.asarray(False),
    }


def reference(x, logdet, perm, inv_perm, reverse: bool = False):
    # Faithful translation of PermuteLayer.forward
    fwd = jnp.take(x, perm, axis=1)
    inv = jnp.take(x, inv_perm, axis=1)
    out = jnp.where(jnp.asarray(reverse), inv, fwd)
    return (out, logdet)

if __name__ == "__main__":
    import jax
    _d = setup_inputs()
    print(jax.jit(kernel)(*tuple(_d.values())))

</pallas_src>

<mosaic_0001>
#map = affine_map<(d0, d1) -> (0, 0)>
#map1 = affine_map<(d0, d1) -> (0)>
module attributes {stable_mosaic.version = 14 : i64} {
  func.func @_permute_body(%arg0: i32, %arg1: i32, %arg2: memref<16384x2048xf32, #tpu.memory_space<hbm>>, %arg3: memref<2048xi32, #tpu.memory_space<hbm>>, %arg4: memref<16384x2048xf32, #tpu.memory_space<hbm>>, %arg5: memref<2048xi32, #tpu.memory_space<vmem>>, %arg6: memref<8x2048xf32, #tpu.memory_space<vmem>>, %arg7: memref<8x2048xf32, #tpu.memory_space<vmem>>, %arg8: memref<8x2048xf32, #tpu.memory_space<vmem>>, %arg9: memref<8x2048xf32, #tpu.memory_space<vmem>>, %arg10: memref<8x2048xf32, #tpu.memory_space<vmem>>, %arg11: memref<8x2048xf32, #tpu.memory_space<vmem>>, %arg12: memref<!tpu.dma_semaphore, #tpu.memory_space<semaphore_mem>>, %arg13: memref<!tpu.dma_semaphore, #tpu.memory_space<semaphore_mem>>, %arg14: memref<!tpu.dma_semaphore, #tpu.memory_space<semaphore_mem>>, %arg15: memref<!tpu.dma_semaphore, #tpu.memory_space<semaphore_mem>>, %arg16: memref<!tpu.dma_semaphore, #tpu.memory_space<semaphore_mem>>, %arg17: memref<!tpu.dma_semaphore, #tpu.memory_space<semaphore_mem>>) attributes {dimension_semantics = [#tpu.dimension_semantics<core_parallel>, #tpu.dimension_semantics<subcore_parallel>], iteration_bounds = array<i64: 2, 16>, scalar_prefetch = 0 : i64, scratch_operands = 13 : i64, tpu.core_type = #tpu.core_type<sc_vector_subcore>, window_params = [{transform_indices = #map}, {transform_indices = #map1}, {transform_indices = #map}]} {
    %mul3A = arith.constant 2 : i32
    %mul3A_0 = arith.muli %arg1, %mul3A : i32
    %add3A = arith.addi %mul3A_0, %arg0 : i32
    %mul3A_1 = arith.constant 512 : i32
    %mul3A_2 = arith.muli %add3A, %mul3A_1 : i32
    %add3A_3 = arith.constant 0 : i32
    %add3A_4 = arith.addi %mul3A_2, %add3A_3 : i32
    %dma_start3A = arith.constant 0 : i32
    %dma_start3A_5 = tpu.memref_slice %arg2[%add3A_4, %dma_start3A] : memref<16384x2048xf32, #tpu.memory_space<hbm>> -> memref<8x2048xf32, #tpu.memory_space<hbm>>
    %dma_start3A_6 = arith.constant 0 : i32
    %dma_start3A_7 = tpu.memref_slice %arg2[%add3A_4, %dma_start3A_6] : memref<16384x2048xf32, #tpu.memory_space<hbm>> -> memref<8x2048xf32, #tpu.memory_space<hbm>>
    tpu.enqueue_dma source(%dma_start3A_7 : memref<8x2048xf32, #tpu.memory_space<hbm>>) target(%arg6 : memref<8x2048xf32, #tpu.memory_space<vmem>>) target_semaphore(%arg12 : memref<!tpu.dma_semaphore, #tpu.memory_space<semaphore_mem>>)
    %add3A_8 = arith.constant 8 : i32
    %add3A_9 = arith.addi %mul3A_2, %add3A_8 : i32
    %dma_start3A_10 = arith.constant 0 : i32
    %dma_start3A_11 = tpu.memref_slice %arg2[%add3A_9, %dma_start3A_10] : memref<16384x2048xf32, #tpu.memory_space<hbm>> -> memref<8x2048xf32, #tpu.memory_space<hbm>>
    %dma_start3A_12 = arith.constant 0 : i32
    %dma_start3A_13 = tpu.memref_slice %arg2[%add3A_9, %dma_start3A_12] : memref<16384x2048xf32, #tpu.memory_space<hbm>> -> memref<8x2048xf32, #tpu.memory_space<hbm>>
    tpu.enqueue_dma source(%dma_start3A_13 : memref<8x2048xf32, #tpu.memory_space<hbm>>) target(%arg7 : memref<8x2048xf32, #tpu.memory_space<vmem>>) target_semaphore(%arg13 : memref<!tpu.dma_semaphore, #tpu.memory_space<semaphore_mem>>)
    %add3A_14 = arith.constant 16 : i32
    %add3A_15 = arith.addi %mul3A_2, %add3A_14 : i32
    %dma_start3A_16 = arith.constant 0 : i32
    %dma_start3A_17 = tpu.memref_slice %arg2[%add3A_15, %dma_start3A_16] : memref<16384x2048xf32, #tpu.memory_space<hbm>> -> memref<8x2048xf32, #tpu.memory_space<hbm>>
    %dma_start3A_18 = arith.constant 0 : i32
    %dma_start3A_19 = tpu.memref_slice %arg2[%add3A_15, %dma_start3A_18] : memref<16384x2048xf32, #tpu.memory_space<hbm>> -> memref<8x2048xf32, #tpu.memory_space<hbm>>
    tpu.enqueue_dma source(%dma_start3A_19 : memref<8x2048xf32, #tpu.memory_space<hbm>>) target(%arg8 : memref<8x2048xf32, #tpu.memory_space<vmem>>) target_semaphore(%arg14 : memref<!tpu.dma_semaphore, #tpu.memory_space<semaphore_mem>>)
    %add3A_20 = arith.constant 24 : i32
    %add3A_21 = arith.addi %mul3A_2, %add3A_20 : i32
    %dma_start3A_22 = arith.constant 0 : i32
    %dma_start3A_23 = tpu.memref_slice %arg2[%add3A_21, %dma_start3A_22] : memref<16384x2048xf32, #tpu.memory_space<hbm>> -> memref<8x2048xf32, #tpu.memory_space<hbm>>
    %dma_start3A_24 = arith.constant 0 : i32
    %dma_start3A_25 = tpu.memref_slice %arg2[%add3A_21, %dma_start3A_24] : memref<16384x2048xf32, #tpu.memory_space<hbm>> -> memref<8x2048xf32, #tpu.memory_space<hbm>>
    tpu.enqueue_dma source(%dma_start3A_25 : memref<8x2048xf32, #tpu.memory_space<hbm>>) target(%arg9 : memref<8x2048xf32, #tpu.memory_space<vmem>>) target_semaphore(%arg15 : memref<!tpu.dma_semaphore, #tpu.memory_space<semaphore_mem>>)
    "tpu.region"() ({
      %run_scoped3A = tpu.sem_alloc : memref<!tpu.dma_semaphore, #tpu.memory_space<semaphore_mem>>
      tpu.enqueue_dma source(%arg3 : memref<2048xi32, #tpu.memory_space<hbm>>) target(%arg5 : memref<2048xi32, #tpu.memory_space<vmem>>) target_semaphore(%run_scoped3A : memref<!tpu.dma_semaphore, #tpu.memory_space<semaphore_mem>>)
      tpu.wait_dma2 semaphore(%run_scoped3A : memref<!tpu.dma_semaphore, #tpu.memory_space<semaphore_mem>>) src(%arg3 : memref<2048xi32, #tpu.memory_space<hbm>>) dst(%arg5 : memref<2048xi32, #tpu.memory_space<vmem>>)
      tpu.yield
    }) : () -> ()
    %scan3A = arith.constant 0 : i32
    %scan3A_26 = arith.constant 0 : i32
    %scan3A_27 = arith.constant 16 : i32
    %scan3A_28 = arith.addi %scan3A_26, %scan3A_27 : i32
    %scan3A_29 = arith.constant 1 : i32
    scf.for %scan3A_38 = %scan3A_26 to %scan3A_28 step %scan3A_29  : i32 {
      %mul3A_39 = arith.constant 4 : i32
      %mul3A_40 = arith.muli %scan3A_38, %mul3A_39 : i32
      %add3A_41 = arith.constant 0 : i32
      %add3A_42 = arith.addi %mul3A_40, %add3A_41 : i32
      %dma_wait3A_43 = arith.constant 0 : i32
      %dma_wait3A_44 = tpu.memref_slice %arg2[%mul3A_2, %dma_wait3A_43] : memref<16384x2048xf32, #tpu.memory_space<hbm>> -> memref<8x2048xf32, #tpu.memory_space<hbm>>
      %dma_wait3A_45 = arith.constant 0 : i32
      %dma_wait3A_46 = tpu.memref_slice %arg2[%mul3A_2, %dma_wait3A_45] : memref<16384x2048xf32, #tpu.memory_space<hbm>> -> memref<8x2048xf32, #tpu.memory_space<hbm>>
      tpu.wait_dma2 semaphore(%arg12 : memref<!tpu.dma_semaphore, #tpu.memory_space<semaphore_mem>>) src(%dma_wait3A_46 : memref<8x2048xf32, #tpu.memory_space<hbm>>) dst(%arg6 : memref<8x2048xf32, #tpu.memory_space<vmem>>)
      %ge3A = arith.constant 1 : i32
      %ge3A_47 = arith.cmpi sge, %scan3A_38, %ge3A : i32
      %convert_element_type3A = arith.extui %ge3A_47 : i1 to i32
      %cond3A = arith.constant 0 : i32
      %cond3A_48 = arith.cmpi ne, %convert_element_type3A, %cond3A : i32
      scf.if %cond3A_48 {
        %dma_wait3A_242 = arith.constant 0 : i32
        %dma_wait3A_243 = tpu.memref_slice %arg4[%mul3A_2, %dma_wait3A_242] : memref<16384x2048xf32, #tpu.memory_space<hbm>> -> memref<8x2048xf32, #tpu.memory_space<hbm>>
        %dma_wait3A_244 = arith.constant 0 : i32
        %dma_wait3A_245 = tpu.memref_slice %arg4[%mul3A_2, %dma_wait3A_244] : memref<16384x2048xf32, #tpu.memory_space<hbm>> -> memref<8x2048xf32, #tpu.memory_space<hbm>>
        tpu.wait_dma2 semaphore(%arg16 : memref<!tpu.dma_semaphore, #tpu.memory_space<semaphore_mem>>) src(%arg10 : memref<8x2048xf32, #tpu.memory_space<vmem>>) dst(%dma_wait3A_245 : memref<8x2048xf32, #tpu.memory_space<hbm>>)
      } else {
      }
      %parallel_loop3A = arith.constant 0 : i32
      %parallel_loop3A_49 = arith.constant 128 : i32
      %parallel_loop3A_50 = arith.constant 1 : i32
      scf.for %parallel_loop3A_242 = %parallel_loop3A to %parallel_loop3A_49 step %parallel_loop3A_50  : i32 {
        %parallel_loop3A_243 = arith.constant 16 : i32
        %parallel_loop3A_244 = arith.muli %parallel_loop3A_242, %parallel_loop3A_243 : i32
        %parallel_loop3A_245 = arith.index_cast %parallel_loop3A_244 : i32 to index
        %parallel_loop3A_246 = tpu.vector_load %arg5[%parallel_loop3A_245] {strides = array<i32>} : memref<2048xi32, #tpu.memory_space<vmem>>, vector<16xi32>,
        %parallel_loop3A_247 = arith.constant 0 : i32
        %parallel_loop3A_248 = vector.broadcast %parallel_loop3A_247 : i32 to vector<16xi32>
        %parallel_loop3A_249 = tpu.vector_load_idx %arg6[%parallel_loop3A_248, %parallel_loop3A_246] : memref<8x2048xf32, #tpu.memory_space<vmem>>[vector<16xi32>, vector<16xi32>], vector<16xf32>,
        %parallel_loop3A_250 = arith.constant 16 : i32
        %parallel_loop3A_251 = arith.muli %parallel_loop3A_242, %parallel_loop3A_250 : i32
        %parallel_loop3A_252 = arith.constant 0 : i32
        %parallel_loop3A_253 = arith.index_cast %parallel_loop3A_252 : i32 to index
        %parallel_loop3A_254 = arith.index_cast %parallel_loop3A_251 : i32 to index
        %parallel_loop3A_255 = tpu.vector_load %arg10[%parallel_loop3A_253, %parallel_loop3A_254] {strides = array<i32>} : memref<8x2048xf32, #tpu.memory_space<vmem>>, vector<16xf32>,
        tpu.vector_store %arg10[%parallel_loop3A_253, %parallel_loop3A_254], %parallel_loop3A_249 {strides = array<i32>} : memref<8x2048xf32, #tpu.memory_space<vmem>>, vector<16xf32>,
        %parallel_loop3A_256 = arith.constant 1 : i32
        %parallel_loop3A_257 = vector.broadcast %parallel_loop3A_256 : i32 to vector<16xi32>
        %parallel_loop3A_258 = tpu.vector_load_idx %arg6[%parallel_loop3A_257, %parallel_loop3A_246] : memref<8x2048xf32, #tpu.memory_space<vmem>>[vector<16xi32>, vector<16xi32>], vector<16xf32>,
        %parallel_loop3A_259 = arith.constant 16 : i32
        %parallel_loop3A_260 = arith.muli %parallel_loop3A_242, %parallel_loop3A_259 : i32
        %parallel_loop3A_261 = arith.constant 1 : i32
        %parallel_loop3A_262 = arith.index_cast %parallel_loop3A_261 : i32 to index
        %parallel_loop3A_263 = arith.index_cast %parallel_loop3A_260 : i32 to index
        %parallel_loop3A_264 = tpu.vector_load %arg10[%parallel_loop3A_262, %parallel_loop3A_263] {strides = array<i32>} : memref<8x2048xf32, #tpu.memory_space<vmem>>, vector<16xf32>,
        tpu.vector_store %arg10[%parallel_loop3A_262, %parallel_loop3A_263], %parallel_loop3A_258 {strides = array<i32>} : memref<8x2048xf32, #tpu.memory_space<vmem>>, vector<16xf32>,
        %parallel_loop3A_265 = arith.constant 2 : i32
        %parallel_loop3A_266 = vector.broadcast %parallel_loop3A_265 : i32 to vector<16xi32>
        %parallel_loop3A_267 = tpu.vector_load_idx %arg6[%parallel_loop3A_266, %parallel_loop3A_246] : memref<8x2048xf32, #tpu.memory_space<vmem>>[vector<16xi32>, vector<16xi32>], vector<16xf32>,
        %parallel_loop3A_268 = arith.constant 16 : i32
        %parallel_loop3A_269 = arith.muli %parallel_loop3A_242, %parallel_loop3A_268 : i32
        %parallel_loop3A_270 = arith.constant 2 : i32
        %parallel_loop3A_271 = arith.index_cast %parallel_loop3A_270 : i32 to index
        %parallel_loop3A_272 = arith.index_cast %parallel_loop3A_269 : i32 to index
        %parallel_loop3A_273 = tpu.vector_load %arg10[%parallel_loop3A_271, %parallel_loop3A_272] {strides = array<i32>} : memref<8x2048xf32, #tpu.memory_space<vmem>>, vector<16xf32>,
        tpu.vector_store %arg10[%parallel_loop3A_271, %parallel_loop3A_272], %parallel_loop3A_267 {strides = array<i32>} : memref<8x2048xf32, #tpu.memory_space<vmem>>, vector<16xf32>,
        %parallel_loop3A_274 = arith.constant 3 : i32
        %parallel_loop3A_275 = vector.broadcast %parallel_loop3A_274 : i32 to vector<16xi32>
        %parallel_loop3A_276 = tpu.vector_load_idx %arg6[%parallel_loop3A_275, %parallel_loop3A_246] : memref<8x2048xf32, #tpu.memory_space<vmem>>[vector<16xi32>, vector<16xi32>], vector<16xf32>,
        %parallel_loop3A_277 = arith.constant 16 : i32
        %parallel_loop3A_278 = arith.muli %parallel_loop3A_242, %parallel_loop3A_277 : i32
        %parallel_loop3A_279 = arith.constant 3 : i32
        %parallel_loop3A_280 = arith.index_cast %parallel_loop3A_279 : i32 to index
        %parallel_loop3A_281 = arith.index_cast %parallel_loop3A_278 : i32 to index
        %parallel_loop3A_282 = tpu.vector_load %arg10[%parallel_loop3A_280, %parallel_loop3A_281] {strides = array<i32>} : memref<8x2048xf32, #tpu.memory_space<vmem>>, vector<16xf32>,
        tpu.vector_store %arg10[%parallel_loop3A_280, %parallel_loop3A_281], %parallel_loop3A_276 {strides = array<i32>} : memref<8x2048xf32, #tpu.memory_space<vmem>>, vector<16xf32>,
      } {sc.loop_unroll_factor = 8 : i64, sc.parallel_access}
      %mul3A_51 = arith.constant 8 : i32
      %mul3A_52 = arith.muli %add3A_42, %mul3A_51 : i32
      %add3A_53 = arith.addi %mul3A_2, %mul3A_52 : i32
      %add3A_54 = arith.constant 0 : i32
      %add3A_55 = arith.addi %add3A_53, %add3A_54 : i32
      %dma_start3A_56 = arith.constant 0 : i32
      %dma_start3A_57 = arith.constant 0 : i32
      %dma_start3A_58 = tpu.memref_slice %arg10[%dma_start3A_56, %dma_start3A_57] : memref<8x2048xf32, #tpu.memory_space<vmem>> -> memref<4x2048xf32, #tpu.memory_space<vmem>>
      %dma_start3A_59 = arith.constant 0 : i32
      %dma_start3A_60 = tpu.memref_slice %arg4[%add3A_55, %dma_start3A_59] : memref<16384x2048xf32, #tpu.memory_space<hbm>> -> memref<4x2048xf32, #tpu.memory_space<hbm>>
      %dma_start3A_61 = arith.constant 0 : i32
      %dma_start3A_62 = tpu.memref_slice %arg4[%add3A_55, %dma_start3A_61] : memref<16384x2048xf32, #tpu.memory_space<hbm>> -> memref<4x2048xf32, #tpu.memory_space<hbm>>
      %dma_start3A_63 = arith.constant 0 : i32
      %dma_start3A_64 = arith.constant 0 : i32
      %dma_start3A_65 = tpu.memref_slice %arg10[%dma_start3A_63, %dma_start3A_64] : memref<8x2048xf32, #tpu.memory_space<vmem>> -> memref<4x2048xf32, #tpu.memory_space<vmem>>
      tpu.enqueue_dma source(%dma_start3A_65 : memref<4x2048xf32, #tpu.memory_space<vmem>>) target(%dma_start3A_62 : memref<4x2048xf32, #tpu.memory_space<hbm>>) target_semaphore(%arg16 : memref<!tpu.dma_semaphore, #tpu.memory_space<semaphore_mem>>)
      %parallel_loop3A_66 = arith.constant 0 : i32
      %parallel_loop3A_67 = arith.constant 128 : i32
      %parallel_loop3A_68 = arith.constant 1 : i32
      scf.for %parallel_loop3A_242 = %parallel_loop3A_66 to %parallel_loop3A_67 step %parallel_loop3A_68  : i32 {
        %parallel_loop3A_243 = arith.constant 16 : i32
        %parallel_loop3A_244 = arith.muli %parallel_loop3A_242, %parallel_loop3A_243 : i32
        %parallel_loop3A_245 = arith.index_cast %parallel_loop3A_244 : i32 to index
        %parallel_loop3A_246 = tpu.vector_load %arg5[%parallel_loop3A_245] {strides = array<i32>} : memref<2048xi32, #tpu.memory_space<vmem>>, vector<16xi32>,
        %parallel_loop3A_247 = arith.constant 4 : i32
        %parallel_loop3A_248 = vector.broadcast %parallel_loop3A_247 : i32 to vector<16xi32>
        %parallel_loop3A_249 = tpu.vector_load_idx %arg6[%parallel_loop3A_248, %parallel_loop3A_246] : memref<8x2048xf32, #tpu.memory_space<vmem>>[vector<16xi32>, vector<16xi32>], vector<16xf32>,
        %parallel_loop3A_250 = arith.constant 16 : i32
        %parallel_loop3A_251 = arith.muli %parallel_loop3A_242, %parallel_loop3A_250 : i32
        %parallel_loop3A_252 = arith.constant 4 : i32
        %parallel_loop3A_253 = arith.index_cast %parallel_loop3A_252 : i32 to index
        %parallel_loop3A_254 = arith.index_cast %parallel_loop3A_251 : i32 to index
        %parallel_loop3A_255 = tpu.vector_load %arg10[%parallel_loop3A_253, %parallel_loop3A_254] {strides = array<i32>} : memref<8x2048xf32, #tpu.memory_space<vmem>>, vector<16xf32>,
        tpu.vector_store %arg10[%parallel_loop3A_253, %parallel_loop3A_254], %parallel_loop3A_249 {strides = array<i32>} : memref<8x2048xf32, #tpu.memory_space<vmem>>, vector<16xf32>,
        %parallel_loop3A_256 = arith.constant 5 : i32
        %parallel_loop3A_257 = vector.broadcast %parallel_loop3A_256 : i32 to vector<16xi32>
        %parallel_loop3A_258 = tpu.vector_load_idx %arg6[%parallel_loop3A_257, %parallel_loop3A_246] : memref<8x2048xf32, #tpu.memory_space<vmem>>[vector<16xi32>, vector<16xi32>], vector<16xf32>,
        %parallel_loop3A_259 = arith.constant 16 : i32
        %parallel_loop3A_260 = arith.muli %parallel_loop3A_242, %parallel_loop3A_259 : i32
        %parallel_loop3A_261 = arith.constant 5 : i32
        %parallel_loop3A_262 = arith.index_cast %parallel_loop3A_261 : i32 to index
        %parallel_loop3A_263 = arith.index_cast %parallel_loop3A_260 : i32 to index
        %parallel_loop3A_264 = tpu.vector_load %arg10[%parallel_loop3A_262, %parallel_loop3A_263] {strides = array<i32>} : memref<8x2048xf32, #tpu.memory_space<vmem>>, vector<16xf32>,
        tpu.vector_store %arg10[%parallel_loop3A_262, %parallel_loop3A_263], %parallel_loop3A_258 {strides = array<i32>} : memref<8x2048xf32, #tpu.memory_space<vmem>>, vector<16xf32>,
        %parallel_loop3A_265 = arith.constant 6 : i32
        %parallel_loop3A_266 = vector.broadcast %parallel_loop3A_265 : i32 to vector<16xi32>
        %parallel_loop3A_267 = tpu.vector_load_idx %arg6[%parallel_loop3A_266, %parallel_loop3A_246] : memref<8x2048xf32, #tpu.memory_space<vmem>>[vector<16xi32>, vector<16xi32>], vector<16xf32>,
        %parallel_loop3A_268 = arith.constant 16 : i32
        %parallel_loop3A_269 = arith.muli %parallel_loop3A_242, %parallel_loop3A_268 : i32
        %parallel_loop3A_270 = arith.constant 6 : i32
        %parallel_loop3A_271 = arith.index_cast %parallel_loop3A_270 : i32 to index
        %parallel_loop3A_272 = arith.index_cast %parallel_loop3A_269 : i32 to index
        %parallel_loop3A_273 = tpu.vector_load %arg10[%parallel_loop3A_271, %parallel_loop3A_272] {strides = array<i32>} : memref<8x2048xf32, #tpu.memory_space<vmem>>, vector<16xf32>,
        tpu.vector_store %arg10[%parallel_loop3A_271, %parallel_loop3A_272], %parallel_loop3A_267 {strides = array<i32>} : memref<8x2048xf32, #tpu.memory_space<vmem>>, vector<16xf32>,
        %parallel_loop3A_274 = arith.constant 7 : i32
        %parallel_loop3A_275 = vector.broadcast %parallel_loop3A_274 : i32 to vector<16xi32>
        %parallel_loop3A_276 = tpu.vector_load_idx %arg6[%parallel_loop3A_275, %parallel_loop3A_246] : memref<8x2048xf32, #tpu.memory_space<vmem>>[vector<16xi32>, vector<16xi32>], vector<16xf32>,
        %parallel_loop3A_277 = arith.constant 16 : i32
        %parallel_loop3A_278 = arith.muli %parallel_loop3A_242, %parallel_loop3A_277 : i32
        %parallel_loop3A_279 = arith.constant 7 : i32
        %parallel_loop3A_280 = arith.index_cast %parallel_loop3A_279 : i32 to index
        %parallel_loop3A_281 = arith.index_cast %parallel_loop3A_278 : i32 to index
        %parallel_loop3A_282 = tpu.vector_load %arg10[%parallel_loop3A_280, %parallel_loop3A_281] {strides = array<i32>} : memref<8x2048xf32, #tpu.memory_space<vmem>>, vector<16xf32>,
        tpu.vector_store %arg10[%parallel_loop3A_280, %parallel_loop3A_281], %parallel_loop3A_276 {strides = array<i32>} : memref<8x2048xf32, #tpu.memory_space<vmem>>, vector<16xf32>,
      } {sc.loop_unroll_factor = 8 : i64, sc.parallel_access}
      %mul3A_69 = arith.constant 8 : i32
      %mul3A_70 = arith.muli %add3A_42, %mul3A_69 : i32
      %add3A_71 = arith.addi %mul3A_2, %mul3A_70 : i32
      %add3A_72 = arith.constant 4 : i32
      %add3A_73 = arith.addi %add3A_71, %add3A_72 : i32
      %dma_start3A_74 = arith.constant 4 : i32
      %dma_start3A_75 = arith.constant 0 : i32
      %dma_start3A_76 = tpu.memref_slice %arg10[%dma_start3A_74, %dma_start3A_75] : memref<8x2048xf32, #tpu.memory_space<vmem>> -> memref<4x2048xf32, #tpu.memory_space<vmem>>
      %dma_start3A_77 = arith.constant 0 : i32
      %dma_start3A_78 = tpu.memref_slice %arg4[%add3A_73, %dma_start3A_77] : memref<16384x2048xf32, #tpu.memory_space<hbm>> -> memref<4x2048xf32, #tpu.memory_space<hbm>>
      %dma_start3A_79 = arith.constant 0 : i32
      %dma_start3A_80 = tpu.memref_slice %arg4[%add3A_73, %dma_start3A_79] : memref<16384x2048xf32, #tpu.memory_space<hbm>> -> memref<4x2048xf32, #tpu.memory_space<hbm>>
      %dma_start3A_81 = arith.constant 4 : i32
      %dma_start3A_82 = arith.constant 0 : i32
      %dma_start3A_83 = tpu.memref_slice %arg10[%dma_start3A_81, %dma_start3A_82] : memref<8x2048xf32, #tpu.memory_space<vmem>> -> memref<4x2048xf32, #tpu.memory_space<vmem>>
      tpu.enqueue_dma source(%dma_start3A_83 : memref<4x2048xf32, #tpu.memory_space<vmem>>) target(%dma_start3A_80 : memref<4x2048xf32, #tpu.memory_space<hbm>>) target_semaphore(%arg16 : memref<!tpu.dma_semaphore, #tpu.memory_space<semaphore_mem>>)
      %le3A = arith.constant 14 : i32
      %le3A_84 = arith.cmpi sle, %scan3A_38, %le3A : i32
      %convert_element_type3A_85 = arith.extui %le3A_84 : i1 to i32
      %cond3A_86 = arith.constant 0 : i32
      %cond3A_87 = arith.cmpi ne, %convert_element_type3A_85, %cond3A_86 : i32
      scf.if %cond3A_87 {
        %add3A_242 = arith.constant 4 : i32
        %add3A_243 = arith.addi %add3A_42, %add3A_242 : i32
        %mul3A_244 = arith.constant 8 : i32
        %mul3A_245 = arith.muli %add3A_243, %mul3A_244 : i32
        %add3A_246 = arith.addi %mul3A_2, %mul3A_245 : i32
        %dma_start3A_247 = arith.constant 0 : i32
        %dma_start3A_248 = tpu.memref_slice %arg2[%add3A_246, %dma_start3A_247] : memref<16384x2048xf32, #tpu.memory_space<hbm>> -> memref<8x2048xf32, #tpu.memory_space<hbm>>
        %dma_start3A_249 = arith.constant 0 : i32
        %dma_start3A_250 = tpu.memref_slice %arg2[%add3A_246, %dma_start3A_249] : memref<16384x2048xf32, #tpu.memory_space<hbm>> -> memref<8x2048xf32, #tpu.memory_space<hbm>>
        tpu.enqueue_dma source(%dma_start3A_250 : memref<8x2048xf32, #tpu.memory_space<hbm>>) target(%arg6 : memref<8x2048xf32, #tpu.memory_space<vmem>>) target_semaphore(%arg12 : memref<!tpu.dma_semaphore, #tpu.memory_space<semaphore_mem>>)
      } else {
      }
      %add3A_88 = arith.constant 1 : i32
      %add3A_89 = arith.addi %mul3A_40, %add3A_88 : i32
      %dma_wait3A_90 = arith.constant 0 : i32
      %dma_wait3A_91 = tpu.memref_slice %arg2[%mul3A_2, %dma_wait3A_90] : memref<16384x2048xf32, #tpu.memory_space<hbm>> -> memref<8x2048xf32, #tpu.memory_space<hbm>>
      %dma_wait3A_92 = arith.constant 0 : i32
      %dma_wait3A_93 = tpu.memref_slice %arg2[%mul3A_2, %dma_wait3A_92] : memref<16384x2048xf32, #tpu.memory_space<hbm>> -> memref<8x2048xf32, #tpu.memory_space<hbm>>
      tpu.wait_dma2 semaphore(%arg13 : memref<!tpu.dma_semaphore, #tpu.memory_space<semaphore_mem>>) src(%dma_wait3A_93 : memref<8x2048xf32, #tpu.memory_space<hbm>>) dst(%arg7 : memref<8x2048xf32, #tpu.memory_space<vmem>>)
      %ge3A_94 = arith.constant 1 : i32
      %ge3A_95 = arith.cmpi sge, %scan3A_38, %ge3A_94 : i32
      %convert_element_type3A_96 = arith.extui %ge3A_95 : i1 to i32
      %cond3A_97 = arith.constant 0 : i32
      %cond3A_98 = arith.cmpi ne, %convert_element_type3A_96, %cond3A_97 : i32
      scf.if %cond3A_98 {
        %dma_wait3A_242 = arith.constant 0 : i32
        %dma_wait3A_243 = tpu.memref_slice %arg4[%mul3A_2, %dma_wait3A_242] : memref<16384x2048xf32, #tpu.memory_space<hbm>> -> memref<8x2048xf32, #tpu.memory_space<hbm>>
        %dma_wait3A_244 = arith.constant 0 : i32
        %dma_wait3A_245 = tpu.memref_slice %arg4[%mul3A_2, %dma_wait3A_244] : memref<16384x2048xf32, #tpu.memory_space<hbm>> -> memref<8x2048xf32, #tpu.memory_space<hbm>>
        tpu.wait_dma2 semaphore(%arg17 : memref<!tpu.dma_semaphore, #tpu.memory_space<semaphore_mem>>) src(%arg11 : memref<8x2048xf32, #tpu.memory_space<vmem>>) dst(%dma_wait3A_245 : memref<8x2048xf32, #tpu.memory_space<hbm>>)
      } else {
      }
      %parallel_loop3A_99 = arith.constant 0 : i32
      %parallel_loop3A_100 = arith.constant 128 : i32
      %parallel_loop3A_101 = arith.constant 1 : i32
      scf.for %parallel_loop3A_242 = %parallel_loop3A_99 to %parallel_loop3A_100 step %parallel_loop3A_101  : i32 {
        %parallel_loop3A_243 = arith.constant 16 : i32
        %parallel_loop3A_244 = arith.muli %parallel_loop3A_242, %parallel_loop3A_243 : i32
        %parallel_loop3A_245 = arith.index_cast %parallel_loop3A_244 : i32 to index
        %parallel_loop3A_246 = tpu.vector_load %arg5[%parallel_loop3A_245] {strides = array<i32>} : memref<2048xi32, #tpu.memory_space<vmem>>, vector<16xi32>,
        %parallel_loop3A_247 = arith.constant 0 : i32
        %parallel_loop3A_248 = vector.broadcast %parallel_loop3A_247 : i32 to vector<16xi32>
        %parallel_loop3A_249 = tpu.vector_load_idx %arg7[%parallel_loop3A_248, %parallel_loop3A_246] : memref<8x2048xf32, #tpu.memory_space<vmem>>[vector<16xi32>, vector<16xi32>], vector<16xf32>,
        %parallel_loop3A_250 = arith.constant 16 : i32
        %parallel_loop3A_251 = arith.muli %parallel_loop3A_242, %parallel_loop3A_250 : i32
        %parallel_loop3A_252 = arith.constant 0 : i32
        %parallel_loop3A_253 = arith.index_cast %parallel_loop3A_252 : i32 to index
        %parallel_loop3A_254 = arith.index_cast %parallel_loop3A_251 : i32 to index
        %parallel_loop3A_255 = tpu.vector_load %arg11[%parallel_loop3A_253, %parallel_loop3A_254] {strides = array<i32>} : memref<8x2048xf32, #tpu.memory_space<vmem>>, vector<16xf32>,
        tpu.vector_store %arg11[%parallel_loop3A_253, %parallel_loop3A_254], %parallel_loop3A_249 {strides = array<i32>} : memref<8x2048xf32, #tpu.memory_space<vmem>>, vector<16xf32>,
        %parallel_loop3A_256 = arith.constant 1 : i32
        %parallel_loop3A_257 = vector.broadcast %parallel_loop3A_256 : i32 to vector<16xi32>
        %parallel_loop3A_258 = tpu.vector_load_idx %arg7[%parallel_loop3A_257, %parallel_loop3A_246] : memref<8x2048xf32, #tpu.memory_space<vmem>>[vector<16xi32>, vector<16xi32>], vector<16xf32>,
        %parallel_loop3A_259 = arith.constant 16 : i32
        %parallel_loop3A_260 = arith.muli %parallel_loop3A_242, %parallel_loop3A_259 : i32
        %parallel_loop3A_261 = arith.constant 1 : i32
        %parallel_loop3A_262 = arith.index_cast %parallel_loop3A_261 : i32 to index
        %parallel_loop3A_263 = arith.index_cast %parallel_loop3A_260 : i32 to index
        %parallel_loop3A_264 = tpu.vector_load %arg11[%parallel_loop3A_262, %parallel_loop3A_263] {strides = array<i32>} : memref<8x2048xf32, #tpu.memory_space<vmem>>, vector<16xf32>,
        tpu.vector_store %arg11[%parallel_loop3A_262, %parallel_loop3A_263], %parallel_loop3A_258 {strides = array<i32>} : memref<8x2048xf32, #tpu.memory_space<vmem>>, vector<16xf32>,
        %parallel_loop3A_265 = arith.constant 2 : i32
        %parallel_loop3A_266 = vector.broadcast %parallel_loop3A_265 : i32 to vector<16xi32>
        %parallel_loop3A_267 = tpu.vector_load_idx %arg7[%parallel_loop3A_266, %parallel_loop3A_246] : memref<8x2048xf32, #tpu.memory_space<vmem>>[vector<16xi32>, vector<16xi32>], vector<16xf32>,
        %parallel_loop3A_268 = arith.constant 16 : i32
        %parallel_loop3A_269 = arith.muli %parallel_loop3A_242, %parallel_loop3A_268 : i32
        %parallel_loop3A_270 = arith.constant 2 : i32
        %parallel_loop3A_271 = arith.index_cast %parallel_loop3A_270 : i32 to index
        %parallel_loop3A_272 = arith.index_cast %parallel_loop3A_269 : i32 to index
        %parallel_loop3A_273 = tpu.vector_load %arg11[%parallel_loop3A_271, %parallel_loop3A_272] {strides = array<i32>} : memref<8x2048xf32, #tpu.memory_space<vmem>>, vector<16xf32>,
        tpu.vector_store %arg11[%parallel_loop3A_271, %parallel_loop3A_272], %parallel_loop3A_267 {strides = array<i32>} : memref<8x2048xf32, #tpu.memory_space<vmem>>, vector<16xf32>,
        %parallel_loop3A_274 = arith.constant 3 : i32
        %parallel_loop3A_275 = vector.broadcast %parallel_loop3A_274 : i32 to vector<16xi32>
        %parallel_loop3A_276 = tpu.vector_load_idx %arg7[%parallel_loop3A_275, %parallel_loop3A_246] : memref<8x2048xf32, #tpu.memory_space<vmem>>[vector<16xi32>, vector<16xi32>], vector<16xf32>,
        %parallel_loop3A_277 = arith.constant 16 : i32
        %parallel_loop3A_278 = arith.muli %parallel_loop3A_242, %parallel_loop3A_277 : i32
        %parallel_loop3A_279 = arith.constant 3 : i32
        %parallel_loop3A_280 = arith.index_cast %parallel_loop3A_279 : i32 to index
        %parallel_loop3A_281 = arith.index_cast %parallel_loop3A_278 : i32 to index
        %parallel_loop3A_282 = tpu.vector_load %arg11[%parallel_loop3A_280, %parallel_loop3A_281] {strides = array<i32>} : memref<8x2048xf32, #tpu.memory_space<vmem>>, vector<16xf32>,
        tpu.vector_store %arg11[%parallel_loop3A_280, %parallel_loop3A_281], %parallel_loop3A_276 {strides = array<i32>} : memref<8x2048xf32, #tpu.memory_space<vmem>>, vector<16xf32>,
      } {sc.loop_unroll_factor = 8 : i64, sc.parallel_access}
      %mul3A_102 = arith.constant 8 : i32
      %mul3A_103 = arith.muli %add3A_89, %mul3A_102 : i32
      %add3A_104 = arith.addi %mul3A_2, %mul3A_103 : i32
      %add3A_105 = arith.constant 0 : i32
      %add3A_106 = arith.addi %add3A_104, %add3A_105 : i32
      %dma_start3A_107 = arith.constant 0 : i32
      %dma_start3A_108 = arith.constant 0 : i32
      %dma_start3A_109 = tpu.memref_slice %arg11[%dma_start3A_107, %dma_start3A_108] : memref<8x2048xf32, #tpu.memory_space<vmem>> -> memref<4x2048xf32, #tpu.memory_space<vmem>>
      %dma_start3A_110 = arith.constant 0 : i32
      %dma_start3A_111 = tpu.memref_slice %arg4[%add3A_106, %dma_start3A_110] : memref<16384x2048xf32, #tpu.memory_space<hbm>> -> memref<4x2048xf32, #tpu.memory_space<hbm>>
      %dma_start3A_112 = arith.constant 0 : i32
      %dma_start3A_113 = tpu.memref_slice %arg4[%add3A_106, %dma_start3A_112] : memref<16384x2048xf32, #tpu.memory_space<hbm>> -> memref<4x2048xf32, #tpu.memory_space<hbm>>
      %dma_start3A_114 = arith.constant 0 : i32
      %dma_start3A_115 = arith.constant 0 : i32
      %dma_start3A_116 = tpu.memref_slice %arg11[%dma_start3A_114, %dma_start3A_115] : memref<8x2048xf32, #tpu.memory_space<vmem>> -> memref<4x2048xf32, #tpu.memory_space<vmem>>
      tpu.enqueue_dma source(%dma_start3A_116 : memref<4x2048xf32, #tpu.memory_space<vmem>>) target(%dma_start3A_113 : memref<4x2048xf32, #tpu.memory_space<hbm>>) target_semaphore(%arg17 : memref<!tpu.dma_semaphore, #tpu.memory_space<semaphore_mem>>)
      %parallel_loop3A_117 = arith.constant 0 : i32
      %parallel_loop3A_118 = arith.constant 128 : i32
      %parallel_loop3A_119 = arith.constant 1 : i32
      scf.for %parallel_loop3A_242 = %parallel_loop3A_117 to %parallel_loop3A_118 step %parallel_loop3A_119  : i32 {
        %parallel_loop3A_243 = arith.constant 16 : i32
        %parallel_loop3A_244 = arith.muli %parallel_loop3A_242, %parallel_loop3A_243 : i32
        %parallel_loop3A_245 = arith.index_cast %parallel_loop3A_244 : i32 to index
        %parallel_loop3A_246 = tpu.vector_load %arg5[%parallel_loop3A_245] {strides = array<i32>} : memref<2048xi32, #tpu.memory_space<vmem>>, vector<16xi32>,
        %parallel_loop3A_247 = arith.constant 4 : i32
        %parallel_loop3A_248 = vector.broadcast %parallel_loop3A_247 : i32 to vector<16xi32>
        %parallel_loop3A_249 = tpu.vector_load_idx %arg7[%parallel_loop3A_248, %parallel_loop3A_246] : memref<8x2048xf32, #tpu.memory_space<vmem>>[vector<16xi32>, vector<16xi32>], vector<16xf32>,
        %parallel_loop3A_250 = arith.constant 16 : i32
        %parallel_loop3A_251 = arith.muli %parallel_loop3A_242, %parallel_loop3A_250 : i32
        %parallel_loop3A_252 = arith.constant 4 : i32
        %parallel_loop3A_253 = arith.index_cast %parallel_loop3A_252 : i32 to index
        %parallel_loop3A_254 = arith.index_cast %parallel_loop3A_251 : i32 to index
        %parallel_loop3A_255 = tpu.vector_load %arg11[%parallel_loop3A_253, %parallel_loop3A_254] {strides = array<i32>} : memref<8x2048xf32, #tpu.memory_space<vmem>>, vector<16xf32>,
        tpu.vector_store %arg11[%parallel_loop3A_253, %parallel_loop3A_254], %parallel_loop3A_249 {strides = array<i32>} : memref<8x2048xf32, #tpu.memory_space<vmem>>, vector<16xf32>,
        %parallel_loop3A_256 = arith.constant 5 : i32
        %parallel_loop3A_257 = vector.broadcast %parallel_loop3A_256 : i32 to vector<16xi32>
        %parallel_loop3A_258 = tpu.vector_load_idx %arg7[%parallel_loop3A_257, %parallel_loop3A_246] : memref<8x2048xf32, #tpu.memory_space<vmem>>[vector<16xi32>, vector<16xi32>], vector<16xf32>,
        %parallel_loop3A_259 = arith.constant 16 : i32
        %parallel_loop3A_260 = arith.muli %parallel_loop3A_242, %parallel_loop3A_259 : i32
        %parallel_loop3A_261 = arith.constant 5 : i32
        %parallel_loop3A_262 = arith.index_cast %parallel_loop3A_261 : i32 to index
        %parallel_loop3A_263 = arith.index_cast %parallel_loop3A_260 : i32 to index
        %parallel_loop3A_264 = tpu.vector_load %arg11[%parallel_loop3A_262, %parallel_loop3A_263] {strides = array<i32>} : memref<8x2048xf32, #tpu.memory_space<vmem>>, vector<16xf32>,
        tpu.vector_store %arg11[%parallel_loop3A_262, %parallel_loop3A_263], %parallel_loop3A_258 {strides = array<i32>} : memref<8x2048xf32, #tpu.memory_space<vmem>>, vector<16xf32>,
        %parallel_loop3A_265 = arith.constant 6 : i32
        %parallel_loop3A_266 = vector.broadcast %parallel_loop3A_265 : i32 to vector<16xi32>
        %parallel_loop3A_267 = tpu.vector_load_idx %arg7[%parallel_loop3A_266, %parallel_loop3A_246] : memref<8x2048xf32, #tpu.memory_space<vmem>>[vector<16xi32>, vector<16xi32>], vector<16xf32>,
        %parallel_loop3A_268 = arith.constant 16 : i32
        %parallel_loop3A_269 = arith.muli %parallel_loop3A_242, %parallel_loop3A_268 : i32
        %parallel_loop3A_270 = arith.constant 6 : i32
        %parallel_loop3A_271 = arith.index_cast %parallel_loop3A_270 : i32 to index
        %parallel_loop3A_272 = arith.index_cast %parallel_loop3A_269 : i32 to index
        %parallel_loop3A_273 = tpu.vector_load %arg11[%parallel_loop3A_271, %parallel_loop3A_272] {strides = array<i32>} : memref<8x2048xf32, #tpu.memory_space<vmem>>, vector<16xf32>,
        tpu.vector_store %arg11[%parallel_loop3A_271, %parallel_loop3A_272], %parallel_loop3A_267 {strides = array<i32>} : memref<8x2048xf32, #tpu.memory_space<vmem>>, vector<16xf32>,
        %parallel_loop3A_274 = arith.constant 7 : i32
        %parallel_loop3A_275 = vector.broadcast %parallel_loop3A_274 : i32 to vector<16xi32>
        %parallel_loop3A_276 = tpu.vector_load_idx %arg7[%parallel_loop3A_275, %parallel_loop3A_246] : memref<8x2048xf32, #tpu.memory_space<vmem>>[vector<16xi32>, vector<16xi32>], vector<16xf32>,
        %parallel_loop3A_277 = arith.constant 16 : i32
        %parallel_loop3A_278 = arith.muli %parallel_loop3A_242, %parallel_loop3A_277 : i32
        %parallel_loop3A_279 = arith.constant 7 : i32
        %parallel_loop3A_280 = arith.index_cast %parallel_loop3A_279 : i32 to index
        %parallel_loop3A_281 = arith.index_cast %parallel_loop3A_278 : i32 to index
        %parallel_loop3A_282 = tpu.vector_load %arg11[%parallel_loop3A_280, %parallel_loop3A_281] {strides = array<i32>} : memref<8x2048xf32, #tpu.memory_space<vmem>>, vector<16xf32>,
        tpu.vector_store %arg11[%parallel_loop3A_280, %parallel_loop3A_281], %parallel_loop3A_276 {strides = array<i32>} : memref<8x2048xf32, #tpu.memory_space<vmem>>, vector<16xf32>,
      } {sc.loop_unroll_factor = 8 : i64, sc.parallel_access}
      %mul3A_120 = arith.constant 8 : i32
      %mul3A_121 = arith.muli %add3A_89, %mul3A_120 : i32
      %add3A_122 = arith.addi %mul3A_2, %mul3A_121 : i32
      %add3A_123 = arith.constant 4 : i32
      %add3A_124 = arith.addi %add3A_122, %add3A_123 : i32
      %dma_start3A_125 = arith.constant 4 : i32
      %dma_start3A_126 = arith.constant 0 : i32
      %dma_start3A_127 = tpu.memref_slice %arg11[%dma_start3A_125, %dma_start3A_126] : memref<8x2048xf32, #tpu.memory_space<vmem>> -> memref<4x2048xf32, #tpu.memory_space<vmem>>
      %dma_start3A_128 = arith.constant 0 : i32
      %dma_start3A_129 = tpu.memref_slice %arg4[%add3A_124, %dma_start3A_128] : memref<16384x2048xf32, #tpu.memory_space<hbm>> -> memref<4x2048xf32, #tpu.memory_space<hbm>>
      %dma_start3A_130 = arith.constant 0 : i32
      %dma_start3A_131 = tpu.memref_slice %arg4[%add3A_124, %dma_start3A_130] : memref<16384x2048xf32, #tpu.memory_space<hbm>> -> memref<4x2048xf32, #tpu.memory_space<hbm>>
      %dma_start3A_132 = arith.constant 4 : i32
      %dma_start3A_133 = arith.constant 0 : i32
      %dma_start3A_134 = tpu.memref_slice %arg11[%dma_start3A_132, %dma_start3A_133] : memref<8x2048xf32, #tpu.memory_space<vmem>> -> memref<4x2048xf32, #tpu.memory_space<vmem>>
      tpu.enqueue_dma source(%dma_start3A_134 : memref<4x2048xf32, #tpu.memory_space<vmem>>) target(%dma_start3A_131 : memref<4x2048xf32, #tpu.memory_space<hbm>>) target_semaphore(%arg17 : memref<!tpu.dma_semaphore, #tpu.memory_space<semaphore_mem>>)
      %le3A_135 = arith.constant 14 : i32
      %le3A_136 = arith.cmpi sle, %scan3A_38, %le3A_135 : i32
      %convert_element_type3A_137 = arith.extui %le3A_136 : i1 to i32
      %cond3A_138 = arith.constant 0 : i32
      %cond3A_139 = arith.cmpi ne, %convert_element_type3A_137, %cond3A_138 : i32
      scf.if %cond3A_139 {
        %add3A_242 = arith.constant 4 : i32
        %add3A_243 = arith.addi %add3A_89, %add3A_242 : i32
        %mul3A_244 = arith.constant 8 : i32
        %mul3A_245 = arith.muli %add3A_243, %mul3A_244 : i32
        %add3A_246 = arith.addi %mul3A_2, %mul3A_245 : i32
        %dma_start3A_247 = arith.constant 0 : i32
        %dma_start3A_248 = tpu.memref_slice %arg2[%add3A_246, %dma_start3A_247] : memref<16384x2048xf32, #tpu.memory_space<hbm>> -> memref<8x2048xf32, #tpu.memory_space<hbm>>
        %dma_start3A_249 = arith.constant 0 : i32
        %dma_start3A_250 = tpu.memref_slice %arg2[%add3A_246, %dma_start3A_249] : memref<16384x2048xf32, #tpu.memory_space<hbm>> -> memref<8x2048xf32, #tpu.memory_space<hbm>>
        tpu.enqueue_dma source(%dma_start3A_250 : memref<8x2048xf32, #tpu.memory_space<hbm>>) target(%arg7 : memref<8x2048xf32, #tpu.memory_space<vmem>>) target_semaphore(%arg13 : memref<!tpu.dma_semaphore, #tpu.memory_space<semaphore_mem>>)
      } else {
      }
      %add3A_140 = arith.constant 2 : i32
      %add3A_141 = arith.addi %mul3A_40, %add3A_140 : i32
      %dma_wait3A_142 = arith.constant 0 : i32
      %dma_wait3A_143 = tpu.memref_slice %arg2[%mul3A_2, %dma_wait3A_142] : memref<16384x2048xf32, #tpu.memory_space<hbm>> -> memref<8x2048xf32, #tpu.memory_space<hbm>>
      %dma_wait3A_144 = arith.constant 0 : i32
      %dma_wait3A_145 = tpu.memref_slice %arg2[%mul3A_2, %dma_wait3A_144] : memref<16384x2048xf32, #tpu.memory_space<hbm>> -> memref<8x2048xf32, #tpu.memory_space<hbm>>
      tpu.wait_dma2 semaphore(%arg14 : memref<!tpu.dma_semaphore, #tpu.memory_space<semaphore_mem>>) src(%dma_wait3A_145 : memref<8x2048xf32, #tpu.memory_space<hbm>>) dst(%arg8 : memref<8x2048xf32, #tpu.memory_space<vmem>>)
      %dma_wait3A_146 = arith.constant 0 : i32
      %dma_wait3A_147 = tpu.memref_slice %arg4[%mul3A_2, %dma_wait3A_146] : memref<16384x2048xf32, #tpu.memory_space<hbm>> -> memref<8x2048xf32, #tpu.memory_space<hbm>>
      %dma_wait3A_148 = arith.constant 0 : i32
      %dma_wait3A_149 = tpu.memref_slice %arg4[%mul3A_2, %dma_wait3A_148] : memref<16384x2048xf32, #tpu.memory_space<hbm>> -> memref<8x2048xf32, #tpu.memory_space<hbm>>
      tpu.wait_dma2 semaphore(%arg16 : memref<!tpu.dma_semaphore, #tpu.memory_space<semaphore_mem>>) src(%arg10 : memref<8x2048xf32, #tpu.memory_space<vmem>>) dst(%dma_wait3A_149 : memref<8x2048xf32, #tpu.memory_space<hbm>>)
      %parallel_loop3A_150 = arith.constant 0 : i32
      %parallel_loop3A_151 = arith.constant 128 : i32
      %parallel_loop3A_152 = arith.constant 1 : i32
      scf.for %parallel_loop3A_242 = %parallel_loop3A_150 to %parallel_loop3A_151 step %parallel_loop3A_152  : i32 {
        %parallel_loop3A_243 = arith.constant 16 : i32
        %parallel_loop3A_244 = arith.muli %parallel_loop3A_242, %parallel_loop3A_243 : i32
        %parallel_loop3A_245 = arith.index_cast %parallel_loop3A_244 : i32 to index
        %parallel_loop3A_246 = tpu.vector_load %arg5[%parallel_loop3A_245] {strides = array<i32>} : memref<2048xi32, #tpu.memory_space<vmem>>, vector<16xi32>,
        %parallel_loop3A_247 = arith.constant 0 : i32
        %parallel_loop3A_248 = vector.broadcast %parallel_loop3A_247 : i32 to vector<16xi32>
        %parallel_loop3A_249 = tpu.vector_load_idx %arg8[%parallel_loop3A_248, %parallel_loop3A_246] : memref<8x2048xf32, #tpu.memory_space<vmem>>[vector<16xi32>, vector<16xi32>], vector<16xf32>,
        %parallel_loop3A_250 = arith.constant 16 : i32
        %parallel_loop3A_251 = arith.muli %parallel_loop3A_242, %parallel_loop3A_250 : i32
        %parallel_loop3A_252 = arith.constant 0 : i32
        %parallel_loop3A_253 = arith.index_cast %parallel_loop3A_252 : i32 to index
        %parallel_loop3A_254 = arith.index_cast %parallel_loop3A_251 : i32 to index
        %parallel_loop3A_255 = tpu.vector_load %arg10[%parallel_loop3A_253, %parallel_loop3A_254] {strides = array<i32>} : memref<8x2048xf32, #tpu.memory_space<vmem>>, vector<16xf32>,
        tpu.vector_store %arg10[%parallel_loop3A_253, %parallel_loop3A_254], %parallel_loop3A_249 {strides = array<i32>} : memref<8x2048xf32, #tpu.memory_space<vmem>>, vector<16xf32>,
        %parallel_loop3A_256 = arith.constant 1 : i32
        %parallel_loop3A_257 = vector.broadcast %parallel_loop3A_256 : i32 to vector<16xi32>
        %parallel_loop3A_258 = tpu.vector_load_idx %arg8[%parallel_loop3A_257, %parallel_loop3A_246] : memref<8x2048xf32, #tpu.memory_space<vmem>>[vector<16xi32>, vector<16xi32>], vector<16xf32>,
        %parallel_loop3A_259 = arith.constant 16 : i32
        %parallel_loop3A_260 = arith.muli %parallel_loop3A_242, %parallel_loop3A_259 : i32
        %parallel_loop3A_261 = arith.constant 1 : i32
        %parallel_loop3A_262 = arith.index_cast %parallel_loop3A_261 : i32 to index
        %parallel_loop3A_263 = arith.index_cast %parallel_loop3A_260 : i32 to index
        %parallel_loop3A_264 = tpu.vector_load %arg10[%parallel_loop3A_262, %parallel_loop3A_263] {strides = array<i32>} : memref<8x2048xf32, #tpu.memory_space<vmem>>, vector<16xf32>,
        tpu.vector_store %arg10[%parallel_loop3A_262, %parallel_loop3A_263], %parallel_loop3A_258 {strides = array<i32>} : memref<8x2048xf32, #tpu.memory_space<vmem>>, vector<16xf32>,
        %parallel_loop3A_265 = arith.constant 2 : i32
        %parallel_loop3A_266 = vector.broadcast %parallel_loop3A_265 : i32 to vector<16xi32>
        %parallel_loop3A_267 = tpu.vector_load_idx %arg8[%parallel_loop3A_266, %parallel_loop3A_246] : memref<8x2048xf32, #tpu.memory_space<vmem>>[vector<16xi32>, vector<16xi32>], vector<16xf32>,
        %parallel_loop3A_268 = arith.constant 16 : i32
        %parallel_loop3A_269 = arith.muli %parallel_loop3A_242, %parallel_loop3A_268 : i32
        %parallel_loop3A_270 = arith.constant 2 : i32
        %parallel_loop3A_271 = arith.index_cast %parallel_loop3A_270 : i32 to index
        %parallel_loop3A_272 = arith.index_cast %parallel_loop3A_269 : i32 to index
        %parallel_loop3A_273 = tpu.vector_load %arg10[%parallel_loop3A_271, %parallel_loop3A_272] {strides = array<i32>} : memref<8x2048xf32, #tpu.memory_space<vmem>>, vector<16xf32>,
        tpu.vector_store %arg10[%parallel_loop3A_271, %parallel_loop3A_272], %parallel_loop3A_267 {strides = array<i32>} : memref<8x2048xf32, #tpu.memory_space<vmem>>, vector<16xf32>,
        %parallel_loop3A_274 = arith.constant 3 : i32
        %parallel_loop3A_275 = vector.broadcast %parallel_loop3A_274 : i32 to vector<16xi32>
        %parallel_loop3A_276 = tpu.vector_load_idx %arg8[%parallel_loop3A_275, %parallel_loop3A_246] : memref<8x2048xf32, #tpu.memory_space<vmem>>[vector<16xi32>, vector<16xi32>], vector<16xf32>,
        %parallel_loop3A_277 = arith.constant 16 : i32
        %parallel_loop3A_278 = arith.muli %parallel_loop3A_242, %parallel_loop3A_277 : i32
        %parallel_loop3A_279 = arith.constant 3 : i32
        %parallel_loop3A_280 = arith.index_cast %parallel_loop3A_279 : i32 to index
        %parallel_loop3A_281 = arith.index_cast %parallel_loop3A_278 : i32 to index
        %parallel_loop3A_282 = tpu.vector_load %arg10[%parallel_loop3A_280, %parallel_loop3A_281] {strides = array<i32>} : memref<8x2048xf32, #tpu.memory_space<vmem>>, vector<16xf32>,
        tpu.vector_store %arg10[%parallel_loop3A_280, %parallel_loop3A_281], %parallel_loop3A_276 {strides = array<i32>} : memref<8x2048xf32, #tpu.memory_space<vmem>>, vector<16xf32>,
      } {sc.loop_unroll_factor = 8 : i64, sc.parallel_access}
      %mul3A_153 = arith.constant 8 : i32
      %mul3A_154 = arith.muli %add3A_141, %mul3A_153 : i32
      %add3A_155 = arith.addi %mul3A_2, %mul3A_154 : i32
      %add3A_156 = arith.constant 0 : i32
      %add3A_157 = arith.addi %add3A_155, %add3A_156 : i32
      %dma_start3A_158 = arith.constant 0 : i32
      %dma_start3A_159 = arith.constant 0 : i32
      %dma_start3A_160 = tpu.memref_slice %arg10[%dma_start3A_158, %dma_start3A_159] : memref<8x2048xf32, #tpu.memory_space<vmem>> -> memref<4x2048xf32, #tpu.memory_space<vmem>>
      %dma_start3A_161 = arith.constant 0 : i32
      %dma_start3A_162 = tpu.memref_slice %arg4[%add3A_157, %dma_start3A_161] : memref<16384x2048xf32, #tpu.memory_space<hbm>> -> memref<4x2048xf32, #tpu.memory_space<hbm>>
      %dma_start3A_163 = arith.constant 0 : i32
      %dma_start3A_164 = tpu.memref_slice %arg4[%add3A_157, %dma_start3A_163] : memref<16384x2048xf32, #tpu.memory_space<hbm>> -> memref<4x2048xf32, #tpu.memory_space<hbm>>
      %dma_start3A_165 = arith.constant 0 : i32
      %dma_start3A_166 = arith.constant 0 : i32
      %dma_start3A_167 = tpu.memref_slice %arg10[%dma_start3A_165, %dma_start3A_166] : memref<8x2048xf32, #tpu.memory_space<vmem>> -> memref<4x2048xf32, #tpu.memory_space<vmem>>
      tpu.enqueue_dma source(%dma_start3A_167 : memref<4x2048xf32, #tpu.memory_space<vmem>>) target(%dma_start3A_164 : memref<4x2048xf32, #tpu.memory_space<hbm>>) target_semaphore(%arg16 : memref<!tpu.dma_semaphore, #tpu.memory_space<semaphore_mem>>)
      %parallel_loop3A_168 = arith.constant 0 : i32
      %parallel_loop3A_169 = arith.constant 128 : i32
      %parallel_loop3A_170 = arith.constant 1 : i32
      scf.for %parallel_loop3A_242 = %parallel_loop3A_168 to %parallel_loop3A_169 step %parallel_loop3A_170  : i32 {
        %parallel_loop3A_243 = arith.constant 16 : i32
        %parallel_loop3A_244 = arith.muli %parallel_loop3A_242, %parallel_loop3A_243 : i32
        %parallel_loop3A_245 = arith.index_cast %parallel_loop3A_244 : i32 to index
        %parallel_loop3A_246 = tpu.vector_load %arg5[%parallel_loop3A_245] {strides = array<i32>} : memref<2048xi32, #tpu.memory_space<vmem>>, vector<16xi32>,
        %parallel_loop3A_247 = arith.constant 4 : i32
        %parallel_loop3A_248 = vector.broadcast %parallel_loop3A_247 : i32 to vector<16xi32>
        %parallel_loop3A_249 = tpu.vector_load_idx %arg8[%parallel_loop3A_248, %parallel_loop3A_246] : memref<8x2048xf32, #tpu.memory_space<vmem>>[vector<16xi32>, vector<16xi32>], vector<16xf32>,
        %parallel_loop3A_250 = arith.constant 16 : i32
        %parallel_loop3A_251 = arith.muli %parallel_loop3A_242, %parallel_loop3A_250 : i32
        %parallel_loop3A_252 = arith.constant 4 : i32
        %parallel_loop3A_253 = arith.index_cast %parallel_loop3A_252 : i32 to index
        %parallel_loop3A_254 = arith.index_cast %parallel_loop3A_251 : i32 to index
        %parallel_loop3A_255 = tpu.vector_load %arg10[%parallel_loop3A_253, %parallel_loop3A_254] {strides = array<i32>} : memref<8x2048xf32, #tpu.memory_space<vmem>>, vector<16xf32>,
        tpu.vector_store %arg10[%parallel_loop3A_253, %parallel_loop3A_254], %parallel_loop3A_249 {strides = array<i32>} : memref<8x2048xf32, #tpu.memory_space<vmem>>, vector<16xf32>,
        %parallel_loop3A_256 = arith.constant 5 : i32
        %parallel_loop3A_257 = vector.broadcast %parallel_loop3A_256 : i32 to vector<16xi32>
        %parallel_loop3A_258 = tpu.vector_load_idx %arg8[%parallel_loop3A_257, %parallel_loop3A_246] : memref<8x2048xf32, #tpu.memory_space<vmem>>[vector<16xi32>, vector<16xi32>], vector<16xf32>,
        %parallel_loop3A_259 = arith.constant 16 : i32
        %parallel_loop3A_260 = arith.muli %parallel_loop3A_242, %parallel_loop3A_259 : i32
        %parallel_loop3A_261 = arith.constant 5 : i32
        %parallel_loop3A_262 = arith.index_cast %parallel_loop3A_261 : i32 to index
        %parallel_loop3A_263 = arith.index_cast %parallel_loop3A_260 : i32 to index
        %parallel_loop3A_264 = tpu.vector_load %arg10[%parallel_loop3A_262, %parallel_loop3A_263] {strides = array<i32>} : memref<8x2048xf32, #tpu.memory_space<vmem>>, vector<16xf32>,
        tpu.vector_store %arg10[%parallel_loop3A_262, %parallel_loop3A_263], %parallel_loop3A_258 {strides = array<i32>} : memref<8x2048xf32, #tpu.memory_space<vmem>>, vector<16xf32>,
        %parallel_loop3A_265 = arith.constant 6 : i32
        %parallel_loop3A_266 = vector.broadcast %parallel_loop3A_265 : i32 to vector<16xi32>
        %parallel_loop3A_267 = tpu.vector_load_idx %arg8[%parallel_loop3A_266, %parallel_loop3A_246] : memref<8x2048xf32, #tpu.memory_space<vmem>>[vector<16xi32>, vector<16xi32>], vector<16xf32>,
        %parallel_loop3A_268 = arith.constant 16 : i32
        %parallel_loop3A_269 = arith.muli %parallel_loop3A_242, %parallel_loop3A_268 : i32
        %parallel_loop3A_270 = arith.constant 6 : i32
        %parallel_loop3A_271 = arith.index_cast %parallel_loop3A_270 : i32 to index
        %parallel_loop3A_272 = arith.index_cast %parallel_loop3A_269 : i32 to index
        %parallel_loop3A_273 = tpu.vector_load %arg10[%parallel_loop3A_271, %parallel_loop3A_272] {strides = array<i32>} : memref<8x2048xf32, #tpu.memory_space<vmem>>, vector<16xf32>,
        tpu.vector_store %arg10[%parallel_loop3A_271, %parallel_loop3A_272], %parallel_loop3A_267 {strides = array<i32>} : memref<8x2048xf32, #tpu.memory_space<vmem>>, vector<16xf32>,
        %parallel_loop3A_274 = arith.constant 7 : i32
        %parallel_loop3A_275 = vector.broadcast %parallel_loop3A_274 : i32 to vector<16xi32>
        %parallel_loop3A_276 = tpu.vector_load_idx %arg8[%parallel_loop3A_275, %parallel_loop3A_246] : memref<8x2048xf32, #tpu.memory_space<vmem>>[vector<16xi32>, vector<16xi32>], vector<16xf32>,
        %parallel_loop3A_277 = arith.constant 16 : i32
        %parallel_loop3A_278 = arith.muli %parallel_loop3A_242, %parallel_loop3A_277 : i32
        %parallel_loop3A_279 = arith.constant 7 : i32
        %parallel_loop3A_280 = arith.index_cast %parallel_loop3A_279 : i32 to index
        %parallel_loop3A_281 = arith.index_cast %parallel_loop3A_278 : i32 to index
        %parallel_loop3A_282 = tpu.vector_load %arg10[%parallel_loop3A_280, %parallel_loop3A_281] {strides = array<i32>} : memref<8x2048xf32, #tpu.memory_space<vmem>>, vector<16xf32>,
        tpu.vector_store %arg10[%parallel_loop3A_280, %parallel_loop3A_281], %parallel_loop3A_276 {strides = array<i32>} : memref<8x2048xf32, #tpu.memory_space<vmem>>, vector<16xf32>,
      } {sc.loop_unroll_factor = 8 : i64, sc.parallel_access}
      %mul3A_171 = arith.constant 8 : i32
      %mul3A_172 = arith.muli %add3A_141, %mul3A_171 : i32
      %add3A_173 = arith.addi %mul3A_2, %mul3A_172 : i32
      %add3A_174 = arith.constant 4 : i32
      %add3A_175 = arith.addi %add3A_173, %add3A_174 : i32
      %dma_start3A_176 = arith.constant 4 : i32
      %dma_start3A_177 = arith.constant 0 : i32
      %dma_start3A_178 = tpu.memref_slice %arg10[%dma_start3A_176, %dma_start3A_177] : memref<8x2048xf32, #tpu.memory_space<vmem>> -> memref<4x2048xf32, #tpu.memory_space<vmem>>
      %dma_start3A_179 = arith.constant 0 : i32
      %dma_start3A_180 = tpu.memref_slice %arg4[%add3A_175, %dma_start3A_179] : memref<16384x2048xf32, #tpu.memory_space<hbm>> -> memref<4x2048xf32, #tpu.memory_space<hbm>>
      %dma_start3A_181 = arith.constant 0 : i32
      %dma_start3A_182 = tpu.memref_slice %arg4[%add3A_175, %dma_start3A_181] : memref<16384x2048xf32, #tpu.memory_space<hbm>> -> memref<4x2048xf32, #tpu.memory_space<hbm>>
      %dma_start3A_183 = arith.constant 4 : i32
      %dma_start3A_184 = arith.constant 0 : i32
      %dma_start3A_185 = tpu.memref_slice %arg10[%dma_start3A_183, %dma_start3A_184] : memref<8x2048xf32, #tpu.memory_space<vmem>> -> memref<4x2048xf32, #tpu.memory_space<vmem>>
      tpu.enqueue_dma source(%dma_start3A_185 : memref<4x2048xf32, #tpu.memory_space<vmem>>) target(%dma_start3A_182 : memref<4x2048xf32, #tpu.memory_space<hbm>>) target_semaphore(%arg16 : memref<!tpu.dma_semaphore, #tpu.memory_space<semaphore_mem>>)
      %le3A_186 = arith.constant 14 : i32
      %le3A_187 = arith.cmpi sle, %scan3A_38, %le3A_186 : i32
      %convert_element_type3A_188 = arith.extui %le3A_187 : i1 to i32
      %cond3A_189 = arith.constant 0 : i32
      %cond3A_190 = arith.cmpi ne, %convert_element_type3A_188, %cond3A_189 : i32
      scf.if %cond3A_190 {
        %add3A_242 = arith.constant 4 : i32
        %add3A_243 = arith.addi %add3A_141, %add3A_242 : i32
        %mul3A_244 = arith.constant 8 : i32
        %mul3A_245 = arith.muli %add3A_243, %mul3A_244 : i32
        %add3A_246 = arith.addi %mul3A_2, %mul3A_245 : i32
        %dma_start3A_247 = arith.constant 0 : i32
        %dma_start3A_248 = tpu.memref_slice %arg2[%add3A_246, %dma_start3A_247] : memref<16384x2048xf32, #tpu.memory_space<hbm>> -> memref<8x2048xf32, #tpu.memory_space<hbm>>
        %dma_start3A_249 = arith.constant 0 : i32
        %dma_start3A_250 = tpu.memref_slice %arg2[%add3A_246, %dma_start3A_249] : memref<16384x2048xf32, #tpu.memory_space<hbm>> -> memref<8x2048xf32, #tpu.memory_space<hbm>>
        tpu.enqueue_dma source(%dma_start3A_250 : memref<8x2048xf32, #tpu.memory_space<hbm>>) target(%arg8 : memref<8x2048xf32, #tpu.memory_space<vmem>>) target_semaphore(%arg14 : memref<!tpu.dma_semaphore, #tpu.memory_space<semaphore_mem>>)
      } else {
      }
      %add3A_191 = arith.constant 3 : i32
      %add3A_192 = arith.addi %mul3A_40, %add3A_191 : i32
      %dma_wait3A_193 = arith.constant 0 : i32
      %dma_wait3A_194 = tpu.memref_slice %arg2[%mul3A_2, %dma_wait3A_193] : memref<16384x2048xf32, #tpu.memory_space<hbm>> -> memref<8x2048xf32, #tpu.memory_space<hbm>>
      %dma_wait3A_195 = arith.constant 0 : i32
      %dma_wait3A_196 = tpu.memref_slice %arg2[%mul3A_2, %dma_wait3A_195] : memref<16384x2048xf32, #tpu.memory_space<hbm>> -> memref<8x2048xf32, #tpu.memory_space<hbm>>
      tpu.wait_dma2 semaphore(%arg15 : memref<!tpu.dma_semaphore, #tpu.memory_space<semaphore_mem>>) src(%dma_wait3A_196 : memref<8x2048xf32, #tpu.memory_space<hbm>>) dst(%arg9 : memref<8x2048xf32, #tpu.memory_space<vmem>>)
      %dma_wait3A_197 = arith.constant 0 : i32
      %dma_wait3A_198 = tpu.memref_slice %arg4[%mul3A_2, %dma_wait3A_197] : memref<16384x2048xf32, #tpu.memory_space<hbm>> -> memref<8x2048xf32, #tpu.memory_space<hbm>>
      %dma_wait3A_199 = arith.constant 0 : i32
      %dma_wait3A_200 = tpu.memref_slice %arg4[%mul3A_2, %dma_wait3A_199] : memref<16384x2048xf32, #tpu.memory_space<hbm>> -> memref<8x2048xf32, #tpu.memory_space<hbm>>
      tpu.wait_dma2 semaphore(%arg17 : memref<!tpu.dma_semaphore, #tpu.memory_space<semaphore_mem>>) src(%arg11 : memref<8x2048xf32, #tpu.memory_space<vmem>>) dst(%dma_wait3A_200 : memref<8x2048xf32, #tpu.memory_space<hbm>>)
      %parallel_loop3A_201 = arith.constant 0 : i32
      %parallel_loop3A_202 = arith.constant 128 : i32
      %parallel_loop3A_203 = arith.constant 1 : i32
      scf.for %parallel_loop3A_242 = %parallel_loop3A_201 to %parallel_loop3A_202 step %parallel_loop3A_203  : i32 {
        %parallel_loop3A_243 = arith.constant 16 : i32
        %parallel_loop3A_244 = arith.muli %parallel_loop3A_242, %parallel_loop3A_243 : i32
        %parallel_loop3A_245 = arith.index_cast %parallel_loop3A_244 : i32 to index
        %parallel_loop3A_246 = tpu.vector_load %arg5[%parallel_loop3A_245] {strides = array<i32>} : memref<2048xi32, #tpu.memory_space<vmem>>, vector<16xi32>,
        %parallel_loop3A_247 = arith.constant 0 : i32
        %parallel_loop3A_248 = vector.broadcast %parallel_loop3A_247 : i32 to vector<16xi32>
        %parallel_loop3A_249 = tpu.vector_load_idx %arg9[%parallel_loop3A_248, %parallel_loop3A_246] : memref<8x2048xf32, #tpu.memory_space<vmem>>[vector<16xi32>, vector<16xi32>], vector<16xf32>,
        %parallel_loop3A_250 = arith.constant 16 : i32
        %parallel_loop3A_251 = arith.muli %parallel_loop3A_242, %parallel_loop3A_250 : i32
        %parallel_loop3A_252 = arith.constant 0 : i32
        %parallel_loop3A_253 = arith.index_cast %parallel_loop3A_252 : i32 to index
        %parallel_loop3A_254 = arith.index_cast %parallel_loop3A_251 : i32 to index
        %parallel_loop3A_255 = tpu.vector_load %arg11[%parallel_loop3A_253, %parallel_loop3A_254] {strides = array<i32>} : memref<8x2048xf32, #tpu.memory_space<vmem>>, vector<16xf32>,
        tpu.vector_store %arg11[%parallel_loop3A_253, %parallel_loop3A_254], %parallel_loop3A_249 {strides = array<i32>} : memref<8x2048xf32, #tpu.memory_space<vmem>>, vector<16xf32>,
        %parallel_loop3A_256 = arith.constant 1 : i32
        %parallel_loop3A_257 = vector.broadcast %parallel_loop3A_256 : i32 to vector<16xi32>
        %parallel_loop3A_258 = tpu.vector_load_idx %arg9[%parallel_loop3A_257, %parallel_loop3A_246] : memref<8x2048xf32, #tpu.memory_space<vmem>>[vector<16xi32>, vector<16xi32>], vector<16xf32>,
        %parallel_loop3A_259 = arith.constant 16 : i32
        %parallel_loop3A_260 = arith.muli %parallel_loop3A_242, %parallel_loop3A_259 : i32
        %parallel_loop3A_261 = arith.constant 1 : i32
        %parallel_loop3A_262 = arith.index_cast %parallel_loop3A_261 : i32 to index
        %parallel_loop3A_263 = arith.index_cast %parallel_loop3A_260 : i32 to index
        %parallel_loop3A_264 = tpu.vector_load %arg11[%parallel_loop3A_262, %parallel_loop3A_263] {strides = array<i32>} : memref<8x2048xf32, #tpu.memory_space<vmem>>, vector<16xf32>,
        tpu.vector_store %arg11[%parallel_loop3A_262, %parallel_loop3A_263], %parallel_loop3A_258 {strides = array<i32>} : memref<8x2048xf32, #tpu.memory_space<vmem>>, vector<16xf32>,
        %parallel_loop3A_265 = arith.constant 2 : i32
        %parallel_loop3A_266 = vector.broadcast %parallel_loop3A_265 : i32 to vector<16xi32>
        %parallel_loop3A_267 = tpu.vector_load_idx %arg9[%parallel_loop3A_266, %parallel_loop3A_246] : memref<8x2048xf32, #tpu.memory_space<vmem>>[vector<16xi32>, vector<16xi32>], vector<16xf32>,
        %parallel_loop3A_268 = arith.constant 16 : i32
        %parallel_loop3A_269 = arith.muli %parallel_loop3A_242, %parallel_loop3A_268 : i32
        %parallel_loop3A_270 = arith.constant 2 : i32
        %parallel_loop3A_271 = arith.index_cast %parallel_loop3A_270 : i32 to index
        %parallel_loop3A_272 = arith.index_cast %parallel_loop3A_269 : i32 to index
        %parallel_loop3A_273 = tpu.vector_load %arg11[%parallel_loop3A_271, %parallel_loop3A_272] {strides = array<i32>} : memref<8x2048xf32, #tpu.memory_space<vmem>>, vector<16xf32>,
        tpu.vector_store %arg11[%parallel_loop3A_271, %parallel_loop3A_272], %parallel_loop3A_267 {strides = array<i32>} : memref<8x2048xf32, #tpu.memory_space<vmem>>, vector<16xf32>,
        %parallel_loop3A_274 = arith.constant 3 : i32
        %parallel_loop3A_275 = vector.broadcast %parallel_loop3A_274 : i32 to vector<16xi32>
        %parallel_loop3A_276 = tpu.vector_load_idx %arg9[%parallel_loop3A_275, %parallel_loop3A_246] : memref<8x2048xf32, #tpu.memory_space<vmem>>[vector<16xi32>, vector<16xi32>], vector<16xf32>,
        %parallel_loop3A_277 = arith.constant 16 : i32
        %parallel_loop3A_278 = arith.muli %parallel_loop3A_242, %parallel_loop3A_277 : i32
        %parallel_loop3A_279 = arith.constant 3 : i32
        %parallel_loop3A_280 = arith.index_cast %parallel_loop3A_279 : i32 to index
        %parallel_loop3A_281 = arith.index_cast %parallel_loop3A_278 : i32 to index
        %parallel_loop3A_282 = tpu.vector_load %arg11[%parallel_loop3A_280, %parallel_loop3A_281] {strides = array<i32>} : memref<8x2048xf32, #tpu.memory_space<vmem>>, vector<16xf32>,
        tpu.vector_store %arg11[%parallel_loop3A_280, %parallel_loop3A_281], %parallel_loop3A_276 {strides = array<i32>} : memref<8x2048xf32, #tpu.memory_space<vmem>>, vector<16xf32>,
      } {sc.loop_unroll_factor = 8 : i64, sc.parallel_access}
      %mul3A_204 = arith.constant 8 : i32
      %mul3A_205 = arith.muli %add3A_192, %mul3A_204 : i32
      %add3A_206 = arith.addi %mul3A_2, %mul3A_205 : i32
      %add3A_207 = arith.constant 0 : i32
      %add3A_208 = arith.addi %add3A_206, %add3A_207 : i32
      %dma_start3A_209 = arith.constant 0 : i32
      %dma_start3A_210 = arith.constant 0 : i32
      %dma_start3A_211 = tpu.memref_slice %arg11[%dma_start3A_209, %dma_start3A_210] : memref<8x2048xf32, #tpu.memory_space<vmem>> -> memref<4x2048xf32, #tpu.memory_space<vmem>>
      %dma_start3A_212 = arith.constant 0 : i32
      %dma_start3A_213 = tpu.memref_slice %arg4[%add3A_208, %dma_start3A_212] : memref<16384x2048xf32, #tpu.memory_space<hbm>> -> memref<4x2048xf32, #tpu.memory_space<hbm>>
      %dma_start3A_214 = arith.constant 0 : i32
      %dma_start3A_215 = tpu.memref_slice %arg4[%add3A_208, %dma_start3A_214] : memref<16384x2048xf32, #tpu.memory_space<hbm>> -> memref<4x2048xf32, #tpu.memory_space<hbm>>
      %dma_start3A_216 = arith.constant 0 : i32
      %dma_start3A_217 = arith.constant 0 : i32
      %dma_start3A_218 = tpu.memref_slice %arg11[%dma_start3A_216, %dma_start3A_217] : memref<8x2048xf32, #tpu.memory_space<vmem>> -> memref<4x2048xf32, #tpu.memory_space<vmem>>
      tpu.enqueue_dma source(%dma_start3A_218 : memref<4x2048xf32, #tpu.memory_space<vmem>>) target(%dma_start3A_215 : memref<4x2048xf32, #tpu.memory_space<hbm>>) target_semaphore(%arg17 : memref<!tpu.dma_semaphore, #tpu.memory_space<semaphore_mem>>)
      %parallel_loop3A_219 = arith.constant 0 : i32
      %parallel_loop3A_220 = arith.constant 128 : i32
      %parallel_loop3A_221 = arith.constant 1 : i32
      scf.for %parallel_loop3A_242 = %parallel_loop3A_219 to %parallel_loop3A_220 step %parallel_loop3A_221  : i32 {
        %parallel_loop3A_243 = arith.constant 16 : i32
        %parallel_loop3A_244 = arith.muli %parallel_loop3A_242, %parallel_loop3A_243 : i32
        %parallel_loop3A_245 = arith.index_cast %parallel_loop3A_244 : i32 to index
        %parallel_loop3A_246 = tpu.vector_load %arg5[%parallel_loop3A_245] {strides = array<i32>} : memref<2048xi32, #tpu.memory_space<vmem>>, vector<16xi32>,
        %parallel_loop3A_247 = arith.constant 4 : i32
        %parallel_loop3A_248 = vector.broadcast %parallel_loop3A_247 : i32 to vector<16xi32>
        %parallel_loop3A_249 = tpu.vector_load_idx %arg9[%parallel_loop3A_248, %parallel_loop3A_246] : memref<8x2048xf32, #tpu.memory_space<vmem>>[vector<16xi32>, vector<16xi32>], vector<16xf32>,
        %parallel_loop3A_250 = arith.constant 16 : i32
        %parallel_loop3A_251 = arith.muli %parallel_loop3A_242, %parallel_loop3A_250 : i32
        %parallel_loop3A_252 = arith.constant 4 : i32
        %parallel_loop3A_253 = arith.index_cast %parallel_loop3A_252 : i32 to index
        %parallel_loop3A_254 = arith.index_cast %parallel_loop3A_251 : i32 to index
        %parallel_loop3A_255 = tpu.vector_load %arg11[%parallel_loop3A_253, %parallel_loop3A_254] {strides = array<i32>} : memref<8x2048xf32, #tpu.memory_space<vmem>>, vector<16xf32>,
        tpu.vector_store %arg11[%parallel_loop3A_253, %parallel_loop3A_254], %parallel_loop3A_249 {strides = array<i32>} : memref<8x2048xf32, #tpu.memory_space<vmem>>, vector<16xf32>,
        %parallel_loop3A_256 = arith.constant 5 : i32
        %parallel_loop3A_257 = vector.broadcast %parallel_loop3A_256 : i32 to vector<16xi32>
        %parallel_loop3A_258 = tpu.vector_load_idx %arg9[%parallel_loop3A_257, %parallel_loop3A_246] : memref<8x2048xf32, #tpu.memory_space<vmem>>[vector<16xi32>, vector<16xi32>], vector<16xf32>,
        %parallel_loop3A_259 = arith.constant 16 : i32
        %parallel_loop3A_260 = arith.muli %parallel_loop3A_242, %parallel_loop3A_259 : i32
        %parallel_loop3A_261 = arith.constant 5 : i32
        %parallel_loop3A_262 = arith.index_cast %parallel_loop3A_261 : i32 to index
        %parallel_loop3A_263 = arith.index_cast %parallel_loop3A_260 : i32 to index
        %parallel_loop3A_264 = tpu.vector_load %arg11[%parallel_loop3A_262, %parallel_loop3A_263] {strides = array<i32>} : memref<8x2048xf32, #tpu.memory_space<vmem>>, vector<16xf32>,
        tpu.vector_store %arg11[%parallel_loop3A_262, %parallel_loop3A_263], %parallel_loop3A_258 {strides = array<i32>} : memref<8x2048xf32, #tpu.memory_space<vmem>>, vector<16xf32>,
        %parallel_loop3A_265 = arith.constant 6 : i32
        %parallel_loop3A_266 = vector.broadcast %parallel_loop3A_265 : i32 to vector<16xi32>
        %parallel_loop3A_267 = tpu.vector_load_idx %arg9[%parallel_loop3A_266, %parallel_loop3A_246] : memref<8x2048xf32, #tpu.memory_space<vmem>>[vector<16xi32>, vector<16xi32>], vector<16xf32>,
        %parallel_loop3A_268 = arith.constant 16 : i32
        %parallel_loop3A_269 = arith.muli %parallel_loop3A_242, %parallel_loop3A_268 : i32
        %parallel_loop3A_270 = arith.constant 6 : i32
        %parallel_loop3A_271 = arith.index_cast %parallel_loop3A_270 : i32 to index
        %parallel_loop3A_272 = arith.index_cast %parallel_loop3A_269 : i32 to index
        %parallel_loop3A_273 = tpu.vector_load %arg11[%parallel_loop3A_271, %parallel_loop3A_272] {strides = array<i32>} : memref<8x2048xf32, #tpu.memory_space<vmem>>, vector<16xf32>,
        tpu.vector_store %arg11[%parallel_loop3A_271, %parallel_loop3A_272], %parallel_loop3A_267 {strides = array<i32>} : memref<8x2048xf32, #tpu.memory_space<vmem>>, vector<16xf32>,
        %parallel_loop3A_274 = arith.constant 7 : i32
        %parallel_loop3A_275 = vector.broadcast %parallel_loop3A_274 : i32 to vector<16xi32>
        %parallel_loop3A_276 = tpu.vector_load_idx %arg9[%parallel_loop3A_275, %parallel_loop3A_246] : memref<8x2048xf32, #tpu.memory_space<vmem>>[vector<16xi32>, vector<16xi32>], vector<16xf32>,
        %parallel_loop3A_277 = arith.constant 16 : i32
        %parallel_loop3A_278 = arith.muli %parallel_loop3A_242, %parallel_loop3A_277 : i32
        %parallel_loop3A_279 = arith.constant 7 : i32
        %parallel_loop3A_280 = arith.index_cast %parallel_loop3A_279 : i32 to index
        %parallel_loop3A_281 = arith.index_cast %parallel_loop3A_278 : i32 to index
        %parallel_loop3A_282 = tpu.vector_load %arg11[%parallel_loop3A_280, %parallel_loop3A_281] {strides = array<i32>} : memref<8x2048xf32, #tpu.memory_space<vmem>>, vector<16xf32>,
        tpu.vector_store %arg11[%parallel_loop3A_280, %parallel_loop3A_281], %parallel_loop3A_276 {strides = array<i32>} : memref<8x2048xf32, #tpu.memory_space<vmem>>, vector<16xf32>,
      } {sc.loop_unroll_factor = 8 : i64, sc.parallel_access}
      %mul3A_222 = arith.constant 8 : i32
      %mul3A_223 = arith.muli %add3A_192, %mul3A_222 : i32
      %add3A_224 = arith.addi %mul3A_2, %mul3A_223 : i32
      %add3A_225 = arith.constant 4 : i32
      %add3A_226 = arith.addi %add3A_224, %add3A_225 : i32
      %dma_start3A_227 = arith.constant 4 : i32
      %dma_start3A_228 = arith.constant 0 : i32
      %dma_start3A_229 = tpu.memref_slice %arg11[%dma_start3A_227, %dma_start3A_228] : memref<8x2048xf32, #tpu.memory_space<vmem>> -> memref<4x2048xf32, #tpu.memory_space<vmem>>
      %dma_start3A_230 = arith.constant 0 : i32
      %dma_start3A_231 = tpu.memref_slice %arg4[%add3A_226, %dma_start3A_230] : memref<16384x2048xf32, #tpu.memory_space<hbm>> -> memref<4x2048xf32, #tpu.memory_space<hbm>>
      %dma_start3A_232 = arith.constant 0 : i32
      %dma_start3A_233 = tpu.memref_slice %arg4[%add3A_226, %dma_start3A_232] : memref<16384x2048xf32, #tpu.memory_space<hbm>> -> memref<4x2048xf32, #tpu.memory_space<hbm>>
      %dma_start3A_234 = arith.constant 4 : i32
      %dma_start3A_235 = arith.constant 0 : i32
      %dma_start3A_236 = tpu.memref_slice %arg11[%dma_start3A_234, %dma_start3A_235] : memref<8x2048xf32, #tpu.memory_space<vmem>> -> memref<4x2048xf32, #tpu.memory_space<vmem>>
      tpu.enqueue_dma source(%dma_start3A_236 : memref<4x2048xf32, #tpu.memory_space<vmem>>) target(%dma_start3A_233 : memref<4x2048xf32, #tpu.memory_space<hbm>>) target_semaphore(%arg17 : memref<!tpu.dma_semaphore, #tpu.memory_space<semaphore_mem>>)
      %le3A_237 = arith.constant 14 : i32
      %le3A_238 = arith.cmpi sle, %scan3A_38, %le3A_237 : i32
      %convert_element_type3A_239 = arith.extui %le3A_238 : i1 to i32
      %cond3A_240 = arith.constant 0 : i32
      %cond3A_241 = arith.cmpi ne, %convert_element_type3A_239, %cond3A_240 : i32
      scf.if %cond3A_241 {
        %add3A_242 = arith.constant 4 : i32
        %add3A_243 = arith.addi %add3A_192, %add3A_242 : i32
        %mul3A_244 = arith.constant 8 : i32
        %mul3A_245 = arith.muli %add3A_243, %mul3A_244 : i32
        %add3A_246 = arith.addi %mul3A_2, %mul3A_245 : i32
        %dma_start3A_247 = arith.constant 0 : i32
        %dma_start3A_248 = tpu.memref_slice %arg2[%add3A_246, %dma_start3A_247] : memref<16384x2048xf32, #tpu.memory_space<hbm>> -> memref<8x2048xf32, #tpu.memory_space<hbm>>
        %dma_start3A_249 = arith.constant 0 : i32
        %dma_start3A_250 = tpu.memref_slice %arg2[%add3A_246, %dma_start3A_249] : memref<16384x2048xf32, #tpu.memory_space<hbm>> -> memref<8x2048xf32, #tpu.memory_space<hbm>>
        tpu.enqueue_dma source(%dma_start3A_250 : memref<8x2048xf32, #tpu.memory_space<hbm>>) target(%arg9 : memref<8x2048xf32, #tpu.memory_space<vmem>>) target_semaphore(%arg15 : memref<!tpu.dma_semaphore, #tpu.memory_space<semaphore_mem>>)
      } else {
      }
    }
    %scan3A_30 = arith.constant 16 : i32
    %dma_wait3A = arith.constant 0 : i32
    %dma_wait3A_31 = tpu.memref_slice %arg4[%mul3A_2, %dma_wait3A] : memref<16384x2048xf32, #tpu.memory_space<hbm>> -> memref<8x2048xf32, #tpu.memory_space<hbm>>
    %dma_wait3A_32 = arith.constant 0 : i32
    %dma_wait3A_33 = tpu.memref_slice %arg4[%mul3A_2, %dma_wait3A_32] : memref<16384x2048xf32, #tpu.memory_space<hbm>> -> memref<8x2048xf32, #tpu.memory_space<hbm>>
    tpu.wait_dma2 semaphore(%arg16 : memref<!tpu.dma_semaphore, #tpu.memory_space<semaphore_mem>>) src(%arg10 : memref<8x2048xf32, #tpu.memory_space<vmem>>) dst(%dma_wait3A_33 : memref<8x2048xf32, #tpu.memory_space<hbm>>)
    %dma_wait3A_34 = arith.constant 0 : i32
    %dma_wait3A_35 = tpu.memref_slice %arg4[%mul3A_2, %dma_wait3A_34] : memref<16384x2048xf32, #tpu.memory_space<hbm>> -> memref<8x2048xf32, #tpu.memory_space<hbm>>
    %dma_wait3A_36 = arith.constant 0 : i32
    %dma_wait3A_37 = tpu.memref_slice %arg4[%mul3A_2, %dma_wait3A_36] : memref<16384x2048xf32, #tpu.memory_space<hbm>> -> memref<8x2048xf32, #tpu.memory_space<hbm>>
    tpu.wait_dma2 semaphore(%arg17 : memref<!tpu.dma_semaphore, #tpu.memory_space<semaphore_mem>>) src(%arg11 : memref<8x2048xf32, #tpu.memory_space<vmem>>) dst(%dma_wait3A_37 : memref<8x2048xf32, #tpu.memory_space<hbm>>)
    return
  }
}

</mosaic_0001>

<sc_bundles>
// kernel: kernel.3.cloned.1.call-start
scs
__scs_entry_jumppad:
0x0: {  	(pc) =	sbr.rel $0x88, $3  }
0x1: {  	(tag) =	ssettag $0x0;
	lr =	simm.s32 $0x1  }
0x2: {  	[smem:$0x3F9C] =	sst lr;
	_ =	strace $0xD0000000  }
0x3: {  	_ = 	snop  }
0x4: {  	_ = 	snop  }
0x5: {  	_ = 	snop  }
0x6: {  	_ = 	snop  }
0x7: {  	_ = 	snop  }
__scs_overlays_trampoline_lowered:
0x8: {  	[smem:$0x3FAB] =	sst s0  }
0x9: {  	[smem:$0x3FAC] =	sst s1  }
0xa: {  	[smem:$0x3FAD] =	sst s2  }
0xb: {  	[smem:$0x3FAE] =	sst s3  }
0xc: {  	[smem:$0x3FAF] =	sst s4  }
0xd: {  	[smem:$0x3FB0] =	sst s5  }
0xe: {  	[smem:$0x3FB1] =	sst s6  }
0xf: {  	[smem:$0x3FB2] =	sst s7  }
0x10: {  	[smem:$0x3FB3] =	sst s8  }
0x11: {  	[smem:$0x3FB4] =	sst s9;
	s0 =	simm.s32 @!p0 $0x0  }
0x12: {  	s1 =	sld [smem:$0x3F9A];
	s0 =	simm.s32 @p0 $0x1  }
0x13: {  	[smem:$0x3FB5] =	sst s0;
	s0 =	simm.s32 @!p1 $0x0  }
0x14: {  	s2 =	sld [smem:$0x3F99];
	s0 =	simm.s32 @p1 $0x1  }
0x15: {  	[smem:$0x3FB6] =	sst s0;
	s0 =	simm.s32 @!p2 $0x0  }
0x16: {  	s3 =	sld [smem:$0x3FDB];
	s0 =	simm.s32 @p2 $0x1  }
0x17: {  	s4 =	simm.s32 $0x1BF5;
	[smem:$0x3FB8] =	sst s0  }
0x18: {  	s0 =	sld [smem:$0x3F9B];
	_ =	swait.ge [sflag:s4], $0x0  }
0x19: {  	s7 =	sld [smem:$0x3F9C]  }
0x1a: {  	s8 =	sadd.s32 $0xFFFFE003, lr  }
0x1b: {  	s9 =	sadd.s32 $0xFFFFFEF7, lr;
	s5 =	simm.s32 $0xFFFFFFFF;
	p2 =	slt.u32 s8, $0xFFFFF086  }
0x1c: {  	p1 =	slt.u32 s9, $0xF7A;
	s5 =	simm.s32 @!p2 $0x0  }
0x1d: {  	s5 =	simm.s32 @p1 $0x1;
	p0 =	seq.s32 s7, s2  }
0x1e: {  	s7 =	smul.u32 @!p0 $0xF7A, s2;
	p2 =	seq.s32 @!p0 s5, $0x0  }
0x1f: {  	s9 =	smul.u32 $0xF7A, s1;
	s8 =	simm.s32 @!p0 $0x1BF5;
	p2 =	por !p2, p0  }
0x20: {  	[sflag:s8] =	ssyncset.s32 @!p0 $0xFFFFF086;
	s6 =	sadd.s32 @!p0 s3, s7;
	s7 =	simm.s32 @!p0 $0x108  }
0x21: {  	s3 =	sadd.s32 s3, s9;
	s6 =	sadd.s32 @!p0 $0x88, s6;
	s7 =	simm.s32 @p2 $0x1082  }
0x22: {  	[simem:s7], [sflag:s8] =	dma.local @!p0 [hbm:s6], $0xF7A  }
0x23: {  	s9 =	sor.u32 $0xD0000000, s2;
	s6 =	simm.s32 $0x108;
	_ =	swait.ge @!p0 [sflag:s8], $0x0  }
0x24: {  	s3 =	sadd.s32 $0x88, s3;
	s6 =	simm.s32 @!p1 $0x1082;
	[sflag:s4] =	ssyncset.s32 $0xFFFFF086  }
0x25: {  	[simem:s6], [sflag:s4] =	dma.local [hbm:s3], $0xF7A  }
0x26: {  	[smem:$0x3F9C] =	sst s1;
	(tag) =	ssettag s2;
	_ =	strace s9  }
0x27: {  	s1 =	sld [smem:$0x3FAC]  }
0x28: {  	s2 =	sld [smem:$0x3FAD]  }
0x29: {  	s4 =	sld [smem:$0x3FAF]  }
0x2a: {  	p0 =	seq.s32 s5, $0x0;
	s5 =	sld [smem:$0x3FB0]  }
0x2b: {  	s6 =	sld [smem:$0x3FB1]  }
0x2c: {  	s7 =	sld [smem:$0x3FB2]  }
0x2d: {  	s3 =	simm.s32 $0x108;
	s8 =	sld [smem:$0x3FB3]  }
0x2e: {  	s3 =	simm.s32 @!p0 $0x1082;
	s9 =	sld [smem:$0x3FB4]  }
0x2f: {  	lr =	sadd.s32 s0, s3;
	s0 =	sld [smem:$0x3FAB]  }
0x30: {  	s3 =	sld [smem:$0x3FAE]  }
0x31: {  	[smem:$0x3FB7] =	sst s10  }
0x32: {  	s10 =	sld [smem:$0x3FB5];
	_ =	sdelay $0x3  }
0x33: {  	p0 =	seq.s32 s10, $0x1;
	s10 =	sld [smem:$0x3FB7];
	_ =	sdelay $0x3  }
0x34: {  	[smem:$0x3FB7] =	sst s10  }
0x35: {  	s10 =	sld [smem:$0x3FB6];
	_ =	sdelay $0x3  }
0x36: {  	p1 =	seq.s32 s10, $0x1;
	s10 =	sld [smem:$0x3FB7];
	_ =	sdelay $0x3  }
0x37: {  	[smem:$0x3FB7] =	sst s10  }
0x38: {  	s10 =	sld [smem:$0x3FB8]  }
0x39: {  	_ = 	snop;
	(pc) =	sbr.ind lr, $3  }
0x3a: {  	_ = 	snop  }
0x3b: {  	_ = 	snop  }
0x3c: {  	p2 =	seq.s32 s10, $0x1;
	s10 =	sld [smem:$0x3FB7]  }
0x3d: {  	_ =	shalt  }
0x3e: {  	_ =	shalt  }
0x3f: {  	_ =	shalt  }
0x40: {  	_ =	shalt  }
0x41: {  	_ =	shalt  }
0x42: {  	_ =	shalt  }
0x43: {  	_ =	shalt  }
0x44: {  	_ =	shalt  }
0x45: {  	_ =	shalt  }
0x46: {  	_ =	shalt  }
0x47: {  	_ =	shalt  }
0x48: {  	_ =	shalt  }
0x49: {  	_ =	shalt  }
0x4a: {  	_ =	shalt  }
0x4b: {  	_ =	shalt  }
0x4c: {  	_ =	shalt  }
0x4d: {  	_ =	shalt  }
0x4e: {  	_ =	shalt  }
0x4f: {  	_ =	shalt  }
0x50: {  	_ =	shalt  }
0x51: {  	_ =	shalt  }
0x52: {  	_ =	shalt  }
0x53: {  	_ =	shalt  }
0x54: {  	_ =	shalt  }
0x55: {  	_ =	shalt  }
0x56: {  	_ =	shalt  }
0x57: {  	_ =	shalt  }
0x58: {  	_ =	shalt  }
0x59: {  	_ =	shalt  }
0x5a: {  	_ =	shalt  }
0x5b: {  	_ =	shalt  }
0x5c: {  	_ =	shalt  }
0x5d: {  	_ =	shalt  }
0x5e: {  	_ =	shalt  }
0x5f: {  	_ =	shalt  }
0x60: {  	_ =	shalt  }
0x61: {  	_ =	shalt  }
0x62: {  	_ =	shalt  }
0x63: {  	_ =	shalt  }
0x64: {  	_ =	shalt  }
0x65: {  	_ =	shalt  }
0x66: {  	_ =	shalt  }
0x67: {  	_ =	shalt  }
0x68: {  	_ =	shalt  }
0x69: {  	_ =	shalt  }
0x6a: {  	_ =	shalt  }
0x6b: {  	_ =	shalt  }
0x6c: {  	_ =	shalt  }
0x6d: {  	_ =	shalt  }
0x6e: {  	_ =	shalt  }
0x6f: {  	_ =	shalt  }
0x70: {  	_ =	shalt  }
0x71: {  	_ =	shalt  }
0x72: {  	_ =	shalt  }
0x73: {  	_ =	shalt  }
0x74: {  	_ =	shalt  }
0x75: {  	_ =	shalt  }
0x76: {  	_ =	shalt  }
0x77: {  	_ =	shalt  }
0x78: {  	_ =	shalt  }
0x79: {  	_ =	shalt  }
0x7a: {  	_ =	shalt  }
0x7b: {  	_ =	shalt  }
0x7c: {  	_ =	shalt  }
0x7d: {  	_ =	shalt  }
0x7e: {  	_ =	shalt  }
0x7f: {  	_ =	shalt  }
0x80: {  	_ =	shalt  }
0x81: {  	_ =	shalt  }
0x82: {  	_ =	shalt  }
0x83: {  	_ =	shalt  }
0x84: {  	_ =	shalt  }
0x85: {  	_ =	shalt  }
0x86: {  	_ =	shalt  }
0x87: {  	_ =	shalt  }
.Lfunc_end0:
.L_simem_size_0:
called_computation_lowered:
.L_overlay_start_0:
0x88: {  	s2 =	sld [smem:$0x3FD9]  }
0x89: {  	s3 =	sld [smem:$0x3FFE];
	_ =	sdelay $0x1  }
0x8a: {  	s1 =	srdreg.scid  }
0x8b: {  	s0 =	sand.u32 $0x1, s1  }
0x8c: {  	s15 =	sshll.u32 s0, $0xA;
	s2 =	sadd.s32 s3, s2  }
0x8d: {  	s2 =	sadd.s32 s2, s15  }
0x8e: {  	[smem:$0x3FC3] =	sst s2  }
0x8f: {  	_ = 	snop  }
0x90: {  	s2 =	sld [smem:$0x3FD0];
	_ =	sdelay $0x2  }
0x91: {  	s4 =	simm.s32 $0xA;
	s5 =	simm.s32 $0x10;
	s16 =	sld [smem:$0x3FC9]  }
0x92: {  	[smem:s5], [sflag:s4] =	dma.local [hbm:s2], $0x1  }
0x93: {  	_ =	swait.eq [sflag:s4], $0x1  }
0x94: {  	[sflag:s4] =	ssyncset.done $0x0  }
0x95: {  	s17 =	sld [smem:$0x10];
	[sflag:s4] =	ssyncadd.s32 $0xFFFFFFFF  }
0x96: {  	s18 =	sld [smem:$0x11];
	(tm) =	ssettm $0x1  }
0x97: {  	s19 =	sld [smem:$0x3FFB];
	_ =	sdelay $0x3  }
0x98: {  	_ =	strace s19  }
0x99: {  	s5 =	sld [smem:$0x3FFC];
	_ =	sdelay $0x3  }
0x9a: {  	_ =	strace s5  }
0x9b: {  	s5 =	sld [smem:$0x3FFD];
	_ =	sdelay $0x3  }
0x9c: {  	_ =	strace s5  }
0x9d: {  	_ =	strace $0x8FFFFFFF  }
0x9e: {  	s20 =	sld [smem:$0x3FDB];
	_ =	sdelay $0x1  }
0x9f: {  	s6 =	simm.s32 $_scs_section_size  }
0xa0: {  	s7 =	simm.s32 $_size__tile_overlayer_lowered;
	s8 =	simm.s32 $_tile_overlayer_lowered  }
0xa1: {  	s23 =	simm.s32 $0x1BFF;
	s22 =	sshll.u32 s8, $0x1;
	s5 =	sadd.s32 s6, s20  }
0xa2: {  	s9 =	simm.s32 $0x0;
	s21 =	sshll.u32 s7, $0x1;
	s7 =	sadd.s32 s22, s5  }
0xa3: {  	[timem:s9], [sflag:s23] =	dma.local [hbm:s7], s21  }
0xa4: {  	_ =	swait.ge [sflag:s23], s21  }
0xa5: {  	s6 =	ssub.s32 $0x0, s21;
	[sflag:s23] =	ssyncset.done $0x0  }
0xa6: {  	[sflag:s23] =	ssyncadd.s32 s6;
	_ =	sdelay $0x1  }
0xa7: {  	s24 =	simm.s32 $0x1B8B  }
0xa8: {  	_ =	swait.ge [sflag:s24], $0x1  }
0xa9: {  	[sflag:s24] =	ssyncset.done $0x0  }
0xaa: {  	s25 =	simm.s32 $0x1B8E;
	[sflag:s24] =	ssyncadd.s32 $0xFFFFFFFF  }
0xab: {  	s26 =	simm.s32 $execute0_lowered;
	[smem:$0x3FD2] =	sst s25  }
0xac: {  	s6 =	sshll.u32 s26, $0x1;
	_ =	strace $0x80000046;
	[dreg:$0x1] =	wrdreg $0xFFFFFFFF  }
0xad: {  	s28 =	simm.s32 $_size_execute0_lowered;
	s5 =	sadd.s32 s5, s6;
	[dreg:$0x0] =	wrdreg $0x0  }
0xae: {  	s6 =	sshll.u32 s28, $0x1;
	[dreg:$0x2] =	wrdreg s5  }
0xaf: {  	[dreg:$0x3] =	wrdreg s6  }
0xb0: {  	[dreg:$0x4] =	wrdreg $0xC0  }
0xb1: {  	_ =	task [dreg:s9], $0x5FFFF  }
0xb2: {  	[dreg:$0x1] =	wrdreg $0xFFFFFFFF  }
0xb3: {  	[dreg:$0x0] =	wrdreg $0x60  }
0xb4: {  	[dreg:$0x2] =	wrdreg s16  }
0xb5: {  	[dreg:$0x3] =	wrdreg s18  }
0xb6: {  	[dreg:$0x4] =	wrdreg s17  }
0xb7: {  	[dreg:$0x5] =	wrdreg $0x9  }
0xb8: {  	_ =	task.clear_ibuf [dreg:s9], $0x6FFFF;
	_ =	strace $0x90000046  }
0xb9: {  	s29 =	simm.s32 $0x9;
	_ =	strace $0x80000048  }
0xba: {  	_ =	swait.ge [sflag:s29], $0x1  }
0xbb: {  	[sflag:s29] =	ssyncadd.s32 $0xFFFFFFFF  }
0xbc: {  	_ =	strace $0x90000048  }
0xbd: {  	_ =	sfence  }
0xbe: {  	s30 =	sld [smem:$0x0];
	_ =	sdelay $0x2  }
0xbf: {  	s31 =	sshll.u32 s1, $0xD;
	s1 =	sshrl.u32 s1, $0x2  }
0xc0: {  	s3 =	sand.u32 $0x4000, s31;
	s1 =	sadd.s32 s1, s30  }
0xc1: {  	s0 =	sor.u32 s3, s0;
	s1 =	sshll.u32 s1, $0x11  }
0xc2: {  	s0 =	sor.u32 s1, s0  }
0xc3: {  	s0 =	sadd.s32 $0x8F2B, s0  }
0xc4: {  	[sflag:s0] =	ssyncadd.remote.s32 $0x1  }
0xc5: {  	_ =	sfence.sel $0xFFFF  }
0xc6: {  	[dreg:$0x0] =	wrdreg $0xFFFFFFFF;
	(pc) =	sbr.abs _section_cstart, $3  }
0xc7: {  	[dreg:$0x1] =	wrdreg $0xFFFFFFFF  }
0xc8: {  	_ =	task.clear_ibuf [dreg:s9], $0x2FFFF;
	_ =	strace $0x9FFFFFFF  }
0xc9: {  	(tm) =	ssettm $0x7FFFFFFF  }
tec
execute0_lowered:
.L_overlay_start_1:
0x0: {  	(tag) =	ssettag $0x1  }
0x1: {  	s1 =	rddreg [dreg:$0x0];
	s0 =	srdreg.scid  }
0x2: {  	s2 =	stileid.u32;
	s4 =	rddreg [dreg:$0x2];
	s6 =	simm.s32 $0x0  }
0x3: {  	s17 =	simm.s32 $0x800;
	s18 =	simm.s32 $0x4800;
	s19 =	simm.s32 $0x8800  }
0x4: {  	s20 =	simm.s32 $0xC800;
	s22 =	simm.s32 $0x1;
	s8 =	simm.s32 $0x6  }
0x5: {  	s7 =	simm.s32 $0x16600;
	s21 =	simm.s32 $0x16A00;
	s12 =	simm.s32 $0x16E00  }
0x6: {  	s15 =	simm.s32 $0x17200;
	s13 =	simm.s32 $0x17600;
	s0 =	sand.u32 $0x1, s0  }
0x7: {  	s14 =	simm.s32 $0x17A00;
	s2 =	sshll.u32 s2, $0xA;
	s3 =	sshll.u32 s0, $0x9  }
0x8: {  	s28 =	simm.s32 $0x4;
	[smem:$0x7FF] =	sst s6;
	s5 =	sor.u32 s3, s2  }
0x9: {  	_ =	strace $0x80000047;
	s26 =	sor.u32 $0x20, s5;
	[dreg:$0x4] =	wrdreg s5  }
0xa: {  	s0 =	ssub.s32 $0x2, s0;
	s29 =	sor.u32 $0x28, s5;
	[dreg:$0x9] =	wrdreg s26  }
0xb: {  	s23 =	sshrl.u32 s0, $0x1;
	s30 =	sor.u32 $0x30, s5;
	[dreg:$0xa] =	wrdreg s29  }
0xc: {  	s2 =	sshll.u32 s5, $0x8;
	s31 =	sor.u32 $0x38, s5;
	[dreg:$0xb] =	wrdreg s30  }
0xd: {  	s0 =	ssub.s32 s0, s23;
	s2 =	sadd.s32 s1, s2;
	[dreg:$0xc] =	wrdreg s31  }
0xe: {  	s11 =	sadd.s32 $0x40, s4;
	s0 =	smax.u32 s0, $0x1;
	[dreg:$0x5] =	wrdreg s2  }
.Ltmp0:
0xf: {  	s24 =	sadd.s32 $0x800, s2;
	[dreg:$0xd] =	wrdreg s0;
	(pc) =	sbr.rel .LBB2_1-.Ltmp0, $4  }
0x10: {  	s3 =	simm.s32 $0x2;
	s25 =	sadd.s32 $0x1000, s2;
	[dreg:$0x6] =	wrdreg s24  }
0x11: {  	s5 =	simm.s32 $0x17E00;
	s2 =	sadd.s32 $0x1800, s2;
	[dreg:$0x7] =	wrdreg s25  }
0x12: {  	s23 =	simm.s32 $0x18200;
	s26 =	simm.s32 $0x5;
	[dreg:$0x8] =	wrdreg s2  }
0x13: {  	s24 =	simm.s32 $0x18600;
	s25 =	simm.s32 $0x3;
	s2 =	simm.s32 $0x0  }
.LBB2_24:
0x14: {  	_ =	swait.ge [sflag:s26], $0x4000  }
0x15: {  	[sflag:s26] =	ssyncset.done $0x0  }
0x16: {  	[sflag:s26] =	ssyncadd.s32 $0xFFFFC000  }
0x17: {  	_ =	swait.ge [sflag:s8], $0x4000  }
0x18: {  	s2 =	rddreg [dreg:$0xe]  }
0x19: {  	s0 =	rddreg [dreg:$0xd];
	s2 =	sadd.s32 $0x1, s2  }
0x1a: {  	p0 =	sne.s32 s2, s0  }
.Ltmp1:
0x1b: {  	_ = 	snop;
	(pc) =	sbr.rel @!p0 .LBB2_25-.Ltmp1, $3  }
0x1c: {  	_ =	sdelay $0x1  }
0x1d: {  	[sflag:s8] =	ssyncset.done $0x0  }
0x1e: {  	[sflag:s8] =	ssyncadd.s32 $0xFFFFC000  }
.LBB2_1:
0x1f: {  	[dreg:$0xe] =	wrdreg s2  }
0x20: {  	s0 =	rddreg [dreg:$0x5]  }
0x21: {  	[tilespmem:s17], [sflag:$0x1] =	stream.linear.gather [hbm4b:s0+s6], $0x4000, $0x38;
	[tilespmem:$0x18800] =	vst v63  }
0x22: {  	s9 =	rddreg [dreg:$0x6]  }
0x23: {  	[tilespmem:s18], [sflag:$0x2] =	stream.linear.gather [hbm4b:s9+s6], $0x4000, $0x38;
	[tilespmem:$0x18800] =	vst v63  }
0x24: {  	s10 =	rddreg [dreg:$0x7]  }
0x25: {  	[tilespmem:s19], [sflag:$0x3] =	stream.linear.gather [hbm4b:s10+s6], $0x4000, $0x38;
	[tilespmem:$0x18800] =	vst v63  }
0x26: {  	s16 =	rddreg [dreg:$0x8]  }
0x27: {  	[tilespmem:s20], [sflag:$0x4] =	stream.linear.gather [hbm4b:s16+s6], $0x4000, $0x38;
	[tilespmem:$0x18800] =	vst v63  }
0x28: {  	s30 =	rddreg [dreg:$0x1];
	s31 =	simm.s32 $0x7  }
0x29: {  	[tilespmem:s6], [sflag:$0x7] =	stream.linear.gather [hbm4b:s30+s6], $0x800, $0x38;
	[tilespmem:$0x18800] =	vst v63  }
0x2a: {  	_ =	swait.ge [sflag:s31], $0x800  }
0x2b: {  	[sflag:s31] =	ssyncset.done $0x0  }
0x2c: {  	s29 =	simm.s32 $0x0;
	[sflag:s31] =	ssyncadd.s32 $0xFFFFF800  }
.LBB2_2:
0x2d: {  	_ =	swait.ge [sflag:s22], $0x4000  }
0x2e: {  	p0 =	seq.s32 s29, $0x0;
	[sflag:s22] =	ssyncset.done $0x0  }
0x2f: {  	s0 =	simm.s32 @!p0 $0x5;
	[sflag:s22] =	ssyncadd.s32 $0xFFFFC000  }
0x30: {  	_ =	swait.ge @!p0 [sflag:s0], $0x4000  }
0x31: {  	[sflag:s0] =	ssyncset.done @!p0 $0x0  }
0x32: {  	s31 =	simm.s32 $0x40;
	[sflag:s0] =	ssyncadd.s32 @!p0 $0xFFFFC000  }
0x33: {  	v0 =	vld [tilespmem:s31+$0xFFFFFFC0]  }
0x34: {  	v1 =	vld [tilespmem:s31+$0x10]  }
0x35: {  	v3 =	vld [tilespmem:s31+$0xFFFFFFE0]  }
0x36: {  	v2 =	vld [tilespmem:s31+$0x0];
	_ =	sdelay $0x1  }
0x37: {  	v6 =	vld [tilespmem:s31+$0x20]  }
0x38: {  	v7 =	vld [tilespmem:s31+$0xFFFFFFF0];
	v4 =	vshll.u32 v0, $0x3;
	v0 =	vand.u32 $0x7F, v0;
	v5 =	vshll.u32 v1, $0x3  }
0x39: {  	v1 =	vand.u32 $0x7F, v1;
	v9 =	vshll.u32 v3, $0x3;
	v4 =	vand.u32 $0xFFFFFC00, v4  }
0x3a: {  	v8 =	vld [tilespmem:s31+$0xFFFFFFD0];
	v3 =	vand.u32 $0x7F, v3;
	v4 =	vor.u32 v0, v4;
	v0 =	vshll.u32 v2, $0x3  }
0x3b: {  	v5 =	vand.u32 $0xFFFFFC00, v5;
	v2 =	vand.u32 $0x7F, v2;
	v0 =	vand.u32 $0xFFFFFC00, v0  }
0x3c: {  	v5 =	vor.u32 v1, v5;
	v0 =	vor.u32 v2, v0;
	v2 =	vand.u32 $0xFFFFFC00, v9;
	v9 =	vld [tilespmem:s31+$0x30]  }
0x3d: {  	v11 =	vand.u32 $0x7F, v7;
	v2 =	vor.u32 v3, v2;
	v3 =	vshll.u32 v6, $0x3  }
0x3e: {  	v1 =	vand.u32 $0x7F, v6;
	v12 =	vor.u32 $0x80, v4;
	v3 =	vand.u32 $0xFFFFFC00, v3  }
0x3f: {  	v6 =	vshll.u32 v7, $0x3;
	v10 =	vld.idx.msk [tilespmem:v4+s17+$0x0], $0xffff;
	v1 =	vor.u32 v1, v3;
	v3 =	vshll.u32 v8, $0x3  }
0x40: {  	v6 =	vand.u32 $0xFFFFFC00, v6;
	v8 =	vand.u32 $0x7F, v8;
	v3 =	vand.u32 $0xFFFFFC00, v3  }
0x41: {  	v6 =	vor.u32 v11, v6;
	v17 =	vld.idx.msk [tilespmem:v5+s17+$0x0], $0xffff;
	v7 =	vor.u32 v8, v3;
	v3 =	vshll.u32 v9, $0x3  }
0x42: {  	v13 =	vld.idx.msk [tilespmem:v0+s17+$0x0], $0xffff;
	v8 =	vand.u32 $0x7F, v9;
	v3 =	vand.u32 $0xFFFFFC00, v3  }
0x43: {  	s0 =	simm.s32 $0x10900;
	v11 =	vld.idx.msk [tilespmem:v2+s17+$0x0], $0xffff;
	v3 =	vor.u32 v8, v3  }
0x44: {  	v20 =	vor.u32 $0x80, v0;
	[tilespmem:s0+$0xFFFFFF00] =	vst v10;
	v9 =	vld.idx.msk [tilespmem:v1+s17+$0x0], $0xffff  }
0x45: {  	v18 =	vld.idx.msk [tilespmem:v12+s17+$0x0], $0xffff;
	v12 =	vor.u32 $0x80, v5  }
0x46: {  	s30 =	sshll.u32 s29, $0x5;
	v15 =	vor.u32 $0x80, v2;
	v16 =	vld.idx.msk [tilespmem:v6+s17+$0x0], $0xffff  }
0x47: {  	s2 =	simm.s32 $0x0;
	s9 =	simm.s32 $0xC0;
	s10 =	simm.s32 $0x10900;
	v14 =	vor.u32 $0x80, v7;
	v8 =	vor.u32 $0x80, v3;
	v10 =	vor.u32 $0x80, v1;
	v19 =	vld.idx.msk [tilespmem:v7+s17+$0x0], $0xffff  }
.LBB2_3:
0x48: {  	s2 =	sadd.s32 $0x8, s2;
	[tilespmem:s0+$0xFFFFFF40] =	vst v13;
	v13 =	vld.idx.msk [tilespmem:v3+s17+$0x0], $0xffff;
	s10 =	sadd.s32 $0x400, s10  }
0x49: {  	p1 =	slt.u32 s2, $0x78;
	v20 =	vld.idx.msk [tilespmem:v20+s17+$0x0], $0xffff;
	[tilespmem:s0+$0xFFFFFF50] =	vst v17  }
0x4a: {  	v17 =	vor.u32 $0x100, v4;
	v12 =	vld.idx.msk [tilespmem:v12+s17+$0x0], $0xffff  }
0x4b: {  	v21 =	vld [tilespmem:s9+$0x10];
	[tilespmem:s0+$0xFFFFFF80] =	vst v18  }
0x4c: {  	v18 =	vld [tilespmem:s9+$0xFFFFFFE0];
	[tilespmem:s0+$0xFFFFFF10] =	vst v19;
	v19 =	vor.u32 $0x80, v6  }
0x4d: {  	v14 =	vld.idx.msk [tilespmem:v14+s17+$0x0], $0xffff;
	[tilespmem:s0+$0xFFFFFF20] =	vst v11  }
0x4e: {  	v11 =	vld.idx.msk [tilespmem:v15+s17+$0x0], $0xffff;
	[tilespmem:s0+$0xFFFFFF70] =	vst v13  }
0x4f: {  	v13 =	vld.idx.msk [tilespmem:v17+s17+$0x0], $0xffff;
	[tilespmem:s0+$0xFFFFFFC0] =	vst v20  }
0x50: {  	v15 =	vld [tilespmem:s9+$0xFFFFFFF0];
	[tilespmem:s0+$0xFFFFFF30] =	vst v16  }
0x51: {  	v16 =	vld.idx.msk [tilespmem:v19+s17+$0x0], $0xffff;
	[tilespmem:s0+$0xFFFFFFD0] =	vst v12  }
0x52: {  	v12 =	vld [tilespmem:s9+$0xFFFFFFC0];
	[tilespmem:s0+$0xFFFFFF60] =	vst v9  }
0x53: {  	[tilespmem:s0+$0xFFFFFF90] =	vst v14;
	v8 =	vld.idx.msk [tilespmem:v8+s17+$0x0], $0xffff  }
0x54: {  	v9 =	vld [tilespmem:s9+$0x20];
	[tilespmem:s0+$0xFFFFFFA0] =	vst v11;
	v11 =	vor.u32 $0x100, v5  }
0x55: {  	v14 =	vld [tilespmem:s9+$0x30];
	[tilespmem:s0+$0x0] =	vst v13;
	v13 =	vor.u32 $0x100, v7  }
0x56: {  	v19 =	vor.u32 $0x100, v6;
	v17 =	vld [tilespmem:s9+$0xFFFFFFD0]  }
0x57: {  	v20 =	vor.u32 $0x180, v4;
	[tilespmem:s0+$0xFFFFFFB0] =	vst v16;
	v10 =	vld.idx.msk [tilespmem:v10+s17+$0x0], $0xffff  }
0x58: {  	v22 =	vor.u32 $0x100, v2;
	v23 =	vor.u32 $0x180, v5;
	v5 =	vor.u32 $0x100, v1;
	v16 =	vld [tilespmem:s9+$0x0]  }
0x59: {  	v24 =	vor.u32 $0x100, v0;
	v4 =	vshll.u32 v12, $0x3;
	v11 =	vld.idx.msk [tilespmem:v11+s17+$0x0], $0xffff;
	[tilespmem:s0+$0xFFFFFFF0] =	vst v8;
	v8 =	vor.u32 $0x100, v3  }
0x5a: {  	v4 =	vand.u32 $0xFFFFFC00, v4;
	v25 =	vand.u32 $0x7F, v14;
	v14 =	vshll.u32 v14, $0x3;
	v13 =	vld.idx.msk [tilespmem:v13+s17+$0x0], $0xffff  }
0x5b: {  	v6 =	vor.u32 $0x180, v6;
	v12 =	vand.u32 $0x7F, v12;
	v14 =	vand.u32 $0xFFFFFC00, v14;
	v19 =	vld.idx.msk [tilespmem:v19+s17+$0x0], $0xffff  }
0x5c: {  	v7 =	vor.u32 $0x180, v7;
	v4 =	vor.u32 v12, v4;
	v12 =	vshll.u32 v21, $0x3;
	v20 =	vld.idx.msk [tilespmem:v20+s17+$0x0], $0xffff  }
0x5d: {  	v26 =	vshll.u32 v15, $0x3;
	v14 =	vor.u32 v25, v14;
	v27 =	vshll.u32 v16, $0x3;
	v22 =	vld.idx.msk [tilespmem:v22+s17+$0x0], $0xffff;
	[tilespmem:s0+$0xFFFFFFE0] =	vst v10  }
0x5e: {  	v21 =	vand.u32 $0x7F, v21;
	v10 =	vand.u32 $0xFFFFFC00, v26;
	v16 =	vand.u32 $0x7F, v16;
	v25 =	vld.idx.msk [tilespmem:v5+s17+$0x0], $0xffff  }
0x5f: {  	v12 =	vand.u32 $0xFFFFFC00, v12;
	v26 =	vor.u32 $0x180, v2;
	v5 =	vand.u32 $0xFFFFFC00, v27;
	[tilespmem:s0+$0x50] =	vst v11;
	v8 =	vld.idx.msk [tilespmem:v8+s17+$0x0], $0xffff  }
0x60: {  	v2 =	vshll.u32 v18, $0x3;
	v11 =	vor.u32 v16, v5;
	v5 =	vor.u32 v21, v12;
	[tilespmem:s0+$0x10] =	vst v13;
	v12 =	vld.idx.msk [tilespmem:v24+s17+$0x0], $0xffff  }
0x61: {  	v2 =	vand.u32 $0xFFFFFC00, v2;
	v13 =	vor.u32 $0x180, v3;
	v3 =	vmov v14;
	v7 =	vld.idx.msk [tilespmem:v7+s17+$0x0], $0xffff;
	[tilespmem:s0+$0x30] =	vst v19  }
0x62: {  	v14 =	vand.u32 $0x7F, v18;
	v18 =	vor.u32 $0x180, v0;
	v0 =	vmovc v11;
	v19 =	vor.u32 $0x180, v1;
	[tilespmem:s0+$0x80] =	vst v20;
	v16 =	vld.idx.msk [tilespmem:v6+s17+$0x0], $0xffff  }
0x63: {  	v21 =	vor.u32 $0x80, v4;
	v2 =	vor.u32 v14, v2;
	v1 =	vand.u32 $0x7F, v15;
	[tilespmem:s0+$0x20] =	vst v22;
	v11 =	vld.idx.msk [tilespmem:v23+s17+$0x0], $0xffff  }
0x64: {  	v6 =	vor.u32 v1, v10;
	v1 =	vshll.u32 v9, $0x3;
	v10 =	vld.idx.msk [tilespmem:v26+s17+$0x0], $0xffff;
	[tilespmem:s0+$0x60] =	vst v25  }
0x65: {  	v9 =	vand.u32 $0x7F, v9;
	v1 =	vand.u32 $0xFFFFFC00, v1;
	v15 =	vld.idx.msk [tilespmem:v4+s17+$0x0], $0xffff;
	[tilespmem:s0+$0x70] =	vst v8  }
0x66: {  	v1 =	vor.u32 v9, v1;
	[tilespmem:s0+$0x40] =	vst v12;
	v22 =	vld.idx.msk [tilespmem:v13+s17+$0x0], $0xffff  }
0x67: {  	v8 =	vshll.u32 v17, $0x3;
	v12 =	vor.u32 $0x80, v5;
	v13 =	vld.idx.msk [tilespmem:v0+s17+$0x0], $0xffff;
	[tilespmem:s0+$0x90] =	vst v7  }
0x68: {  	v9 =	vand.u32 $0xFFFFFC00, v8;
	v8 =	vor.u32 $0x80, v3;
	v7 =	vand.u32 $0x7F, v17;
	[tilespmem:s0+$0xB0] =	vst v16;
	v16 =	vld.idx.msk [tilespmem:v18+s17+$0x0], $0xffff  }
0x69: {  	v7 =	vor.u32 v7, v9;
	[tilespmem:s0+$0xD0] =	vst v11;
	v23 =	vld.idx.msk [tilespmem:v19+s17+$0x0], $0xffff  }
0x6a: {  	v14 =	vor.u32 $0x80, v7;
	v11 =	vld.idx.msk [tilespmem:v2+s17+$0x0], $0xffff  }
.Ltmp2:
0x6b: {  	[tilespmem:s10+$0xFFFFFF00] =	vst v15;
	v15 =	vor.u32 $0x80, v2;
	v17 =	vld.idx.msk [tilespmem:v5+s17+$0x0], $0xffff;
	(pc) =	sbr.rel @p1 .LBB2_3-.Ltmp2, $4  }
0x6c: {  	v20 =	vor.u32 $0x80, v0;
	v9 =	vld.idx.msk [tilespmem:v1+s17+$0x0], $0xffff;
	[tilespmem:s0+$0xF0] =	vst v22  }
0x6d: {  	v18 =	vld.idx.msk [tilespmem:v21+s17+$0x0], $0xffff;
	[tilespmem:s0+$0xA0] =	vst v10  }
0x6e: {  	v19 =	vld.idx.msk [tilespmem:v7+s17+$0x0], $0xffff;
	[tilespmem:s0+$0xC0] =	vst v16  }
0x6f: {  	s9 =	sadd.s32 $0x80, s9;
	v10 =	vor.u32 $0x80, v1;
	v16 =	vld.idx.msk [tilespmem:v6+s17+$0x0], $0xffff;
	[tilespmem:s0+$0xE0] =	vst v23;
	s0 =	smov.u32 s10  }
0x70: {  	_ =	sdelay $0x2  }
0x71: {  	[tilespmem:s0+$0xFFFFFF40] =	vst v13  }
0x72: {  	v13 =	vld.idx.msk [tilespmem:v3+s17+$0x0], $0xffff;
	[tilespmem:s0+$0xFFFFFF50] =	vst v17  }
0x73: {  	v43 =	vor.u32 $0x80, v6;
	[tilespmem:s0+$0xFFFFFF20] =	vst v11  }
0x74: {  	v44 =	vor.u32 $0x100, v4;
	v12 =	vld.idx.msk [tilespmem:v12+s17+$0x0], $0xffff;
	[tilespmem:s0+$0xFFFFFF60] =	vst v9  }
0x75: {  	v42 =	vld.idx.msk [tilespmem:v20+s17+$0x0], $0xffff;
	[tilespmem:s0+$0xFFFFFF10] =	vst v19  }
0x76: {  	v11 =	vld.idx.msk [tilespmem:v14+s17+$0x0], $0xffff;
	[tilespmem:s0+$0xFFFFFF30] =	vst v16  }
0x77: {  	v14 =	vor.u32 $0x100, v5;
	[tilespmem:s0+$0xFFFFFF70] =	vst v13;
	v13 =	vld.idx.msk [tilespmem:v15+s17+$0x0], $0xffff  }
0x78: {  	v45 =	vor.u32 $0x100, v7;
	[tilespmem:s0+$0xFFFFFF80] =	vst v18;
	v15 =	vld.idx.msk [tilespmem:v43+s17+$0x0], $0xffff  }
0x79: {  	v46 =	vld.idx.msk [tilespmem:v44+s17+$0x0], $0xffff;
	[tilespmem:s0+$0xFFFFFFD0] =	vst v12;
	v12 =	vor.u32 $0x100, v6  }
0x7a: {  	v4 =	vor.u32 $0x180, v4;
	v9 =	vld.idx.msk [tilespmem:v10+s17+$0x0], $0xffff;
	[tilespmem:s0+$0xFFFFFFC0] =	vst v42  }
0x7b: {  	v10 =	vor.u32 $0x100, v2;
	v8 =	vld.idx.msk [tilespmem:v8+s17+$0x0], $0xffff;
	[tilespmem:s0+$0xFFFFFF90] =	vst v11  }
0x7c: {  	v11 =	vld.idx.msk [tilespmem:v14+s17+$0x0], $0xffff;
	v14 =	vor.u32 $0x100, v1;
	[tilespmem:s0+$0xFFFFFFA0] =	vst v13  }
0x7d: {  	v13 =	vor.u32 $0x100, v3;
	[tilespmem:s0+$0xFFFFFFB0] =	vst v15;
	v15 =	vld.idx.msk [tilespmem:v45+s17+$0x0], $0xffff  }
0x7e: {  	v47 =	vor.u32 $0x100, v0;
	[tilespmem:s0+$0x0] =	vst v46;
	v12 =	vld.idx.msk [tilespmem:v12+s17+$0x0], $0xffff  }
0x7f: {  	v5 =	vor.u32 $0x180, v5;
	[tilespmem:s0+$0xFFFFFFE0] =	vst v9;
	v4 =	vld.idx.msk [tilespmem:v4+s17+$0x0], $0xffff  }
0x80: {  	v7 =	vor.u32 $0x180, v7;
	[tilespmem:s0+$0xFFFFFFF0] =	vst v8;
	v8 =	vld.idx.msk [tilespmem:v10+s17+$0x0], $0xffff  }
0x81: {  	v6 =	vor.u32 $0x180, v6;
	[tilespmem:s0+$0x50] =	vst v11;
	v10 =	vld.idx.msk [tilespmem:v14+s17+$0x0], $0xffff  }
0x82: {  	v2 =	vor.u32 $0x180, v2;
	v9 =	vld.idx.msk [tilespmem:v13+s17+$0x0], $0xffff;
	[tilespmem:s0+$0x10] =	vst v15  }
0x83: {  	v3 =	vor.u32 $0x180, v3;
	v11 =	vld.idx.msk [tilespmem:v47+s17+$0x0], $0xffff;
	[tilespmem:s0+$0x30] =	vst v12  }
0x84: {  	v5 =	vld.idx.msk [tilespmem:v5+s17+$0x0], $0xffff;
	[tilespmem:s0+$0x80] =	vst v4  }
0x85: {  	v7 =	vld.idx.msk [tilespmem:v7+s17+$0x0], $0xffff;
	[tilespmem:s0+$0x20] =	vst v8  }
0x86: {  	v0 =	vor.u32 $0x180, v0;
	v4 =	vld.idx.msk [tilespmem:v6+s17+$0x0], $0xffff;
	[tilespmem:s0+$0x60] =	vst v10  }
0x87: {  	v1 =	vor.u32 $0x180, v1;
	v2 =	vld.idx.msk [tilespmem:v2+s17+$0x0], $0xffff;
	[tilespmem:s0+$0x70] =	vst v9  }
0x88: {  	[tilespmem:s0+$0x40] =	vst v11;
	v3 =	vld.idx.msk [tilespmem:v3+s17+$0x0], $0xffff  }
0x89: {  	[tilespmem:s0+$0xD0] =	vst v5  }
0x8a: {  	[tilespmem:s0+$0x90] =	vst v7  }
0x8b: {  	v0 =	vld.idx.msk [tilespmem:v0+s17+$0x0], $0xffff;
	[tilespmem:s0+$0xB0] =	vst v4  }
0x8c: {  	v1 =	vld.idx.msk [tilespmem:v1+s17+$0x0], $0xffff;
	[tilespmem:s0+$0xA0] =	vst v2  }
0x8d: {  	[tilespmem:s0+$0xF0] =	vst v3  }
0x8e: {  	s2 =	rddreg [dreg:$0x4]  }
0x8f: {  	s2 =	sor.u32 s2, s30  }
0x90: {  	[tilespmem:s0+$0xC0] =	vst v0;
	s31 =	sshll.u32 s2, $0x8  }
0x91: {  	s10 =	simm.s32 $0x10800;
	[tilespmem:s0+$0xE0] =	vst v1;
	s0 =	sadd.s32 s4, s31  }
0x92: {  	[hbm4b:s0+s6] =	stream.linear.scatter [tilespmem:s10], [sflag:$0x5], $0x200, $0x38;
	[tilespmem:$0x18800] =	vst v63  }
0x93: {  	s9 =	simm.s32 $0x10C00;
	s16 =	sadd.s32 $0x80, s0  }
0x94: {  	[hbm4b:s16+s6] =	stream.linear.scatter [tilespmem:s9], [sflag:$0x5], $0x200, $0x38;
	[tilespmem:$0x18800] =	vst v63  }
0x95: {  	s10 =	sadd.s32 $0x100, s0;
	s16 =	simm.s32 $0x11000  }
0x96: {  	[hbm4b:s10+s6] =	stream.linear.scatter [tilespmem:s16], [sflag:$0x5], $0x200, $0x38;
	[tilespmem:$0x18800] =	vst v63  }
0x97: {  	s10 =	sadd.s32 $0x180, s0;
	s16 =	simm.s32 $0x11400  }
0x98: {  	[hbm4b:s10+s6] =	stream.linear.scatter [tilespmem:s16], [sflag:$0x5], $0x200, $0x38;
	[tilespmem:$0x18800] =	vst v63  }
0x99: {  	s10 =	sadd.s32 $0x200, s0;
	s16 =	simm.s32 $0x11800  }
0x9a: {  	[hbm4b:s10+s6] =	stream.linear.scatter [tilespmem:s16], [sflag:$0x5], $0x200, $0x38;
	[tilespmem:$0x18800] =	vst v63  }
0x9b: {  	s10 =	sadd.s32 $0x280, s0;
	s16 =	simm.s32 $0x11C00  }
0x9c: {  	[hbm4b:s10+s6] =	stream.linear.scatter [tilespmem:s16], [sflag:$0x5], $0x200, $0x38;
	[tilespmem:$0x18800] =	vst v63  }
0x9d: {  	s10 =	sadd.s32 $0x300, s0;
	s16 =	simm.s32 $0x12000  }
0x9e: {  	[hbm4b:s10+s6] =	stream.linear.scatter [tilespmem:s16], [sflag:$0x5], $0x200, $0x38;
	[tilespmem:$0x18800] =	vst v63  }
0x9f: {  	s10 =	sadd.s32 $0x380, s0;
	s16 =	simm.s32 $0x12400  }
0xa0: {  	[hbm4b:s10+s6] =	stream.linear.scatter [tilespmem:s16], [sflag:$0x5], $0x200, $0x38;
	[tilespmem:$0x18800] =	vst v63  }
0xa1: {  	s10 =	sadd.s32 $0x400, s0;
	s16 =	simm.s32 $0x12800  }
0xa2: {  	[hbm4b:s10+s6] =	stream.linear.scatter [tilespmem:s16], [sflag:$0x5], $0x200, $0x38;
	[tilespmem:$0x18800] =	vst v63  }
0xa3: {  	s10 =	sadd.s32 $0x480, s0;
	s16 =	simm.s32 $0x12C00  }
0xa4: {  	[hbm4b:s10+s6] =	stream.linear.scatter [tilespmem:s16], [sflag:$0x5], $0x200, $0x38;
	[tilespmem:$0x18800] =	vst v63  }
0xa5: {  	s10 =	sadd.s32 $0x500, s0;
	s16 =	simm.s32 $0x13000  }
0xa6: {  	[hbm4b:s10+s6] =	stream.linear.scatter [tilespmem:s16], [sflag:$0x5], $0x200, $0x38;
	[tilespmem:$0x18800] =	vst v63  }
0xa7: {  	s10 =	sadd.s32 $0x580, s0;
	s16 =	simm.s32 $0x13400  }
0xa8: {  	[hbm4b:s10+s6] =	stream.linear.scatter [tilespmem:s16], [sflag:$0x5], $0x200, $0x38;
	[tilespmem:$0x18800] =	vst v63  }
0xa9: {  	s10 =	sadd.s32 $0x600, s0;
	s16 =	simm.s32 $0x13800  }
0xaa: {  	[hbm4b:s10+s6] =	stream.linear.scatter [tilespmem:s16], [sflag:$0x5], $0x200, $0x38;
	[tilespmem:$0x18800] =	vst v63  }
0xab: {  	s10 =	sadd.s32 $0x680, s0;
	s16 =	simm.s32 $0x13C00  }
0xac: {  	[hbm4b:s10+s6] =	stream.linear.scatter [tilespmem:s16], [sflag:$0x5], $0x200, $0x38;
	[tilespmem:$0x18800] =	vst v63  }
0xad: {  	s10 =	sadd.s32 $0x700, s0;
	s16 =	simm.s32 $0x14000  }
0xae: {  	[hbm4b:s10+s6] =	stream.linear.scatter [tilespmem:s16], [sflag:$0x5], $0x200, $0x38;
	[tilespmem:$0x18800] =	vst v63  }
0xaf: {  	s0 =	sadd.s32 $0x780, s0;
	s10 =	simm.s32 $0x14400;
	s16 =	simm.s32 $0x40  }
0xb0: {  	[hbm4b:s0+s6] =	stream.linear.scatter [tilespmem:s10], [sflag:$0x5], $0x200, $0x38;
	[tilespmem:$0x18800] =	vst v63  }
0xb1: {  	v0 =	vld [tilespmem:s16+$0x30];
	_ =	sdelay $0x3  }
0xb2: {  	v2 =	vld [tilespmem:s16+$0xFFFFFFC0]  }
0xb3: {  	v1 =	vshll.u32 v0, $0x3  }
0xb4: {  	v0 =	vand.u32 $0x7F, v0;
	v1 =	vand.u32 $0xFFFFFC00, v1  }
0xb5: {  	v1 =	vor.u32 v0, v1  }
0xb6: {  	v0 =	vor.u32 $0x200, v1  }
0xb7: {  	v4 =	vshll.u32 v2, $0x3  }
0xb8: {  	v9 =	vld [tilespmem:s16+$0xFFFFFFF0];
	v2 =	vand.u32 $0x7F, v2;
	v4 =	vand.u32 $0xFFFFFC00, v4  }
0xb9: {  	v4 =	vor.u32 v2, v4;
	v2 =	vld [tilespmem:s16+$0x10]  }
0xba: {  	v5 =	vld [tilespmem:s16+$0xFFFFFFD0]  }
0xbb: {  	v0 =	vld.idx.msk [tilespmem:v0+s17+$0x0], $0xffff  }
0xbc: {  	v3 =	vor.u32 $0x280, v1;
	_ =	sdelay $0x1  }
0xbd: {  	v6 =	vld [tilespmem:s16+$0x0];
	v48 =	vand.u32 $0x7F, v9;
	v12 =	vshll.u32 v2, $0x3  }
0xbe: {  	s2 =	simm.s32 $0x10BF0;
	v7 =	vld [tilespmem:s16+$0x20];
	v9 =	vshll.u32 v9, $0x3;
	v2 =	vand.u32 $0x7F, v2;
	v12 =	vand.u32 $0xFFFFFC00, v12  }
0xbf: {  	v10 =	vld [tilespmem:s16+$0xFFFFFFE0];
	v49 =	vshll.u32 v5, $0x3;
	v12 =	vor.u32 v2, v12;
	[tilespmem:s2+$0xFFFFFE80] =	vst v0;
	v0 =	vor.u32 $0x200, v4  }
0xc0: {  	s9 =	simm.s32 $0xC0;
	v5 =	vand.u32 $0x7F, v5;
	v9 =	vand.u32 $0xFFFFFC00, v9;
	v15 =	vor.u32 $0x200, v12;
	v3 =	vld.idx.msk [tilespmem:v3+s17+$0x0], $0xffff  }
0xc1: {  	v51 =	vld [tilespmem:s9+$0x30];
	v17 =	vand.u32 $0xFFFFFC00, v49;
	v9 =	vor.u32 v48, v9;
	v8 =	vor.u32 $0x300, v1  }
0xc2: {  	v22 =	vld [tilespmem:s9+$0xFFFFFFC0];
	v17 =	vor.u32 v5, v17;
	v5 =	vor.u32 $0x200, v9  }
0xc3: {  	v14 =	vor.u32 $0x380, v1;
	v1 =	vld [tilespmem:s9+$0x0]  }
0xc4: {  	v11 =	vld.idx.msk [tilespmem:v0+s17+$0x0], $0xffff  }
0xc5: {  	v13 =	vor.u32 $0x280, v4;
	v15 =	vld.idx.msk [tilespmem:v15+s17+$0x0], $0xffff;
	[tilespmem:s2+$0xFFFFFF00] =	vst v3;
	v3 =	vshll.u32 v7, $0x3  }
0xc6: {  	v21 =	vor.u32 $0x280, v12;
	v7 =	vand.u32 $0x7F, v7;
	v8 =	vld.idx.msk [tilespmem:v8+s17+$0x0], $0xffff;
	v3 =	vand.u32 $0xFFFFFC00, v3  }
0xc7: {  	v5 =	vld.idx.msk [tilespmem:v5+s17+$0x0], $0xffff;
	v7 =	vor.u32 v7, v3  }
0xc8: {  	v2 =	vld [tilespmem:s9+$0x10];
	v50 =	vor.u32 $0x200, v7  }
0xc9: {  	v0 =	vld [tilespmem:s9+$0xFFFFFFD0];
	[tilespmem:s2+$0xFFFFFE10] =	vst v11;
	v11 =	vshll.u32 v6, $0x3  }
0xca: {  	v52 =	vor.u32 $0x200, v17;
	[tilespmem:s2+$0xFFFFFE60] =	vst v15;
	v6 =	vand.u32 $0x7F, v6;
	v13 =	vld.idx.msk [tilespmem:v13+s17+$0x0], $0xffff;
	v11 =	vand.u32 $0xFFFFFC00, v11  }
0xcb: {  	v21 =	vld.idx.msk [tilespmem:v21+s17+$0x0], $0xffff;
	[tilespmem:s2+$0xFFFFFF80] =	vst v8;
	v6 =	vor.u32 v6, v11;
	v8 =	vor.u32 $0x300, v4  }
0xcc: {  	v11 =	vld.idx.msk [tilespmem:v14+s17+$0x0], $0xffff;
	v14 =	vshll.u32 v10, $0x3;
	v53 =	vor.u32 $0x200, v6  }
0xcd: {  	v55 =	vor.u32 $0x300, v12;
	v10 =	vand.u32 $0x7F, v10;
	v18 =	vld.idx.msk [tilespmem:v50+s17+$0x0], $0xffff;
	v14 =	vand.u32 $0xFFFFFC00, v14  }
0xce: {  	v3 =	vld [tilespmem:s9+$0x20];
	v10 =	vor.u32 v10, v14;
	v14 =	vor.u32 $0x280, v7  }
0xcf: {  	v23 =	vor.u32 $0x200, v10;
	[tilespmem:s2+$0xFFFFFE90] =	vst v13;
	v13 =	vld.idx.msk [tilespmem:v52+s17+$0x0], $0xffff  }
0xd0: {  	v54 =	vor.u32 $0x280, v9;
	[tilespmem:s2+$0xFFFFFE40] =	vst v5;
	v8 =	vld.idx.msk [tilespmem:v8+s17+$0x0], $0xffff  }
0xd1: {  	v15 =	vor.u32 $0x280, v17;
	[tilespmem:s2+$0xFFFFFEE0] =	vst v21;
	v20 =	vld.idx.msk [tilespmem:v53+s17+$0x0], $0xffff  }
0xd2: {  	v4 =	vor.u32 $0x380, v4;
	[tilespmem:s2+$0xFFFFFE70] =	vst v18;
	v18 =	vld.idx.msk [tilespmem:v55+s17+$0x0], $0xffff  }
0xd3: {  	[tilespmem:s2+$0x0] =	vst v11;
	v11 =	vor.u32 $0x280, v6;
	v14 =	vld.idx.msk [tilespmem:v14+s17+$0x0], $0xffff  }
0xd4: {  	v56 =	vor.u32 $0x300, v7;
	v23 =	vld.idx.msk [tilespmem:v23+s17+$0x0], $0xffff;
	[tilespmem:s2+$0xFFFFFE20] =	vst v13  }
0xd5: {  	v5 =	vshll.u32 v51, $0x3;
	v24 =	vor.u32 $0x280, v10;
	v13 =	vld.idx.msk [tilespmem:v54+s17+$0x0], $0xffff;
	[tilespmem:s2+$0xFFFFFF10] =	vst v8  }
0xd6: {  	v57 =	vor.u32 $0x300, v9;
	v5 =	vand.u32 $0xFFFFFC00, v5;
	v8 =	vld.idx.msk [tilespmem:v15+s17+$0x0], $0xffff;
	v15 =	vand.u32 $0x7F, v51;
	[tilespmem:s2+$0xFFFFFE50] =	vst v20  }
0xd7: {  	v4 =	vld.idx.msk [tilespmem:v4+s17+$0x0], $0xffff;
	v5 =	vor.u32 v15, v5;
	v15 =	vor.u32 $0x300, v17;
	[tilespmem:s2+$0xFFFFFF60] =	vst v18  }
0xd8: {  	v12 =	vor.u32 $0x380, v12;
	v11 =	vld.idx.msk [tilespmem:v11+s17+$0x0], $0xffff;
	[tilespmem:s2+$0xFFFFFEF0] =	vst v14  }
0xd9: {  	v58 =	vor.u32 $0x200, v5;
	[tilespmem:s2+$0xFFFFFE30] =	vst v23;
	v19 =	vld.idx.msk [tilespmem:v56+s17+$0x0], $0xffff  }
0xda: {  	v14 =	vor.u32 $0x300, v6;
	[tilespmem:s2+$0xFFFFFEC0] =	vst v13;
	v59 =	vld.idx.msk [tilespmem:v24+s17+$0x0], $0xffff  }
0xdb: {  	v7 =	vor.u32 $0x380, v7;
	[tilespmem:s2+$0xFFFFFEA0] =	vst v8;
	v8 =	vld.idx.msk [tilespmem:v57+s17+$0x0], $0xffff  }
0xdc: {  	v13 =	vor.u32 $0x300, v10;
	[tilespmem:s2+$0xFFFFFF90] =	vst v4;
	v4 =	vld.idx.msk [tilespmem:v15+s17+$0x0], $0xffff  }
0xdd: {  	v9 =	vor.u32 $0x380, v9;
	v12 =	vld.idx.msk [tilespmem:v12+s17+$0x0], $0xffff;
	[tilespmem:s2+$0xFFFFFED0] =	vst v11  }
0xde: {  	v15 =	vld.idx.msk [tilespmem:v58+s17+$0x0], $0xffff;
	[tilespmem:s2+$0xFFFFFF70] =	vst v19  }
0xdf: {  	v11 =	vor.u32 $0x380, v17;
	v14 =	vld.idx.msk [tilespmem:v14+s17+$0x0], $0xffff;
	[tilespmem:s2+$0xFFFFFEB0] =	vst v59  }
0xe0: {  	v60 =	vor.u32 $0x280, v5;
	v62 =	vld.idx.msk [tilespmem:v7+s17+$0x0], $0xffff;
	[tilespmem:s2+$0xFFFFFF40] =	vst v8  }
0xe1: {  	v61 =	vor.u32 $0x380, v6;
	v63 =	vld.idx.msk [tilespmem:v13+s17+$0x0], $0xffff;
	[tilespmem:s2+$0xFFFFFF20] =	vst v4;
	v4 =	vshll.u32 v22, $0x3  }
0xe2: {  	s0 =	simm.s32 $0x10FF0;
	[tilespmem:s2+$0xFFFFFFE0] =	vst v12;
	v8 =	vld.idx.msk [tilespmem:v9+s17+$0x0], $0xffff;
	v9 =	vand.u32 $0x7F, v22;
	v4 =	vand.u32 $0xFFFFFC00, v4  }
0xe3: {  	v10 =	vor.u32 $0x380, v10;
	v12 =	vld [tilespmem:s9+$0xFFFFFFF0];
	[tilespmem:s0+$0xFFFFFE80] =	vst v15;
	v4 =	vor.u32 v9, v4  }
0xe4: {  	v6 =	vld.idx.msk [tilespmem:v11+s17+$0x0], $0xffff;
	[tilespmem:s2+$0xFFFFFF50] =	vst v14;
	v14 =	vor.u32 $0x200, v4  }
0xe5: {  	v11 =	vld.idx.msk [tilespmem:v60+s17+$0x0], $0xffff  }
0xe6: {  	v13 =	vor.u32 $0x300, v5;
	v7 =	vld.idx.msk [tilespmem:v61+s17+$0x0], $0xffff;
	[tilespmem:s2+$0xFFFFFFF0] =	vst v62  }
0xe7: {  	s10 =	simm.s32 $0x8;
	v9 =	vld [tilespmem:s9+$0xFFFFFFE0];
	[tilespmem:s2+$0xFFFFFF30] =	vst v63  }
.LBB2_5:
0xe8: {  	s10 =	sadd.s32 $0x8, s10;
	v15 =	vor.u32 $0x280, v4;
	v16 =	vshll.u32 v3, $0x3;
	v5 =	vor.u32 $0x380, v5;
	v10 =	vld.idx.msk [tilespmem:v10+s17+$0x0], $0xffff  }
0xe9: {  	v17 =	vshll.u32 v2, $0x3;
	v3 =	vand.u32 $0x7F, v3;
	s9 =	sadd.s32 $0x80, s9;
	p1 =	slt.u32 s10, $0x78;
	v14 =	vld.idx.msk [tilespmem:v14+s17+$0x0], $0xffff;
	v16 =	vand.u32 $0xFFFFFC00, v16;
	[tilespmem:s2+$0xFFFFFFC0] =	vst v8  }
0xea: {  	v18 =	vand.u32 $0x7F, v1;
	v2 =	vand.u32 $0x7F, v2;
	v17 =	vand.u32 $0xFFFFFC00, v17;
	v8 =	vld [tilespmem:s9+$0xFFFFFFD0];
	[tilespmem:s0+$0xFFFFFF00] =	vst v11  }
0xeb: {  	v17 =	vor.u32 v2, v17;
	v11 =	vand.u32 $0x7F, v12;
	v12 =	vshll.u32 v12, $0x3;
	v13 =	vld.idx.msk [tilespmem:v13+s17+$0x0], $0xffff;
	[tilespmem:s2+$0xFFFFFFD0] =	vst v7  }
0xec: {  	v20 =	vor.u32 $0x200, v17;
	v7 =	vld [tilespmem:s9+$0x0];
	v19 =	vand.u32 $0x7F, v9;
	v12 =	vand.u32 $0xFFFFFC00, v12;
	[tilespmem:s2+$0xFFFFFFA0] =	vst v6  }
0xed: {  	v16 =	vor.u32 v3, v16;
	v6 =	vshll.u32 v0, $0x3;
	v9 =	vshll.u32 v9, $0x3;
	v2 =	vld [tilespmem:s9+$0x10]  }
0xee: {  	v6 =	vand.u32 $0xFFFFFC00, v6;
	v11 =	vor.u32 v11, v12;
	v12 =	vor.u32 $0x200, v16;
	v3 =	vld [tilespmem:s9+$0x20];
	[tilespmem:s2+$0xFFFFFFB0] =	vst v10;
	s2 =	smov.u32 s0  }
0xef: {  	v1 =	vshll.u32 v1, $0x3;
	v9 =	vand.u32 $0xFFFFFC00, v9;
	v10 =	vld [tilespmem:s9+$0x30];
	[tilespmem:s0+$0xFFFFFE10] =	vst v14;
	v14 =	vand.u32 $0x7F, v0;
	v0 =	vmovc v8  }
0xf0: {  	v23 =	vand.u32 $0xFFFFFC00, v1;
	v8 =	vld.idx.msk [tilespmem:v15+s17+$0x0], $0xffff;
	v6 =	vor.u32 v14, v6;
	v14 =	vor.u32 $0x200, v11  }
0xf1: {  	v18 =	vor.u32 v18, v23;
	v9 =	vor.u32 v19, v9;
	v15 =	vor.u32 $0x200, v6;
	v19 =	vld.idx.msk [tilespmem:v20+s17+$0x0], $0xffff;
	[tilespmem:s0+$0xFFFFFF80] =	vst v13  }
0xf2: {  	v21 =	vor.u32 $0x200, v18;
	v13 =	vor.u32 $0x300, v4;
	v20 =	vor.u32 $0x200, v9;
	v1 =	vmovc v7;
	v22 =	vld.idx.msk [tilespmem:v5+s17+$0x0], $0xffff  }
0xf3: {  	v7 =	vor.u32 $0x280, v17;
	v12 =	vld.idx.msk [tilespmem:v12+s17+$0x0], $0xffff  }
0xf4: {  	v23 =	vld [tilespmem:s9+$0xFFFFFFC0];
	v5 =	vshll.u32 v10, $0x3  }
0xf5: {  	v24 =	vor.u32 $0x280, v16;
	v10 =	vand.u32 $0x7F, v10;
	v5 =	vand.u32 $0xFFFFFC00, v5;
	v14 =	vld.idx.msk [tilespmem:v14+s17+$0x0], $0xffff  }
0xf6: {  	v5 =	vor.u32 v10, v5;
	[tilespmem:s0+$0xFFFFFE90] =	vst v8;
	v8 =	vld.idx.msk [tilespmem:v15+s17+$0x0], $0xffff  }
0xf7: {  	v10 =	vld.idx.msk [tilespmem:v13+s17+$0x0], $0xffff;
	v13 =	vor.u32 $0x280, v11;
	[tilespmem:s0+$0xFFFFFE60] =	vst v19  }
0xf8: {  	v15 =	vor.u32 $0x380, v4;
	v19 =	vor.u32 $0x280, v6;
	v21 =	vld.idx.msk [tilespmem:v21+s17+$0x0], $0xffff;
	[tilespmem:s0+$0x0] =	vst v22  }
0xf9: {  	v25 =	vor.u32 $0x280, v18;
	v22 =	vor.u32 $0x280, v9;
	v4 =	vshll.u32 v23, $0x3;
	v7 =	vld.idx.msk [tilespmem:v7+s17+$0x0], $0xffff;
	[tilespmem:s0+$0xFFFFFE70] =	vst v12  }
0xfa: {  	v12 =	vand.u32 $0x7F, v23;
	v23 =	vor.u32 $0x300, v17;
	v4 =	vand.u32 $0xFFFFFC00, v4;
	v24 =	vld.idx.msk [tilespmem:v24+s17+$0x0], $0xffff  }
0xfb: {  	v4 =	vor.u32 v12, v4;
	v12 =	vld.idx.msk [tilespmem:v20+s17+$0x0], $0xffff;
	[tilespmem:s0+$0xFFFFFE40] =	vst v14  }
0xfc: {  	[tilespmem:s0+$0xFFFFFE20] =	vst v8;
	v8 =	vld.idx.msk [tilespmem:v13+s17+$0x0], $0xffff;
	v13 =	vor.u32 $0x300, v16  }
0xfd: {  	[tilespmem:s0+$0xFFFFFF10] =	vst v10;
	v10 =	vld.idx.msk [tilespmem:v19+s17+$0x0], $0xffff  }
0xfe: {  	v14 =	vld.idx.msk [tilespmem:v15+s17+$0x0], $0xffff;
	v15 =	vor.u32 $0x300, v11;
	[tilespmem:s0+$0xFFFFFE50] =	vst v21  }
0xff: {  	v19 =	vor.u32 $0x300, v6;
	v20 =	vld.idx.msk [tilespmem:v25+s17+$0x0], $0xffff;
	[tilespmem:s0+$0xFFFFFEE0] =	vst v7  }
0x100: {  	v21 =	vor.u32 $0x300, v9;
	v7 =	vor.u32 $0x200, v5;
	v25 =	vor.u32 $0x300, v18;
	v23 =	vld.idx.msk [tilespmem:v23+s17+$0x0], $0xffff;
	[tilespmem:s0+$0xFFFFFEF0] =	vst v24  }
0x101: {  	[tilespmem:s0+$0xFFFFFE30] =	vst v12;
	v12 =	vld.idx.msk [tilespmem:v13+s17+$0x0], $0xffff  }
0x102: {  	v13 =	vld.idx.msk [tilespmem:v22+s17+$0x0], $0xffff;
	[tilespmem:s0+$0xFFFFFEC0] =	vst v8;
	v8 =	vor.u32 $0x380, v17  }
0x103: {  	[tilespmem:s0+$0xFFFFFEA0] =	vst v10;
	v15 =	vld.idx.msk [tilespmem:v15+s17+$0x0], $0xffff;
	v10 =	vor.u32 $0x380, v16  }
0x104: {  	[tilespmem:s0+$0xFFFFFF90] =	vst v14;
	v14 =	vld.idx.msk [tilespmem:v19+s17+$0x0], $0xffff  }
0x105: {  	v11 =	vor.u32 $0x380, v11;
	v7 =	vld.idx.msk [tilespmem:v7+s17+$0x0], $0xffff;
	[tilespmem:s0+$0xFFFFFED0] =	vst v20  }
0x106: {  	v6 =	vor.u32 $0x380, v6;
	v16 =	vld.idx.msk [tilespmem:v25+s17+$0x0], $0xffff;
	[tilespmem:s0+$0xFFFFFF60] =	vst v23  }
0x107: {  	v17 =	vor.u32 $0x280, v5;
	v19 =	vld.idx.msk [tilespmem:v8+s17+$0x0], $0xffff;
	[tilespmem:s0+$0xFFFFFF70] =	vst v12  }
0x108: {  	v12 =	vor.u32 $0x380, v18;
	[tilespmem:s0+$0xFFFFFEB0] =	vst v13;
	v18 =	vld.idx.msk [tilespmem:v10+s17+$0x0], $0xffff  }
0x109: {  	v10 =	vor.u32 $0x380, v9;
	v20 =	vld.idx.msk [tilespmem:v21+s17+$0x0], $0xffff;
	[tilespmem:s0+$0xFFFFFF40] =	vst v15  }
0x10a: {  	s0 =	sadd.s32 $0x400, s0;
	[tilespmem:s2+$0xFFFFFF20] =	vst v14;
	v8 =	vld.idx.msk [tilespmem:v11+s17+$0x0], $0xffff  }
.Ltmp3:
0x10b: {  	[tilespmem:s0+$0xFFFFFE80] =	vst v7;
	v6 =	vld.idx.msk [tilespmem:v6+s17+$0x0], $0xffff;
	(pc) =	sbr.rel @p1 .LBB2_5-.Ltmp3, $4  }
0x10c: {  	v14 =	vor.u32 $0x200, v4;
	v11 =	vld.idx.msk [tilespmem:v17+s17+$0x0], $0xffff;
	[tilespmem:s2+$0xFFFFFF50] =	vst v16  }
0x10d: {  	v7 =	vld.idx.msk [tilespmem:v12+s17+$0x0], $0xffff;
	[tilespmem:s2+$0xFFFFFFE0] =	vst v19  }
0x10e: {  	v13 =	vor.u32 $0x300, v5;
	v12 =	vld [tilespmem:s9+$0xFFFFFFF0];
	[tilespmem:s2+$0xFFFFFFF0] =	vst v18  }
0x10f: {  	v9 =	vld [tilespmem:s9+$0xFFFFFFE0];
	[tilespmem:s2+$0xFFFFFF30] =	vst v20  }
0x110: {  	_ =	sdelay $0x1  }
0x111: {  	v15 =	vor.u32 $0x280, v4;
	v16 =	vshll.u32 v3, $0x3;
	v5 =	vor.u32 $0x380, v5  }
0x112: {  	v17 =	vshll.u32 v2, $0x3;
	v21 =	vand.u32 $0x7F, v3;
	v22 =	vand.u32 $0x7F, v2  }
0x113: {  	v14 =	vld.idx.msk [tilespmem:v14+s17+$0x0], $0xffff;
	v18 =	vshll.u32 v0, $0x3;
	v27 =	vand.u32 $0x7F, v0;
	v17 =	vand.u32 $0xFFFFFC00, v17  }
0x114: {  	v28 =	vshll.u32 v1, $0x3;
	v30 =	vand.u32 $0x7F, v1;
	[tilespmem:s0+$0xFFFFFF00] =	vst v11;
	v2 =	vor.u32 v22, v17  }
0x115: {  	v16 =	vand.u32 $0xFFFFFC00, v16;
	v25 =	vand.u32 $0xFFFFFC00, v18;
	v13 =	vld.idx.msk [tilespmem:v13+s17+$0x0], $0xffff;
	v17 =	vor.u32 $0x200, v2  }
0x116: {  	v3 =	vor.u32 v21, v16;
	v0 =	vor.u32 v27, v25;
	v24 =	vshll.u32 v12, $0x3  }
0x117: {  	v23 =	vand.u32 $0x7F, v12;
	v26 =	vor.u32 $0x200, v3;
	v12 =	vand.u32 $0xFFFFFC00, v24  }
0x118: {  	v10 =	vld.idx.msk [tilespmem:v10+s17+$0x0], $0xffff;
	v35 =	vor.u32 $0x300, v4;
	v32 =	vor.u32 $0x200, v0;
	v11 =	vor.u32 v23, v12;
	[tilespmem:s0+$0xFFFFFE10] =	vst v14  }
0x119: {  	[tilespmem:s2+$0xFFFFFFC0] =	vst v8;
	v33 =	vshll.u32 v9, $0x3;
	v14 =	vand.u32 $0xFFFFFC00, v28;
	v29 =	vor.u32 $0x200, v11;
	v31 =	vld.idx.msk [tilespmem:v15+s17+$0x0], $0xffff  }
0x11a: {  	v36 =	vand.u32 $0x7F, v9;
	v37 =	vand.u32 $0xFFFFFC00, v33;
	v1 =	vor.u32 v30, v14;
	[tilespmem:s0+$0xFFFFFF80] =	vst v13;
	v34 =	vld.idx.msk [tilespmem:v17+s17+$0x0], $0xffff  }
0x11b: {  	[tilespmem:s2+$0xFFFFFFA0] =	vst v6;
	v39 =	vor.u32 v36, v37;
	v38 =	vor.u32 $0x200, v1;
	v5 =	vld.idx.msk [tilespmem:v5+s17+$0x0], $0xffff  }
0x11c: {  	[tilespmem:s2+$0xFFFFFFD0] =	vst v7;
	v42 =	vor.u32 $0x200, v39;
	v41 =	vld.idx.msk [tilespmem:v26+s17+$0x0], $0xffff  }
0x11d: {  	v40 =	vor.u32 $0x280, v2;
	[tilespmem:s2+$0xFFFFFFB0] =	vst v10;
	v45 =	vld.idx.msk [tilespmem:v32+s17+$0x0], $0xffff  }
0x11e: {  	v44 =	vor.u32 $0x280, v3;
	v43 =	vld.idx.msk [tilespmem:v29+s17+$0x0], $0xffff;
	[tilespmem:s0+$0xFFFFFE90] =	vst v31  }
0x11f: {  	v47 =	vor.u32 $0x280, v0;
	v13 =	vld.idx.msk [tilespmem:v35+s17+$0x0], $0xffff;
	[tilespmem:s0+$0xFFFFFE60] =	vst v34  }
0x120: {  	v46 =	vor.u32 $0x280, v11;
	v17 =	vld.idx.msk [tilespmem:v38+s17+$0x0], $0xffff;
	[tilespmem:s0+$0x0] =	vst v5  }
0x121: {  	v48 =	vor.u32 $0x280, v1;
	v50 =	vld.idx.msk [tilespmem:v42+s17+$0x0], $0xffff;
	[tilespmem:s0+$0xFFFFFE70] =	vst v41  }
0x122: {  	v49 =	vor.u32 $0x380, v4;
	[tilespmem:s0+$0xFFFFFE20] =	vst v45;
	v7 =	vld.idx.msk [tilespmem:v40+s17+$0x0], $0xffff  }
0x123: {  	v51 =	vor.u32 $0x280, v39;
	v52 =	vld.idx.msk [tilespmem:v44+s17+$0x0], $0xffff;
	[tilespmem:s0+$0xFFFFFE40] =	vst v43  }
0x124: {  	v53 =	vor.u32 $0x300, v2;
	v14 =	vld.idx.msk [tilespmem:v47+s17+$0x0], $0xffff;
	[tilespmem:s0+$0xFFFFFF10] =	vst v13  }
0x125: {  	v54 =	vor.u32 $0x300, v3;
	v15 =	vld.idx.msk [tilespmem:v46+s17+$0x0], $0xffff;
	[tilespmem:s0+$0xFFFFFE50] =	vst v17  }
0x126: {  	v57 =	vor.u32 $0x300, v0;
	[tilespmem:s0+$0xFFFFFE30] =	vst v50;
	v5 =	vld.idx.msk [tilespmem:v48+s17+$0x0], $0xffff  }
0x127: {  	v55 =	vor.u32 $0x300, v11;
	v4 =	vld.idx.msk [tilespmem:v49+s17+$0x0], $0xffff;
	[tilespmem:s0+$0xFFFFFEE0] =	vst v7  }
0x128: {  	v56 =	vor.u32 $0x300, v1;
	v10 =	vld.idx.msk [tilespmem:v51+s17+$0x0], $0xffff;
	[tilespmem:s0+$0xFFFFFEF0] =	vst v52  }
0x129: {  	v58 =	vor.u32 $0x300, v39;
	[tilespmem:s0+$0xFFFFFEA0] =	vst v14;
	v8 =	vld.idx.msk [tilespmem:v53+s17+$0x0], $0xffff  }
0x12a: {  	v2 =	vor.u32 $0x380, v2;
	v13 =	vld.idx.msk [tilespmem:v54+s17+$0x0], $0xffff;
	[tilespmem:s0+$0xFFFFFEC0] =	vst v15  }
0x12b: {  	v3 =	vor.u32 $0x380, v3;
	v61 =	vld.idx.msk [tilespmem:v57+s17+$0x0], $0xffff;
	[tilespmem:s0+$0xFFFFFED0] =	vst v5  }
0x12c: {  	v0 =	vor.u32 $0x380, v0;
	v59 =	vld.idx.msk [tilespmem:v55+s17+$0x0], $0xffff;
	[tilespmem:s0+$0xFFFFFF90] =	vst v4  }
0x12d: {  	v60 =	vor.u32 $0x380, v11;
	[tilespmem:s0+$0xFFFFFEB0] =	vst v10;
	v5 =	vld.idx.msk [tilespmem:v56+s17+$0x0], $0xffff  }
0x12e: {  	v1 =	vor.u32 $0x380, v1;
	v62 =	vld.idx.msk [tilespmem:v58+s17+$0x0], $0xffff;
	[tilespmem:s0+$0xFFFFFF60] =	vst v8  }
0x12f: {  	v6 =	vor.u32 $0x380, v39;
	[tilespmem:s0+$0xFFFFFF70] =	vst v13;
	v2 =	vld.idx.msk [tilespmem:v2+s17+$0x0], $0xffff  }
0x130: {  	[tilespmem:s0+$0xFFFFFF20] =	vst v61;
	v3 =	vld.idx.msk [tilespmem:v3+s17+$0x0], $0xffff  }
0x131: {  	v0 =	vld.idx.msk [tilespmem:v0+s17+$0x0], $0xffff;
	[tilespmem:s0+$0xFFFFFF40] =	vst v59  }
0x132: {  	v4 =	vld.idx.msk [tilespmem:v60+s17+$0x0], $0xffff;
	[tilespmem:s0+$0xFFFFFF50] =	vst v5  }
0x133: {  	[tilespmem:s0+$0xFFFFFF30] =	vst v62;
	v1 =	vld.idx.msk [tilespmem:v1+s17+$0x0], $0xffff  }
0x134: {  	v63 =	vld.idx.msk [tilespmem:v6+s17+$0x0], $0xffff;
	[tilespmem:s0+$0xFFFFFFE0] =	vst v2  }
0x135: {  	[tilespmem:s0+$0xFFFFFFF0] =	vst v3  }
0x136: {  	[tilespmem:s0+$0xFFFFFFA0] =	vst v0  }
0x137: {  	[tilespmem:s0+$0xFFFFFFC0] =	vst v4  }
0x138: {  	[tilespmem:s0+$0xFFFFFFD0] =	vst v1  }
0x139: {  	s10 =	simm.s32 $0x10A00;
	[tilespmem:s0+$0xFFFFFFB0] =	vst v63;
	s0 =	sadd.s32 s31, s11  }
0x13a: {  	[hbm4b:s0+s6] =	stream.linear.scatter [tilespmem:s10], [sflag:$0x5], $0x200, $0x38;
	[tilespmem:$0x18800] =	vst v63  }
0x13b: {  	s9 =	simm.s32 $0x10E00;
	s16 =	sadd.s32 $0x80, s0  }
0x13c: {  	[hbm4b:s16+s6] =	stream.linear.scatter [tilespmem:s9], [sflag:$0x5], $0x200, $0x38;
	[tilespmem:$0x18800] =	vst v63  }
0x13d: {  	s10 =	sadd.s32 $0x100, s0;
	s16 =	simm.s32 $0x11200  }
0x13e: {  	[hbm4b:s10+s6] =	stream.linear.scatter [tilespmem:s16], [sflag:$0x5], $0x200, $0x38;
	[tilespmem:$0x18800] =	vst v63  }
0x13f: {  	s10 =	sadd.s32 $0x180, s0;
	s16 =	simm.s32 $0x11600  }
0x140: {  	[hbm4b:s10+s6] =	stream.linear.scatter [tilespmem:s16], [sflag:$0x5], $0x200, $0x38;
	[tilespmem:$0x18800] =	vst v63  }
0x141: {  	s10 =	sadd.s32 $0x200, s0;
	s16 =	simm.s32 $0x11A00  }
0x142: {  	[hbm4b:s10+s6] =	stream.linear.scatter [tilespmem:s16], [sflag:$0x5], $0x200, $0x38;
	[tilespmem:$0x18800] =	vst v63  }
0x143: {  	s10 =	sadd.s32 $0x280, s0;
	s16 =	simm.s32 $0x11E00  }
0x144: {  	[hbm4b:s10+s6] =	stream.linear.scatter [tilespmem:s16], [sflag:$0x5], $0x200, $0x38;
	[tilespmem:$0x18800] =	vst v63  }
0x145: {  	s10 =	sadd.s32 $0x300, s0;
	s16 =	simm.s32 $0x12200  }
0x146: {  	[hbm4b:s10+s6] =	stream.linear.scatter [tilespmem:s16], [sflag:$0x5], $0x200, $0x38;
	[tilespmem:$0x18800] =	vst v63  }
0x147: {  	s10 =	sadd.s32 $0x380, s0;
	s16 =	simm.s32 $0x12600  }
0x148: {  	[hbm4b:s10+s6] =	stream.linear.scatter [tilespmem:s16], [sflag:$0x5], $0x200, $0x38;
	[tilespmem:$0x18800] =	vst v63  }
0x149: {  	s10 =	sadd.s32 $0x400, s0;
	s16 =	simm.s32 $0x12A00  }
0x14a: {  	[hbm4b:s10+s6] =	stream.linear.scatter [tilespmem:s16], [sflag:$0x5], $0x200, $0x38;
	[tilespmem:$0x18800] =	vst v63  }
0x14b: {  	s10 =	sadd.s32 $0x480, s0;
	s16 =	simm.s32 $0x12E00  }
0x14c: {  	[hbm4b:s10+s6] =	stream.linear.scatter [tilespmem:s16], [sflag:$0x5], $0x200, $0x38;
	[tilespmem:$0x18800] =	vst v63  }
0x14d: {  	s10 =	sadd.s32 $0x500, s0;
	s16 =	simm.s32 $0x13200  }
0x14e: {  	[hbm4b:s10+s6] =	stream.linear.scatter [tilespmem:s16], [sflag:$0x5], $0x200, $0x38;
	[tilespmem:$0x18800] =	vst v63  }
0x14f: {  	s10 =	sadd.s32 $0x580, s0;
	s16 =	simm.s32 $0x13600  }
0x150: {  	[hbm4b:s10+s6] =	stream.linear.scatter [tilespmem:s16], [sflag:$0x5], $0x200, $0x38;
	[tilespmem:$0x18800] =	vst v63  }
0x151: {  	s10 =	sadd.s32 $0x600, s0;
	s16 =	simm.s32 $0x13A00  }
0x152: {  	[hbm4b:s10+s6] =	stream.linear.scatter [tilespmem:s16], [sflag:$0x5], $0x200, $0x38;
	[tilespmem:$0x18800] =	vst v63  }
0x153: {  	p1 =	sne.s32 s29, $0xF;
	s10 =	sadd.s32 $0x680, s0;
	s16 =	simm.s32 $0x13E00  }
0x154: {  	[hbm4b:s10+s6] =	stream.linear.scatter [tilespmem:s16], [sflag:$0x5], $0x200, $0x38;
	[tilespmem:$0x18800] =	vst v63  }
.Ltmp4:
0x155: {  	_ = 	snop;
	(pc) =	sbr.rel @p1 .LBB2_8-.Ltmp4, $4  }
0x156: {  	s9 =	sadd.s32 $0x700, s0;
	s10 =	simm.s32 $0x14200  }
0x157: {  	[hbm4b:s9+s6] =	stream.linear.scatter [tilespmem:s10], [sflag:$0x5], $0x200, $0x38;
	[tilespmem:$0x18800] =	vst v63  }
0x158: {  	s0 =	sadd.s32 $0x780, s0;
	s16 =	simm.s32 $0x14600  }
0x159: {  	[hbm4b:s0+s6] =	stream.linear.scatter [tilespmem:s16], [sflag:$0x5], $0x200, $0x38;
	[tilespmem:$0x18800] =	vst v63  }
.Ltmp5:
0x15a: {  	(pc) =	sbr.rel .LBB2_9-.Ltmp5, $4  }
0x15b: {  	_ = 	snop  }
0x15c: {  	_ =	swait.ge [sflag:s3], $0x4000  }
0x15d: {  	[sflag:s3] =	ssyncset.done $0x0  }
0x15e: {  	[sflag:s3] =	ssyncadd.s32 $0xFFFFC000  }
.LBB2_8:
0x15f: {  	s0 =	rddreg [dreg:$0x9]  }
0x160: {  	s0 =	sadd.s32 s30, s0  }
0x161: {  	s0 =	sshll.u32 s0, $0x8  }
.Ltmp6:
0x162: {  	s0 =	sadd.s32 s1, s0;
	(pc) =	sbr.rel @p0 .LBB2_10-.Ltmp6, $4  }
0x163: {  	[tilespmem:s17], [sflag:$0x1] =	stream.linear.gather [hbm4b:s0+s6], $0x4000, $0x38;
	[tilespmem:$0x18800] =	vst v63  }
0x164: {  	_ =	swait.ge [sflag:s3], $0x4000  }
0x165: {  	[sflag:s3] =	ssyncset.done $0x0  }
0x166: {  	[sflag:s3] =	ssyncadd.s32 $0xFFFFC000  }
.LBB2_9:
0x167: {  	_ =	swait.ge [sflag:s8], $0x4000  }
0x168: {  	[sflag:s8] =	ssyncset.done $0x0  }
0x169: {  	[sflag:s8] =	ssyncadd.s32 $0xFFFFC000  }
.LBB2_10:
0x16a: {  	s0 =	simm.s32 $0x40  }
0x16b: {  	v0 =	vld [tilespmem:s0+$0xFFFFFFC0]  }
0x16c: {  	v1 =	vld [tilespmem:s0+$0x10]  }
0x16d: {  	v3 =	vld [tilespmem:s0+$0xFFFFFFE0]  }
0x16e: {  	v2 =	vld [tilespmem:s0+$0x0];
	_ =	sdelay $0x1  }
0x16f: {  	v6 =	vld [tilespmem:s0+$0x20]  }
0x170: {  	v7 =	vld [tilespmem:s0+$0xFFFFFFF0];
	v4 =	vshll.u32 v0, $0x3;
	v0 =	vand.u32 $0x7F, v0;
	v5 =	vshll.u32 v1, $0x3  }
0x171: {  	v1 =	vand.u32 $0x7F, v1;
	v9 =	vshll.u32 v3, $0x3;
	v4 =	vand.u32 $0xFFFFFC00, v4  }
0x172: {  	v8 =	vld [tilespmem:s0+$0xFFFFFFD0];
	v3 =	vand.u32 $0x7F, v3;
	v4 =	vor.u32 v0, v4;
	v0 =	vshll.u32 v2, $0x3  }
0x173: {  	v5 =	vand.u32 $0xFFFFFC00, v5;
	v2 =	vand.u32 $0x7F, v2;
	v0 =	vand.u32 $0xFFFFFC00, v0  }
0x174: {  	v5 =	vor.u32 v1, v5;
	v0 =	vor.u32 v2, v0;
	v2 =	vand.u32 $0xFFFFFC00, v9;
	v9 =	vld [tilespmem:s0+$0x30]  }
0x175: {  	v11 =	vand.u32 $0x7F, v7;
	v2 =	vor.u32 v3, v2;
	v3 =	vshll.u32 v6, $0x3  }
0x176: {  	v1 =	vand.u32 $0x7F, v6;
	v12 =	vor.u32 $0x80, v4;
	v3 =	vand.u32 $0xFFFFFC00, v3  }
0x177: {  	v6 =	vshll.u32 v7, $0x3;
	v10 =	vld.idx.msk [tilespmem:v4+s18+$0x0], $0xffff;
	v1 =	vor.u32 v1, v3;
	v3 =	vshll.u32 v8, $0x3  }
0x178: {  	v6 =	vand.u32 $0xFFFFFC00, v6;
	v8 =	vand.u32 $0x7F, v8;
	v3 =	vand.u32 $0xFFFFFC00, v3  }
0x179: {  	v6 =	vor.u32 v11, v6;
	v17 =	vld.idx.msk [tilespmem:v5+s18+$0x0], $0xffff;
	v7 =	vor.u32 v8, v3;
	v3 =	vshll.u32 v9, $0x3  }
0x17a: {  	v13 =	vld.idx.msk [tilespmem:v0+s18+$0x0], $0xffff;
	v8 =	vand.u32 $0x7F, v9;
	v3 =	vand.u32 $0xFFFFFC00, v3  }
0x17b: {  	s0 =	simm.s32 $0x14900;
	v11 =	vld.idx.msk [tilespmem:v2+s18+$0x0], $0xffff;
	v3 =	vor.u32 v8, v3  }
0x17c: {  	v20 =	vor.u32 $0x80, v0;
	[tilespmem:s0+$0xFFFFFF00] =	vst v10;
	v10 =	vld.idx.msk [tilespmem:v1+s18+$0x0], $0xffff  }
0x17d: {  	v18 =	vld.idx.msk [tilespmem:v12+s18+$0x0], $0xffff;
	v12 =	vor.u32 $0x80, v5  }
0x17e: {  	v15 =	vor.u32 $0x80, v2;
	v16 =	vld.idx.msk [tilespmem:v6+s18+$0x0], $0xffff  }
0x17f: {  	s2 =	simm.s32 $0x0;
	s9 =	simm.s32 $0xC0;
	s10 =	simm.s32 $0x14900;
	v9 =	vor.u32 $0x80, v1;
	v14 =	vor.u32 $0x80, v7;
	v8 =	vor.u32 $0x80, v3;
	v19 =	vld.idx.msk [tilespmem:v7+s18+$0x0], $0xffff  }
.LBB2_11:
0x180: {  	s2 =	sadd.s32 $0x8, s2;
	[tilespmem:s0+$0xFFFFFF40] =	vst v13;
	v13 =	vld.idx.msk [tilespmem:v3+s18+$0x0], $0xffff;
	s10 =	sadd.s32 $0x400, s10  }
0x181: {  	p0 =	slt.u32 s2, $0x78;
	v20 =	vld.idx.msk [tilespmem:v20+s18+$0x0], $0xffff;
	[tilespmem:s0+$0xFFFFFF50] =	vst v17  }
0x182: {  	v17 =	vor.u32 $0x100, v4;
	v12 =	vld.idx.msk [tilespmem:v12+s18+$0x0], $0xffff  }
0x183: {  	v21 =	vld [tilespmem:s9+$0x10];
	[tilespmem:s0+$0xFFFFFF80] =	vst v18  }
0x184: {  	v18 =	vld [tilespmem:s9+$0xFFFFFFE0];
	[tilespmem:s0+$0xFFFFFF10] =	vst v19;
	v19 =	vor.u32 $0x80, v6  }
0x185: {  	v14 =	vld.idx.msk [tilespmem:v14+s18+$0x0], $0xffff;
	[tilespmem:s0+$0xFFFFFF20] =	vst v11  }
0x186: {  	v11 =	vld.idx.msk [tilespmem:v15+s18+$0x0], $0xffff;
	[tilespmem:s0+$0xFFFFFF70] =	vst v13  }
0x187: {  	v13 =	vld.idx.msk [tilespmem:v17+s18+$0x0], $0xffff;
	[tilespmem:s0+$0xFFFFFFC0] =	vst v20  }
0x188: {  	v15 =	vld [tilespmem:s9+$0xFFFFFFF0];
	[tilespmem:s0+$0xFFFFFF30] =	vst v16  }
0x189: {  	v16 =	vld.idx.msk [tilespmem:v19+s18+$0x0], $0xffff;
	[tilespmem:s0+$0xFFFFFFD0] =	vst v12  }
0x18a: {  	v12 =	vld [tilespmem:s9+$0xFFFFFFC0];
	[tilespmem:s0+$0xFFFFFF60] =	vst v10  }
0x18b: {  	[tilespmem:s0+$0xFFFFFF90] =	vst v14;
	v8 =	vld.idx.msk [tilespmem:v8+s18+$0x0], $0xffff  }
0x18c: {  	v10 =	vld [tilespmem:s9+$0x20];
	[tilespmem:s0+$0xFFFFFFA0] =	vst v11;
	v11 =	vor.u32 $0x100, v5  }
0x18d: {  	v14 =	vld [tilespmem:s9+$0x30];
	[tilespmem:s0+$0x0] =	vst v13;
	v13 =	vor.u32 $0x100, v7  }
0x18e: {  	v19 =	vor.u32 $0x100, v6;
	v17 =	vld [tilespmem:s9+$0xFFFFFFD0]  }
0x18f: {  	v20 =	vor.u32 $0x180, v4;
	[tilespmem:s0+$0xFFFFFFB0] =	vst v16;
	v9 =	vld.idx.msk [tilespmem:v9+s18+$0x0], $0xffff  }
0x190: {  	v22 =	vor.u32 $0x100, v2;
	v23 =	vor.u32 $0x180, v5;
	v5 =	vor.u32 $0x100, v1;
	v16 =	vld [tilespmem:s9+$0x0]  }
0x191: {  	v24 =	vor.u32 $0x100, v0;
	v4 =	vshll.u32 v12, $0x3;
	v11 =	vld.idx.msk [tilespmem:v11+s18+$0x0], $0xffff;
	[tilespmem:s0+$0xFFFFFFF0] =	vst v8;
	v8 =	vor.u32 $0x100, v3  }
0x192: {  	v4 =	vand.u32 $0xFFFFFC00, v4;
	v25 =	vand.u32 $0x7F, v14;
	v14 =	vshll.u32 v14, $0x3;
	v13 =	vld.idx.msk [tilespmem:v13+s18+$0x0], $0xffff  }
0x193: {  	v6 =	vor.u32 $0x180, v6;
	v12 =	vand.u32 $0x7F, v12;
	v14 =	vand.u32 $0xFFFFFC00, v14;
	v19 =	vld.idx.msk [tilespmem:v19+s18+$0x0], $0xffff  }
0x194: {  	v7 =	vor.u32 $0x180, v7;
	v4 =	vor.u32 v12, v4;
	v12 =	vshll.u32 v21, $0x3;
	v20 =	vld.idx.msk [tilespmem:v20+s18+$0x0], $0xffff  }
0x195: {  	v26 =	vshll.u32 v15, $0x3;
	v14 =	vor.u32 v25, v14;
	v27 =	vshll.u32 v16, $0x3;
	v22 =	vld.idx.msk [tilespmem:v22+s18+$0x0], $0xffff;
	[tilespmem:s0+$0xFFFFFFE0] =	vst v9  }
0x196: {  	v21 =	vand.u32 $0x7F, v21;
	v9 =	vand.u32 $0xFFFFFC00, v26;
	v16 =	vand.u32 $0x7F, v16;
	v25 =	vld.idx.msk [tilespmem:v5+s18+$0x0], $0xffff  }
0x197: {  	v12 =	vand.u32 $0xFFFFFC00, v12;
	v26 =	vor.u32 $0x180, v2;
	v5 =	vand.u32 $0xFFFFFC00, v27;
	[tilespmem:s0+$0x50] =	vst v11;
	v8 =	vld.idx.msk [tilespmem:v8+s18+$0x0], $0xffff  }
0x198: {  	v2 =	vshll.u32 v18, $0x3;
	v11 =	vor.u32 v16, v5;
	v5 =	vor.u32 v21, v12;
	[tilespmem:s0+$0x10] =	vst v13;
	v12 =	vld.idx.msk [tilespmem:v24+s18+$0x0], $0xffff  }
0x199: {  	v2 =	vand.u32 $0xFFFFFC00, v2;
	v13 =	vor.u32 $0x180, v3;
	v3 =	vmov v14;
	v7 =	vld.idx.msk [tilespmem:v7+s18+$0x0], $0xffff;
	[tilespmem:s0+$0x30] =	vst v19  }
0x19a: {  	v14 =	vand.u32 $0x7F, v18;
	v18 =	vor.u32 $0x180, v0;
	v0 =	vmovc v11;
	v19 =	vor.u32 $0x180, v1;
	[tilespmem:s0+$0x80] =	vst v20;
	v16 =	vld.idx.msk [tilespmem:v6+s18+$0x0], $0xffff  }
0x19b: {  	v21 =	vor.u32 $0x80, v4;
	v2 =	vor.u32 v14, v2;
	v1 =	vand.u32 $0x7F, v15;
	[tilespmem:s0+$0x20] =	vst v22;
	v11 =	vld.idx.msk [tilespmem:v23+s18+$0x0], $0xffff  }
0x19c: {  	v6 =	vor.u32 v1, v9;
	v1 =	vshll.u32 v10, $0x3;
	v9 =	vld.idx.msk [tilespmem:v26+s18+$0x0], $0xffff;
	[tilespmem:s0+$0x60] =	vst v25  }
0x19d: {  	v10 =	vand.u32 $0x7F, v10;
	v1 =	vand.u32 $0xFFFFFC00, v1;
	v15 =	vld.idx.msk [tilespmem:v4+s18+$0x0], $0xffff;
	[tilespmem:s0+$0x70] =	vst v8  }
0x19e: {  	v1 =	vor.u32 v10, v1;
	[tilespmem:s0+$0x40] =	vst v12;
	v22 =	vld.idx.msk [tilespmem:v13+s18+$0x0], $0xffff  }
0x19f: {  	v8 =	vshll.u32 v17, $0x3;
	v12 =	vor.u32 $0x80, v5;
	v13 =	vld.idx.msk [tilespmem:v0+s18+$0x0], $0xffff;
	[tilespmem:s0+$0x90] =	vst v7  }
0x1a0: {  	v10 =	vand.u32 $0xFFFFFC00, v8;
	v8 =	vor.u32 $0x80, v3;
	v7 =	vand.u32 $0x7F, v17;
	[tilespmem:s0+$0xB0] =	vst v16;
	v16 =	vld.idx.msk [tilespmem:v18+s18+$0x0], $0xffff  }
0x1a1: {  	v7 =	vor.u32 v7, v10;
	[tilespmem:s0+$0xD0] =	vst v11;
	v23 =	vld.idx.msk [tilespmem:v19+s18+$0x0], $0xffff  }
0x1a2: {  	v14 =	vor.u32 $0x80, v7;
	v11 =	vld.idx.msk [tilespmem:v2+s18+$0x0], $0xffff  }
.Ltmp7:
0x1a3: {  	[tilespmem:s10+$0xFFFFFF00] =	vst v15;
	v15 =	vor.u32 $0x80, v2;
	v17 =	vld.idx.msk [tilespmem:v5+s18+$0x0], $0xffff;
	(pc) =	sbr.rel @p0 .LBB2_11-.Ltmp7, $4  }
0x1a4: {  	v20 =	vor.u32 $0x80, v0;
	v10 =	vld.idx.msk [tilespmem:v1+s18+$0x0], $0xffff;
	[tilespmem:s0+$0xF0] =	vst v22  }
0x1a5: {  	v18 =	vld.idx.msk [tilespmem:v21+s18+$0x0], $0xffff;
	[tilespmem:s0+$0xA0] =	vst v9  }
0x1a6: {  	v19 =	vld.idx.msk [tilespmem:v7+s18+$0x0], $0xffff;
	[tilespmem:s0+$0xC0] =	vst v16  }
0x1a7: {  	s9 =	sadd.s32 $0x80, s9;
	v9 =	vor.u32 $0x80, v1;
	v16 =	vld.idx.msk [tilespmem:v6+s18+$0x0], $0xffff;
	[tilespmem:s0+$0xE0] =	vst v23;
	s0 =	smov.u32 s10  }
0x1a8: {  	_ =	sdelay $0x2  }
0x1a9: {  	[tilespmem:s0+$0xFFFFFF40] =	vst v13  }
0x1aa: {  	v13 =	vld.idx.msk [tilespmem:v3+s18+$0x0], $0xffff;
	[tilespmem:s0+$0xFFFFFF50] =	vst v17  }
0x1ab: {  	v43 =	vor.u32 $0x80, v6;
	[tilespmem:s0+$0xFFFFFF20] =	vst v11  }
0x1ac: {  	v44 =	vor.u32 $0x100, v4;
	v12 =	vld.idx.msk [tilespmem:v12+s18+$0x0], $0xffff;
	[tilespmem:s0+$0xFFFFFF60] =	vst v10  }
0x1ad: {  	v42 =	vld.idx.msk [tilespmem:v20+s18+$0x0], $0xffff;
	[tilespmem:s0+$0xFFFFFF10] =	vst v19  }
0x1ae: {  	v11 =	vld.idx.msk [tilespmem:v14+s18+$0x0], $0xffff;
	[tilespmem:s0+$0xFFFFFF30] =	vst v16  }
0x1af: {  	v14 =	vor.u32 $0x100, v5;
	[tilespmem:s0+$0xFFFFFF70] =	vst v13;
	v13 =	vld.idx.msk [tilespmem:v15+s18+$0x0], $0xffff  }
0x1b0: {  	v45 =	vor.u32 $0x100, v7;
	[tilespmem:s0+$0xFFFFFF80] =	vst v18;
	v15 =	vld.idx.msk [tilespmem:v43+s18+$0x0], $0xffff  }
0x1b1: {  	v46 =	vld.idx.msk [tilespmem:v44+s18+$0x0], $0xffff;
	[tilespmem:s0+$0xFFFFFFD0] =	vst v12;
	v12 =	vor.u32 $0x100, v6  }
0x1b2: {  	v4 =	vor.u32 $0x180, v4;
	v9 =	vld.idx.msk [tilespmem:v9+s18+$0x0], $0xffff;
	[tilespmem:s0+$0xFFFFFFC0] =	vst v42  }
0x1b3: {  	v10 =	vor.u32 $0x100, v2;
	v8 =	vld.idx.msk [tilespmem:v8+s18+$0x0], $0xffff;
	[tilespmem:s0+$0xFFFFFF90] =	vst v11  }
0x1b4: {  	v11 =	vld.idx.msk [tilespmem:v14+s18+$0x0], $0xffff;
	v14 =	vor.u32 $0x100, v1;
	[tilespmem:s0+$0xFFFFFFA0] =	vst v13  }
0x1b5: {  	v47 =	vor.u32 $0x100, v0;
	[tilespmem:s0+$0xFFFFFFB0] =	vst v15;
	v15 =	vld.idx.msk [tilespmem:v45+s18+$0x0], $0xffff  }
0x1b6: {  	v13 =	vor.u32 $0x100, v3;
	[tilespmem:s0+$0x0] =	vst v46;
	v12 =	vld.idx.msk [tilespmem:v12+s18+$0x0], $0xffff  }
0x1b7: {  	v5 =	vor.u32 $0x180, v5;
	[tilespmem:s0+$0xFFFFFFE0] =	vst v9;
	v4 =	vld.idx.msk [tilespmem:v4+s18+$0x0], $0xffff  }
0x1b8: {  	v7 =	vor.u32 $0x180, v7;
	[tilespmem:s0+$0xFFFFFFF0] =	vst v8;
	v8 =	vld.idx.msk [tilespmem:v10+s18+$0x0], $0xffff  }
0x1b9: {  	v6 =	vor.u32 $0x180, v6;
	[tilespmem:s0+$0x50] =	vst v11;
	v10 =	vld.idx.msk [tilespmem:v14+s18+$0x0], $0xffff  }
0x1ba: {  	v2 =	vor.u32 $0x180, v2;
	v11 =	vld.idx.msk [tilespmem:v47+s18+$0x0], $0xffff;
	[tilespmem:s0+$0x10] =	vst v15  }
0x1bb: {  	v0 =	vor.u32 $0x180, v0;
	v9 =	vld.idx.msk [tilespmem:v13+s18+$0x0], $0xffff;
	[tilespmem:s0+$0x30] =	vst v12  }
0x1bc: {  	v1 =	vor.u32 $0x180, v1;
	v5 =	vld.idx.msk [tilespmem:v5+s18+$0x0], $0xffff;
	[tilespmem:s0+$0x80] =	vst v4  }
0x1bd: {  	v3 =	vor.u32 $0x180, v3;
	v7 =	vld.idx.msk [tilespmem:v7+s18+$0x0], $0xffff;
	[tilespmem:s0+$0x20] =	vst v8  }
0x1be: {  	v4 =	vld.idx.msk [tilespmem:v6+s18+$0x0], $0xffff;
	[tilespmem:s0+$0x60] =	vst v10  }
0x1bf: {  	v2 =	vld.idx.msk [tilespmem:v2+s18+$0x0], $0xffff;
	[tilespmem:s0+$0x40] =	vst v11  }
0x1c0: {  	[tilespmem:s0+$0x70] =	vst v9;
	v0 =	vld.idx.msk [tilespmem:v0+s18+$0x0], $0xffff  }
0x1c1: {  	v1 =	vld.idx.msk [tilespmem:v1+s18+$0x0], $0xffff;
	[tilespmem:s0+$0xD0] =	vst v5  }
0x1c2: {  	v3 =	vld.idx.msk [tilespmem:v3+s18+$0x0], $0xffff;
	[tilespmem:s0+$0x90] =	vst v7  }
0x1c3: {  	[tilespmem:s0+$0xB0] =	vst v4  }
0x1c4: {  	[tilespmem:s0+$0xA0] =	vst v2  }
0x1c5: {  	[tilespmem:s0+$0xC0] =	vst v0  }
0x1c6: {  	s2 =	sor.u32 $0x800, s31;
	[tilespmem:s0+$0xE0] =	vst v1  }
0x1c7: {  	s9 =	simm.s32 $0x14800;
	[tilespmem:s0+$0xF0] =	vst v3;
	s0 =	sadd.s32 s4, s2  }
0x1c8: {  	[hbm4b:s0+s6] =	stream.linear.scatter [tilespmem:s9], [sflag:$0x6], $0x200, $0x38;
	[tilespmem:$0x18800] =	vst v63  }
0x1c9: {  	s10 =	simm.s32 $0x14C00;
	s16 =	sadd.s32 $0x80, s0  }
0x1ca: {  	[hbm4b:s16+s6] =	stream.linear.scatter [tilespmem:s10], [sflag:$0x6], $0x200, $0x38;
	[tilespmem:$0x18800] =	vst v63  }
0x1cb: {  	s10 =	sadd.s32 $0x100, s0;
	s16 =	simm.s32 $0x15000  }
0x1cc: {  	[hbm4b:s10+s6] =	stream.linear.scatter [tilespmem:s16], [sflag:$0x6], $0x200, $0x38;
	[tilespmem:$0x18800] =	vst v63  }
0x1cd: {  	s10 =	sadd.s32 $0x180, s0;
	s16 =	simm.s32 $0x15400  }
0x1ce: {  	[hbm4b:s10+s6] =	stream.linear.scatter [tilespmem:s16], [sflag:$0x6], $0x200, $0x38;
	[tilespmem:$0x18800] =	vst v63  }
0x1cf: {  	s10 =	sadd.s32 $0x200, s0;
	s16 =	simm.s32 $0x15800  }
0x1d0: {  	[hbm4b:s10+s6] =	stream.linear.scatter [tilespmem:s16], [sflag:$0x6], $0x200, $0x38;
	[tilespmem:$0x18800] =	vst v63  }
0x1d1: {  	s10 =	sadd.s32 $0x280, s0;
	s16 =	simm.s32 $0x15C00  }
0x1d2: {  	[hbm4b:s10+s6] =	stream.linear.scatter [tilespmem:s16], [sflag:$0x6], $0x200, $0x38;
	[tilespmem:$0x18800] =	vst v63  }
0x1d3: {  	s10 =	sadd.s32 $0x300, s0;
	s16 =	simm.s32 $0x16000  }
0x1d4: {  	[hbm4b:s10+s6] =	stream.linear.scatter [tilespmem:s16], [sflag:$0x6], $0x200, $0x38;
	[tilespmem:$0x18800] =	vst v63  }
0x1d5: {  	s10 =	sadd.s32 $0x380, s0;
	s16 =	simm.s32 $0x16400  }
0x1d6: {  	[hbm4b:s10+s6] =	stream.linear.scatter [tilespmem:s16], [sflag:$0x6], $0x200, $0x38;
	[tilespmem:$0x18800] =	vst v63  }
0x1d7: {  	s10 =	sadd.s32 $0x400, s0;
	s16 =	simm.s32 $0x16800  }
0x1d8: {  	[hbm4b:s10+s6] =	stream.linear.scatter [tilespmem:s16], [sflag:$0x6], $0x200, $0x38;
	[tilespmem:$0x18800] =	vst v63  }
0x1d9: {  	s10 =	sadd.s32 $0x480, s0;
	s16 =	simm.s32 $0x16C00  }
0x1da: {  	[hbm4b:s10+s6] =	stream.linear.scatter [tilespmem:s16], [sflag:$0x6], $0x200, $0x38;
	[tilespmem:$0x18800] =	vst v63  }
0x1db: {  	s10 =	sadd.s32 $0x500, s0;
	s16 =	simm.s32 $0x17000  }
0x1dc: {  	[hbm4b:s10+s6] =	stream.linear.scatter [tilespmem:s16], [sflag:$0x6], $0x200, $0x38;
	[tilespmem:$0x18800] =	vst v63  }
0x1dd: {  	s10 =	sadd.s32 $0x580, s0;
	s16 =	simm.s32 $0x17400  }
0x1de: {  	[hbm4b:s10+s6] =	stream.linear.scatter [tilespmem:s16], [sflag:$0x6], $0x200, $0x38;
	[tilespmem:$0x18800] =	vst v63  }
0x1df: {  	s10 =	sadd.s32 $0x600, s0;
	s16 =	simm.s32 $0x17800  }
0x1e0: {  	[hbm4b:s10+s6] =	stream.linear.scatter [tilespmem:s16], [sflag:$0x6], $0x200, $0x38;
	[tilespmem:$0x18800] =	vst v63  }
0x1e1: {  	s10 =	sadd.s32 $0x680, s0;
	s16 =	simm.s32 $0x17C00  }
0x1e2: {  	[hbm4b:s10+s6] =	stream.linear.scatter [tilespmem:s16], [sflag:$0x6], $0x200, $0x38;
	[tilespmem:$0x18800] =	vst v63  }
0x1e3: {  	s10 =	sadd.s32 $0x700, s0;
	s16 =	simm.s32 $0x18000  }
0x1e4: {  	[hbm4b:s10+s6] =	stream.linear.scatter [tilespmem:s16], [sflag:$0x6], $0x200, $0x38;
	[tilespmem:$0x18800] =	vst v63  }
0x1e5: {  	s0 =	sadd.s32 $0x780, s0;
	s10 =	simm.s32 $0x18400;
	s16 =	simm.s32 $0x40  }
0x1e6: {  	[hbm4b:s0+s6] =	stream.linear.scatter [tilespmem:s10], [sflag:$0x6], $0x200, $0x38;
	[tilespmem:$0x18800] =	vst v63  }
0x1e7: {  	v0 =	vld [tilespmem:s16+$0x30];
	_ =	sdelay $0x3  }
0x1e8: {  	v2 =	vld [tilespmem:s16+$0xFFFFFFC0]  }
0x1e9: {  	v1 =	vshll.u32 v0, $0x3  }
0x1ea: {  	v0 =	vand.u32 $0x7F, v0;
	v1 =	vand.u32 $0xFFFFFC00, v1  }
0x1eb: {  	v1 =	vor.u32 v0, v1  }
0x1ec: {  	v0 =	vor.u32 $0x200, v1  }
0x1ed: {  	v4 =	vshll.u32 v2, $0x3  }
0x1ee: {  	v9 =	vld [tilespmem:s16+$0xFFFFFFF0];
	v2 =	vand.u32 $0x7F, v2;
	v4 =	vand.u32 $0xFFFFFC00, v4  }
0x1ef: {  	v4 =	vor.u32 v2, v4;
	v2 =	vld [tilespmem:s16+$0x10]  }
0x1f0: {  	v5 =	vld [tilespmem:s16+$0xFFFFFFD0]  }
0x1f1: {  	v0 =	vld.idx.msk [tilespmem:v0+s18+$0x0], $0xffff  }
0x1f2: {  	v3 =	vor.u32 $0x280, v1;
	_ =	sdelay $0x1  }
0x1f3: {  	v6 =	vld [tilespmem:s16+$0x0];
	v48 =	vand.u32 $0x7F, v9;
	v12 =	vshll.u32 v2, $0x3  }
0x1f4: {  	s0 =	simm.s32 $0x14BF0;
	v7 =	vld [tilespmem:s16+$0x20];
	v9 =	vshll.u32 v9, $0x3;
	v2 =	vand.u32 $0x7F, v2;
	v12 =	vand.u32 $0xFFFFFC00, v12  }
0x1f5: {  	v10 =	vld [tilespmem:s16+$0xFFFFFFE0];
	v49 =	vshll.u32 v5, $0x3;
	v12 =	vor.u32 v2, v12;
	[tilespmem:s0+$0xFFFFFE80] =	vst v0;
	v0 =	vor.u32 $0x200, v4  }
0x1f6: {  	s10 =	simm.s32 $0xC0;
	v5 =	vand.u32 $0x7F, v5;
	v9 =	vand.u32 $0xFFFFFC00, v9;
	v15 =	vor.u32 $0x200, v12;
	v3 =	vld.idx.msk [tilespmem:v3+s18+$0x0], $0xffff  }
0x1f7: {  	v51 =	vld [tilespmem:s10+$0x30];
	v17 =	vand.u32 $0xFFFFFC00, v49;
	v9 =	vor.u32 v48, v9;
	v8 =	vor.u32 $0x300, v1  }
0x1f8: {  	v22 =	vld [tilespmem:s10+$0xFFFFFFC0];
	v17 =	vor.u32 v5, v17;
	v5 =	vor.u32 $0x200, v9  }
0x1f9: {  	v14 =	vor.u32 $0x380, v1;
	v1 =	vld [tilespmem:s10+$0x0]  }
0x1fa: {  	v11 =	vld.idx.msk [tilespmem:v0+s18+$0x0], $0xffff  }
0x1fb: {  	v13 =	vor.u32 $0x280, v4;
	v15 =	vld.idx.msk [tilespmem:v15+s18+$0x0], $0xffff;
	[tilespmem:s0+$0xFFFFFF00] =	vst v3;
	v3 =	vshll.u32 v7, $0x3  }
0x1fc: {  	v21 =	vor.u32 $0x280, v12;
	v7 =	vand.u32 $0x7F, v7;
	v8 =	vld.idx.msk [tilespmem:v8+s18+$0x0], $0xffff;
	v3 =	vand.u32 $0xFFFFFC00, v3  }
0x1fd: {  	v5 =	vld.idx.msk [tilespmem:v5+s18+$0x0], $0xffff;
	v7 =	vor.u32 v7, v3  }
0x1fe: {  	v2 =	vld [tilespmem:s10+$0x10];
	v50 =	vor.u32 $0x200, v7  }
0x1ff: {  	v0 =	vld [tilespmem:s10+$0xFFFFFFD0];
	[tilespmem:s0+$0xFFFFFE10] =	vst v11;
	v11 =	vshll.u32 v6, $0x3  }
0x200: {  	v52 =	vor.u32 $0x200, v17;
	[tilespmem:s0+$0xFFFFFE60] =	vst v15;
	v6 =	vand.u32 $0x7F, v6;
	v13 =	vld.idx.msk [tilespmem:v13+s18+$0x0], $0xffff;
	v11 =	vand.u32 $0xFFFFFC00, v11  }
0x201: {  	v21 =	vld.idx.msk [tilespmem:v21+s18+$0x0], $0xffff;
	[tilespmem:s0+$0xFFFFFF80] =	vst v8;
	v6 =	vor.u32 v6, v11;
	v8 =	vor.u32 $0x300, v4  }
0x202: {  	v11 =	vld.idx.msk [tilespmem:v14+s18+$0x0], $0xffff;
	v14 =	vshll.u32 v10, $0x3;
	v53 =	vor.u32 $0x200, v6  }
0x203: {  	v55 =	vor.u32 $0x300, v12;
	v10 =	vand.u32 $0x7F, v10;
	v18 =	vld.idx.msk [tilespmem:v50+s18+$0x0], $0xffff;
	v14 =	vand.u32 $0xFFFFFC00, v14  }
0x204: {  	v3 =	vld [tilespmem:s10+$0x20];
	v10 =	vor.u32 v10, v14;
	v14 =	vor.u32 $0x280, v7  }
0x205: {  	v23 =	vor.u32 $0x200, v10;
	[tilespmem:s0+$0xFFFFFE90] =	vst v13;
	v13 =	vld.idx.msk [tilespmem:v52+s18+$0x0], $0xffff  }
0x206: {  	v54 =	vor.u32 $0x280, v9;
	[tilespmem:s0+$0xFFFFFE40] =	vst v5;
	v8 =	vld.idx.msk [tilespmem:v8+s18+$0x0], $0xffff  }
0x207: {  	v15 =	vor.u32 $0x280, v17;
	[tilespmem:s0+$0xFFFFFEE0] =	vst v21;
	v20 =	vld.idx.msk [tilespmem:v53+s18+$0x0], $0xffff  }
0x208: {  	v4 =	vor.u32 $0x380, v4;
	[tilespmem:s0+$0xFFFFFE70] =	vst v18;
	v18 =	vld.idx.msk [tilespmem:v55+s18+$0x0], $0xffff  }
0x209: {  	[tilespmem:s0+$0x0] =	vst v11;
	v11 =	vor.u32 $0x280, v6;
	v14 =	vld.idx.msk [tilespmem:v14+s18+$0x0], $0xffff  }
0x20a: {  	v56 =	vor.u32 $0x300, v7;
	v23 =	vld.idx.msk [tilespmem:v23+s18+$0x0], $0xffff;
	[tilespmem:s0+$0xFFFFFE20] =	vst v13  }
0x20b: {  	v5 =	vshll.u32 v51, $0x3;
	v24 =	vor.u32 $0x280, v10;
	v13 =	vld.idx.msk [tilespmem:v54+s18+$0x0], $0xffff;
	[tilespmem:s0+$0xFFFFFF10] =	vst v8  }
0x20c: {  	v57 =	vor.u32 $0x300, v9;
	v5 =	vand.u32 $0xFFFFFC00, v5;
	v8 =	vld.idx.msk [tilespmem:v15+s18+$0x0], $0xffff;
	v15 =	vand.u32 $0x7F, v51;
	[tilespmem:s0+$0xFFFFFE50] =	vst v20  }
0x20d: {  	v4 =	vld.idx.msk [tilespmem:v4+s18+$0x0], $0xffff;
	v5 =	vor.u32 v15, v5;
	v15 =	vor.u32 $0x300, v17;
	[tilespmem:s0+$0xFFFFFF60] =	vst v18  }
0x20e: {  	v12 =	vor.u32 $0x380, v12;
	v11 =	vld.idx.msk [tilespmem:v11+s18+$0x0], $0xffff;
	[tilespmem:s0+$0xFFFFFEF0] =	vst v14  }
0x20f: {  	v58 =	vor.u32 $0x200, v5;
	[tilespmem:s0+$0xFFFFFE30] =	vst v23;
	v19 =	vld.idx.msk [tilespmem:v56+s18+$0x0], $0xffff  }
0x210: {  	v14 =	vor.u32 $0x300, v6;
	[tilespmem:s0+$0xFFFFFEC0] =	vst v13;
	v59 =	vld.idx.msk [tilespmem:v24+s18+$0x0], $0xffff  }
0x211: {  	v7 =	vor.u32 $0x380, v7;
	[tilespmem:s0+$0xFFFFFEA0] =	vst v8;
	v8 =	vld.idx.msk [tilespmem:v57+s18+$0x0], $0xffff  }
0x212: {  	v13 =	vor.u32 $0x300, v10;
	[tilespmem:s0+$0xFFFFFF90] =	vst v4;
	v4 =	vld.idx.msk [tilespmem:v15+s18+$0x0], $0xffff  }
0x213: {  	v9 =	vor.u32 $0x380, v9;
	v12 =	vld.idx.msk [tilespmem:v12+s18+$0x0], $0xffff;
	[tilespmem:s0+$0xFFFFFED0] =	vst v11  }
0x214: {  	v15 =	vld.idx.msk [tilespmem:v58+s18+$0x0], $0xffff;
	[tilespmem:s0+$0xFFFFFF70] =	vst v19  }
0x215: {  	v11 =	vor.u32 $0x380, v17;
	v14 =	vld.idx.msk [tilespmem:v14+s18+$0x0], $0xffff;
	[tilespmem:s0+$0xFFFFFEB0] =	vst v59  }
0x216: {  	v60 =	vor.u32 $0x280, v5;
	v62 =	vld.idx.msk [tilespmem:v7+s18+$0x0], $0xffff;
	[tilespmem:s0+$0xFFFFFF40] =	vst v8  }
0x217: {  	v61 =	vor.u32 $0x380, v6;
	v63 =	vld.idx.msk [tilespmem:v13+s18+$0x0], $0xffff;
	[tilespmem:s0+$0xFFFFFF20] =	vst v4;
	v4 =	vshll.u32 v22, $0x3  }
0x218: {  	s9 =	simm.s32 $0x14FF0;
	[tilespmem:s0+$0xFFFFFFE0] =	vst v12;
	v8 =	vld.idx.msk [tilespmem:v9+s18+$0x0], $0xffff;
	v9 =	vand.u32 $0x7F, v22;
	v4 =	vand.u32 $0xFFFFFC00, v4  }
0x219: {  	v10 =	vor.u32 $0x380, v10;
	v12 =	vld [tilespmem:s10+$0xFFFFFFF0];
	[tilespmem:s9+$0xFFFFFE80] =	vst v15;
	v4 =	vor.u32 v9, v4  }
0x21a: {  	v6 =	vld.idx.msk [tilespmem:v11+s18+$0x0], $0xffff;
	[tilespmem:s0+$0xFFFFFF50] =	vst v14;
	v14 =	vor.u32 $0x200, v4  }
0x21b: {  	v11 =	vld.idx.msk [tilespmem:v60+s18+$0x0], $0xffff  }
0x21c: {  	v13 =	vor.u32 $0x300, v5;
	v7 =	vld.idx.msk [tilespmem:v61+s18+$0x0], $0xffff;
	[tilespmem:s0+$0xFFFFFFF0] =	vst v62  }
0x21d: {  	s16 =	simm.s32 $0x8;
	v9 =	vld [tilespmem:s10+$0xFFFFFFE0];
	[tilespmem:s0+$0xFFFFFF30] =	vst v63  }
.LBB2_13:
0x21e: {  	s16 =	sadd.s32 $0x8, s16;
	v15 =	vor.u32 $0x280, v4;
	v16 =	vshll.u32 v3, $0x3;
	v5 =	vor.u32 $0x380, v5;
	v10 =	vld.idx.msk [tilespmem:v10+s18+$0x0], $0xffff  }
0x21f: {  	v17 =	vshll.u32 v2, $0x3;
	v3 =	vand.u32 $0x7F, v3;
	s10 =	sadd.s32 $0x80, s10;
	p0 =	slt.u32 s16, $0x78;
	v14 =	vld.idx.msk [tilespmem:v14+s18+$0x0], $0xffff;
	v16 =	vand.u32 $0xFFFFFC00, v16;
	[tilespmem:s0+$0xFFFFFFC0] =	vst v8  }
0x220: {  	v18 =	vand.u32 $0x7F, v1;
	v2 =	vand.u32 $0x7F, v2;
	v17 =	vand.u32 $0xFFFFFC00, v17;
	v8 =	vld [tilespmem:s10+$0xFFFFFFD0];
	[tilespmem:s9+$0xFFFFFF00] =	vst v11  }
0x221: {  	v17 =	vor.u32 v2, v17;
	v11 =	vand.u32 $0x7F, v12;
	v12 =	vshll.u32 v12, $0x3;
	v13 =	vld.idx.msk [tilespmem:v13+s18+$0x0], $0xffff;
	[tilespmem:s0+$0xFFFFFFD0] =	vst v7  }
0x222: {  	v20 =	vor.u32 $0x200, v17;
	v7 =	vld [tilespmem:s10+$0x0];
	v19 =	vand.u32 $0x7F, v9;
	v12 =	vand.u32 $0xFFFFFC00, v12;
	[tilespmem:s0+$0xFFFFFFA0] =	vst v6  }
0x223: {  	v16 =	vor.u32 v3, v16;
	v6 =	vshll.u32 v0, $0x3;
	v9 =	vshll.u32 v9, $0x3;
	v2 =	vld [tilespmem:s10+$0x10]  }
0x224: {  	v6 =	vand.u32 $0xFFFFFC00, v6;
	v11 =	vor.u32 v11, v12;
	v12 =	vor.u32 $0x200, v16;
	v3 =	vld [tilespmem:s10+$0x20];
	[tilespmem:s0+$0xFFFFFFB0] =	vst v10;
	s0 =	smov.u32 s9  }
0x225: {  	v1 =	vshll.u32 v1, $0x3;
	v9 =	vand.u32 $0xFFFFFC00, v9;
	v10 =	vld [tilespmem:s10+$0x30];
	[tilespmem:s9+$0xFFFFFE10] =	vst v14;
	v14 =	vand.u32 $0x7F, v0;
	v0 =	vmovc v8  }
0x226: {  	v23 =	vand.u32 $0xFFFFFC00, v1;
	v8 =	vld.idx.msk [tilespmem:v15+s18+$0x0], $0xffff;
	v6 =	vor.u32 v14, v6;
	v14 =	vor.u32 $0x200, v11  }
0x227: {  	v18 =	vor.u32 v18, v23;
	v9 =	vor.u32 v19, v9;
	v15 =	vor.u32 $0x200, v6;
	v19 =	vld.idx.msk [tilespmem:v20+s18+$0x0], $0xffff;
	[tilespmem:s9+$0xFFFFFF80] =	vst v13  }
0x228: {  	v21 =	vor.u32 $0x200, v18;
	v13 =	vor.u32 $0x300, v4;
	v20 =	vor.u32 $0x200, v9;
	v1 =	vmovc v7;
	v22 =	vld.idx.msk [tilespmem:v5+s18+$0x0], $0xffff  }
0x229: {  	v7 =	vor.u32 $0x280, v17;
	v12 =	vld.idx.msk [tilespmem:v12+s18+$0x0], $0xffff  }
0x22a: {  	v23 =	vld [tilespmem:s10+$0xFFFFFFC0];
	v5 =	vshll.u32 v10, $0x3  }
0x22b: {  	v24 =	vor.u32 $0x280, v16;
	v10 =	vand.u32 $0x7F, v10;
	v5 =	vand.u32 $0xFFFFFC00, v5;
	v14 =	vld.idx.msk [tilespmem:v14+s18+$0x0], $0xffff  }
0x22c: {  	v5 =	vor.u32 v10, v5;
	[tilespmem:s9+$0xFFFFFE90] =	vst v8;
	v8 =	vld.idx.msk [tilespmem:v15+s18+$0x0], $0xffff  }
0x22d: {  	v10 =	vld.idx.msk [tilespmem:v13+s18+$0x0], $0xffff;
	v13 =	vor.u32 $0x280, v11;
	[tilespmem:s9+$0xFFFFFE60] =	vst v19  }
0x22e: {  	v15 =	vor.u32 $0x380, v4;
	v19 =	vor.u32 $0x280, v6;
	v21 =	vld.idx.msk [tilespmem:v21+s18+$0x0], $0xffff;
	[tilespmem:s9+$0x0] =	vst v22  }
0x22f: {  	v25 =	vor.u32 $0x280, v18;
	v22 =	vor.u32 $0x280, v9;
	v4 =	vshll.u32 v23, $0x3;
	v7 =	vld.idx.msk [tilespmem:v7+s18+$0x0], $0xffff;
	[tilespmem:s9+$0xFFFFFE70] =	vst v12  }
0x230: {  	v12 =	vand.u32 $0x7F, v23;
	v23 =	vor.u32 $0x300, v17;
	v4 =	vand.u32 $0xFFFFFC00, v4;
	v24 =	vld.idx.msk [tilespmem:v24+s18+$0x0], $0xffff  }
0x231: {  	v4 =	vor.u32 v12, v4;
	v12 =	vld.idx.msk [tilespmem:v20+s18+$0x0], $0xffff;
	[tilespmem:s9+$0xFFFFFE40] =	vst v14  }
0x232: {  	[tilespmem:s9+$0xFFFFFE20] =	vst v8;
	v8 =	vld.idx.msk [tilespmem:v13+s18+$0x0], $0xffff;
	v13 =	vor.u32 $0x300, v16  }
0x233: {  	[tilespmem:s9+$0xFFFFFF10] =	vst v10;
	v10 =	vld.idx.msk [tilespmem:v19+s18+$0x0], $0xffff  }
0x234: {  	v14 =	vld.idx.msk [tilespmem:v15+s18+$0x0], $0xffff;
	v15 =	vor.u32 $0x300, v11;
	[tilespmem:s9+$0xFFFFFE50] =	vst v21  }
0x235: {  	v19 =	vor.u32 $0x300, v6;
	v20 =	vld.idx.msk [tilespmem:v25+s18+$0x0], $0xffff;
	[tilespmem:s9+$0xFFFFFEE0] =	vst v7  }
0x236: {  	v21 =	vor.u32 $0x300, v9;
	v7 =	vor.u32 $0x200, v5;
	v25 =	vor.u32 $0x300, v18;
	v23 =	vld.idx.msk [tilespmem:v23+s18+$0x0], $0xffff;
	[tilespmem:s9+$0xFFFFFEF0] =	vst v24  }
0x237: {  	[tilespmem:s9+$0xFFFFFE30] =	vst v12;
	v12 =	vld.idx.msk [tilespmem:v13+s18+$0x0], $0xffff  }
0x238: {  	v13 =	vld.idx.msk [tilespmem:v22+s18+$0x0], $0xffff;
	[tilespmem:s9+$0xFFFFFEC0] =	vst v8;
	v8 =	vor.u32 $0x380, v17  }
0x239: {  	[tilespmem:s9+$0xFFFFFEA0] =	vst v10;
	v15 =	vld.idx.msk [tilespmem:v15+s18+$0x0], $0xffff;
	v10 =	vor.u32 $0x380, v16  }
0x23a: {  	[tilespmem:s9+$0xFFFFFF90] =	vst v14;
	v14 =	vld.idx.msk [tilespmem:v19+s18+$0x0], $0xffff  }
0x23b: {  	v11 =	vor.u32 $0x380, v11;
	v7 =	vld.idx.msk [tilespmem:v7+s18+$0x0], $0xffff;
	[tilespmem:s9+$0xFFFFFED0] =	vst v20  }
0x23c: {  	v6 =	vor.u32 $0x380, v6;
	v16 =	vld.idx.msk [tilespmem:v25+s18+$0x0], $0xffff;
	[tilespmem:s9+$0xFFFFFF60] =	vst v23  }
0x23d: {  	v17 =	vor.u32 $0x280, v5;
	v19 =	vld.idx.msk [tilespmem:v8+s18+$0x0], $0xffff;
	[tilespmem:s9+$0xFFFFFF70] =	vst v12  }
0x23e: {  	v12 =	vor.u32 $0x380, v18;
	[tilespmem:s9+$0xFFFFFEB0] =	vst v13;
	v18 =	vld.idx.msk [tilespmem:v10+s18+$0x0], $0xffff  }
0x23f: {  	v10 =	vor.u32 $0x380, v9;
	v20 =	vld.idx.msk [tilespmem:v21+s18+$0x0], $0xffff;
	[tilespmem:s9+$0xFFFFFF40] =	vst v15  }
0x240: {  	s9 =	sadd.s32 $0x400, s9;
	[tilespmem:s0+$0xFFFFFF20] =	vst v14;
	v8 =	vld.idx.msk [tilespmem:v11+s18+$0x0], $0xffff  }
.Ltmp8:
0x241: {  	[tilespmem:s9+$0xFFFFFE80] =	vst v7;
	v6 =	vld.idx.msk [tilespmem:v6+s18+$0x0], $0xffff;
	(pc) =	sbr.rel @p0 .LBB2_13-.Ltmp8, $4  }
0x242: {  	v14 =	vor.u32 $0x200, v4;
	v11 =	vld.idx.msk [tilespmem:v17+s18+$0x0], $0xffff;
	[tilespmem:s0+$0xFFFFFF50] =	vst v16  }
0x243: {  	v7 =	vld.idx.msk [tilespmem:v12+s18+$0x0], $0xffff;
	[tilespmem:s0+$0xFFFFFFE0] =	vst v19  }
0x244: {  	v13 =	vor.u32 $0x300, v5;
	v12 =	vld [tilespmem:s10+$0xFFFFFFF0];
	[tilespmem:s0+$0xFFFFFFF0] =	vst v18  }
0x245: {  	v9 =	vld [tilespmem:s10+$0xFFFFFFE0];
	[tilespmem:s0+$0xFFFFFF30] =	vst v20  }
0x246: {  	_ =	sdelay $0x1  }
0x247: {  	v15 =	vor.u32 $0x280, v4  }
0x248: {  	v16 =	vshll.u32 v3, $0x3;
	v5 =	vor.u32 $0x380, v5;
	v17 =	vshll.u32 v2, $0x3  }
0x249: {  	v14 =	vld.idx.msk [tilespmem:v14+s18+$0x0], $0xffff;
	v3 =	vand.u32 $0x7F, v3;
	v2 =	vand.u32 $0x7F, v2;
	v17 =	vand.u32 $0xFFFFFC00, v17  }
0x24a: {  	v18 =	vshll.u32 v0, $0x3;
	v16 =	vand.u32 $0xFFFFFC00, v16;
	[tilespmem:s9+$0xFFFFFF00] =	vst v11;
	v2 =	vor.u32 v2, v17  }
0x24b: {  	v13 =	vld.idx.msk [tilespmem:v13+s18+$0x0], $0xffff;
	v11 =	vand.u32 $0x7F, v12;
	v12 =	vshll.u32 v12, $0x3;
	v17 =	vor.u32 $0x200, v2  }
0x24c: {  	v0 =	vand.u32 $0x7F, v0;
	v3 =	vor.u32 v3, v16;
	v12 =	vand.u32 $0xFFFFFC00, v12  }
0x24d: {  	v16 =	vand.u32 $0xFFFFFC00, v18;
	v11 =	vor.u32 v11, v12;
	v12 =	vor.u32 $0x200, v3  }
0x24e: {  	v10 =	vld.idx.msk [tilespmem:v10+s18+$0x0], $0xffff;
	v0 =	vor.u32 v0, v16;
	[tilespmem:s9+$0xFFFFFE10] =	vst v14;
	v14 =	vshll.u32 v1, $0x3;
	v16 =	vor.u32 $0x200, v11  }
0x24f: {  	[tilespmem:s0+$0xFFFFFFC0] =	vst v8;
	v1 =	vand.u32 $0x7F, v1;
	v8 =	vld.idx.msk [tilespmem:v15+s18+$0x0], $0xffff;
	v14 =	vand.u32 $0xFFFFFC00, v14;
	v15 =	vor.u32 $0x200, v0  }
0x250: {  	v18 =	vshll.u32 v9, $0x3;
	v1 =	vor.u32 v1, v14;
	[tilespmem:s9+$0xFFFFFF80] =	vst v13;
	v13 =	vor.u32 $0x300, v4;
	v14 =	vld.idx.msk [tilespmem:v17+s18+$0x0], $0xffff  }
0x251: {  	[tilespmem:s0+$0xFFFFFFD0] =	vst v7;
	v7 =	vand.u32 $0x7F, v9;
	v9 =	vand.u32 $0xFFFFFC00, v18;
	v17 =	vor.u32 $0x200, v1;
	v5 =	vld.idx.msk [tilespmem:v5+s18+$0x0], $0xffff  }
0x252: {  	[tilespmem:s0+$0xFFFFFFA0] =	vst v6;
	v6 =	vor.u32 v7, v9;
	v7 =	vor.u32 $0x280, v2;
	v9 =	vld.idx.msk [tilespmem:v12+s18+$0x0], $0xffff  }
0x253: {  	[tilespmem:s0+$0xFFFFFFB0] =	vst v10;
	v10 =	vor.u32 $0x200, v6;
	v12 =	vld.idx.msk [tilespmem:v16+s18+$0x0], $0xffff  }
0x254: {  	v16 =	vor.u32 $0x280, v3;
	[tilespmem:s9+$0xFFFFFE90] =	vst v8;
	v8 =	vld.idx.msk [tilespmem:v15+s18+$0x0], $0xffff  }
0x255: {  	v15 =	vor.u32 $0x280, v11;
	v13 =	vld.idx.msk [tilespmem:v13+s18+$0x0], $0xffff;
	[tilespmem:s9+$0xFFFFFE60] =	vst v14  }
0x256: {  	v14 =	vor.u32 $0x280, v0;
	v17 =	vld.idx.msk [tilespmem:v17+s18+$0x0], $0xffff;
	[tilespmem:s9+$0x0] =	vst v5  }
0x257: {  	v5 =	vor.u32 $0x280, v1;
	v7 =	vld.idx.msk [tilespmem:v7+s18+$0x0], $0xffff;
	[tilespmem:s9+$0xFFFFFE70] =	vst v9  }
0x258: {  	v4 =	vor.u32 $0x380, v4;
	v9 =	vld.idx.msk [tilespmem:v10+s18+$0x0], $0xffff;
	[tilespmem:s9+$0xFFFFFE40] =	vst v12  }
0x259: {  	v10 =	vor.u32 $0x280, v6;
	v12 =	vld.idx.msk [tilespmem:v16+s18+$0x0], $0xffff;
	[tilespmem:s9+$0xFFFFFE20] =	vst v8  }
0x25a: {  	v8 =	vor.u32 $0x300, v2;
	v15 =	vld.idx.msk [tilespmem:v15+s18+$0x0], $0xffff;
	[tilespmem:s9+$0xFFFFFF10] =	vst v13  }
0x25b: {  	v13 =	vor.u32 $0x300, v3;
	v14 =	vld.idx.msk [tilespmem:v14+s18+$0x0], $0xffff;
	[tilespmem:s9+$0xFFFFFE50] =	vst v17  }
0x25c: {  	v16 =	vor.u32 $0x300, v11;
	v5 =	vld.idx.msk [tilespmem:v5+s18+$0x0], $0xffff;
	[tilespmem:s9+$0xFFFFFEE0] =	vst v7  }
0x25d: {  	v4 =	vld.idx.msk [tilespmem:v4+s18+$0x0], $0xffff;
	v7 =	vor.u32 $0x300, v1;
	[tilespmem:s9+$0xFFFFFE30] =	vst v9  }
0x25e: {  	v9 =	vor.u32 $0x300, v0;
	[tilespmem:s9+$0xFFFFFEF0] =	vst v12;
	v10 =	vld.idx.msk [tilespmem:v10+s18+$0x0], $0xffff  }
0x25f: {  	v12 =	vor.u32 $0x300, v6;
	v8 =	vld.idx.msk [tilespmem:v8+s18+$0x0], $0xffff;
	[tilespmem:s9+$0xFFFFFEC0] =	vst v15  }
0x260: {  	v2 =	vor.u32 $0x380, v2;
	v13 =	vld.idx.msk [tilespmem:v13+s18+$0x0], $0xffff;
	[tilespmem:s9+$0xFFFFFEA0] =	vst v14  }
0x261: {  	v3 =	vor.u32 $0x380, v3;
	v14 =	vld.idx.msk [tilespmem:v16+s18+$0x0], $0xffff;
	[tilespmem:s9+$0xFFFFFED0] =	vst v5  }
0x262: {  	[tilespmem:s9+$0xFFFFFF90] =	vst v4;
	v4 =	vor.u32 $0x380, v11;
	v5 =	vld.idx.msk [tilespmem:v7+s18+$0x0], $0xffff  }
0x263: {  	v1 =	vor.u32 $0x380, v1;
	v7 =	vld.idx.msk [tilespmem:v9+s18+$0x0], $0xffff;
	[tilespmem:s9+$0xFFFFFEB0] =	vst v10  }
0x264: {  	v0 =	vor.u32 $0x380, v0;
	[tilespmem:s9+$0xFFFFFF60] =	vst v8;
	v8 =	vld.idx.msk [tilespmem:v12+s18+$0x0], $0xffff  }
0x265: {  	v6 =	vor.u32 $0x380, v6;
	v2 =	vld.idx.msk [tilespmem:v2+s18+$0x0], $0xffff;
	[tilespmem:s9+$0xFFFFFF70] =	vst v13  }
0x266: {  	v3 =	vld.idx.msk [tilespmem:v3+s18+$0x0], $0xffff;
	[tilespmem:s9+$0xFFFFFF40] =	vst v14  }
0x267: {  	v4 =	vld.idx.msk [tilespmem:v4+s18+$0x0], $0xffff;
	[tilespmem:s9+$0xFFFFFF50] =	vst v5  }
0x268: {  	[tilespmem:s9+$0xFFFFFF20] =	vst v7;
	v1 =	vld.idx.msk [tilespmem:v1+s18+$0x0], $0xffff  }
0x269: {  	v0 =	vld.idx.msk [tilespmem:v0+s18+$0x0], $0xffff;
	[tilespmem:s9+$0xFFFFFF30] =	vst v8  }
0x26a: {  	[tilespmem:s9+$0xFFFFFFE0] =	vst v2;
	v2 =	vld.idx.msk [tilespmem:v6+s18+$0x0], $0xffff  }
0x26b: {  	[tilespmem:s9+$0xFFFFFFF0] =	vst v3  }
0x26c: {  	[tilespmem:s9+$0xFFFFFFC0] =	vst v4  }
0x26d: {  	[tilespmem:s9+$0xFFFFFFD0] =	vst v1  }
0x26e: {  	[tilespmem:s9+$0xFFFFFFA0] =	vst v0  }
0x26f: {  	s0 =	sadd.s32 s2, s11;
	[tilespmem:s9+$0xFFFFFFB0] =	vst v2;
	s9 =	simm.s32 $0x14A00  }
0x270: {  	[hbm4b:s0+s6] =	stream.linear.scatter [tilespmem:s9], [sflag:$0x6], $0x200, $0x38;
	[tilespmem:$0x18800] =	vst v63  }
0x271: {  	s16 =	simm.s32 $0x14E00;
	s10 =	sadd.s32 $0x80, s0  }
0x272: {  	[hbm4b:s10+s6] =	stream.linear.scatter [tilespmem:s16], [sflag:$0x6], $0x200, $0x38;
	[tilespmem:$0x18800] =	vst v63  }
0x273: {  	s10 =	sadd.s32 $0x100, s0;
	s16 =	simm.s32 $0x15200  }
0x274: {  	[hbm4b:s10+s6] =	stream.linear.scatter [tilespmem:s16], [sflag:$0x6], $0x200, $0x38;
	[tilespmem:$0x18800] =	vst v63  }
0x275: {  	s10 =	sadd.s32 $0x180, s0;
	s16 =	simm.s32 $0x15600  }
0x276: {  	[hbm4b:s10+s6] =	stream.linear.scatter [tilespmem:s16], [sflag:$0x6], $0x200, $0x38;
	[tilespmem:$0x18800] =	vst v63  }
0x277: {  	s10 =	sadd.s32 $0x200, s0;
	s16 =	simm.s32 $0x15A00  }
0x278: {  	[hbm4b:s10+s6] =	stream.linear.scatter [tilespmem:s16], [sflag:$0x6], $0x200, $0x38;
	[tilespmem:$0x18800] =	vst v63  }
0x279: {  	s10 =	sadd.s32 $0x280, s0;
	s16 =	simm.s32 $0x15E00  }
0x27a: {  	[hbm4b:s10+s6] =	stream.linear.scatter [tilespmem:s16], [sflag:$0x6], $0x200, $0x38;
	[tilespmem:$0x18800] =	vst v63  }
0x27b: {  	s10 =	sadd.s32 $0x300, s0;
	s16 =	simm.s32 $0x16200  }
0x27c: {  	[hbm4b:s10+s6] =	stream.linear.scatter [tilespmem:s16], [sflag:$0x6], $0x200, $0x38;
	[tilespmem:$0x18800] =	vst v63  }
0x27d: {  	s9 =	sadd.s32 $0x380, s0  }
0x27e: {  	[hbm4b:s9+s6] =	stream.linear.scatter [tilespmem:s7], [sflag:$0x6], $0x200, $0x38;
	[tilespmem:$0x18800] =	vst v63  }
0x27f: {  	s10 =	sadd.s32 $0x400, s0  }
0x280: {  	[hbm4b:s10+s6] =	stream.linear.scatter [tilespmem:s21], [sflag:$0x6], $0x200, $0x38;
	[tilespmem:$0x18800] =	vst v63  }
0x281: {  	s16 =	sadd.s32 $0x480, s0  }
0x282: {  	[hbm4b:s16+s6] =	stream.linear.scatter [tilespmem:s12], [sflag:$0x6], $0x200, $0x38;
	[tilespmem:$0x18800] =	vst v63  }
0x283: {  	s9 =	sadd.s32 $0x500, s0  }
0x284: {  	[hbm4b:s9+s6] =	stream.linear.scatter [tilespmem:s15], [sflag:$0x6], $0x200, $0x38;
	[tilespmem:$0x18800] =	vst v63  }
0x285: {  	s10 =	sadd.s32 $0x580, s0  }
0x286: {  	[hbm4b:s10+s6] =	stream.linear.scatter [tilespmem:s13], [sflag:$0x6], $0x200, $0x38;
	[tilespmem:$0x18800] =	vst v63  }
0x287: {  	s16 =	sadd.s32 $0x600, s0  }
0x288: {  	[hbm4b:s16+s6] =	stream.linear.scatter [tilespmem:s14], [sflag:$0x6], $0x200, $0x38;
	[tilespmem:$0x18800] =	vst v63  }
0x289: {  	s9 =	sadd.s32 $0x680, s0  }
0x28a: {  	[hbm4b:s9+s6] =	stream.linear.scatter [tilespmem:s5], [sflag:$0x6], $0x200, $0x38;
	[tilespmem:$0x18800] =	vst v63  }
0x28b: {  	s10 =	sadd.s32 $0x700, s0  }
0x28c: {  	[hbm4b:s10+s6] =	stream.linear.scatter [tilespmem:s23], [sflag:$0x6], $0x200, $0x38;
	[tilespmem:$0x18800] =	vst v63  }
0x28d: {  	s0 =	sadd.s32 $0x780, s0  }
0x28e: {  	[hbm4b:s0+s6] =	stream.linear.scatter [tilespmem:s24], [sflag:$0x6], $0x200, $0x38;
	[tilespmem:$0x18800] =	vst v63  }
0x28f: {  	p0 =	seq.s32 s29, $0xF;
	s0 =	rddreg [dreg:$0xa]  }
0x290: {  	s0 =	sadd.s32 @!p0 s30, s0  }
0x291: {  	s0 =	sshll.u32 @!p0 s0, $0x8  }
0x292: {  	s2 =	simm.s32 @!p0 $0x0;
	s9 =	simm.s32 @!p0 $0x4800;
	s0 =	sadd.s32 @!p0 s1, s0  }
0x293: {  	[tilespmem:s9], [sflag:$0x2] =	stream.linear.gather @!p0 [hbm4b:s0+s2], $0x4000, $0x38;
	[tilespmem:$0x18800] =	vst v63  }
0x294: {  	_ =	swait.ge [sflag:s25], $0x4000  }
0x295: {  	[sflag:s25] =	ssyncset.done $0x0  }
0x296: {  	[sflag:s25] =	ssyncadd.s32 $0xFFFFC000  }
0x297: {  	_ =	swait.ge [sflag:s26], $0x4000  }
0x298: {  	[sflag:s26] =	ssyncset.done $0x0  }
0x299: {  	s16 =	simm.s32 $0x40;
	[sflag:s26] =	ssyncadd.s32 $0xFFFFC000  }
0x29a: {  	v0 =	vld [tilespmem:s16+$0xFFFFFFC0]  }
0x29b: {  	v1 =	vld [tilespmem:s16+$0x10]  }
0x29c: {  	v3 =	vld [tilespmem:s16+$0xFFFFFFE0]  }
0x29d: {  	v2 =	vld [tilespmem:s16+$0x0];
	_ =	sdelay $0x1  }
0x29e: {  	v6 =	vld [tilespmem:s16+$0x20]  }
0x29f: {  	v7 =	vld [tilespmem:s16+$0xFFFFFFF0];
	v4 =	vshll.u32 v0, $0x3;
	v0 =	vand.u32 $0x7F, v0;
	v5 =	vshll.u32 v1, $0x3  }
0x2a0: {  	v1 =	vand.u32 $0x7F, v1;
	v9 =	vshll.u32 v3, $0x3;
	v4 =	vand.u32 $0xFFFFFC00, v4  }
0x2a1: {  	v8 =	vld [tilespmem:s16+$0xFFFFFFD0];
	v3 =	vand.u32 $0x7F, v3;
	v4 =	vor.u32 v0, v4;
	v0 =	vshll.u32 v2, $0x3  }
0x2a2: {  	v5 =	vand.u32 $0xFFFFFC00, v5;
	v2 =	vand.u32 $0x7F, v2;
	v0 =	vand.u32 $0xFFFFFC00, v0  }
0x2a3: {  	v5 =	vor.u32 v1, v5;
	v0 =	vor.u32 v2, v0;
	v2 =	vand.u32 $0xFFFFFC00, v9;
	v9 =	vld [tilespmem:s16+$0x30]  }
0x2a4: {  	v11 =	vand.u32 $0x7F, v7;
	v2 =	vor.u32 v3, v2;
	v3 =	vshll.u32 v6, $0x3  }
0x2a5: {  	v1 =	vand.u32 $0x7F, v6;
	v12 =	vor.u32 $0x80, v4;
	v3 =	vand.u32 $0xFFFFFC00, v3  }
0x2a6: {  	v6 =	vshll.u32 v7, $0x3;
	v10 =	vld.idx.msk [tilespmem:v4+s19+$0x0], $0xffff;
	v1 =	vor.u32 v1, v3;
	v3 =	vshll.u32 v8, $0x3  }
0x2a7: {  	v6 =	vand.u32 $0xFFFFFC00, v6;
	v8 =	vand.u32 $0x7F, v8;
	v3 =	vand.u32 $0xFFFFFC00, v3  }
0x2a8: {  	v6 =	vor.u32 v11, v6;
	v17 =	vld.idx.msk [tilespmem:v5+s19+$0x0], $0xffff;
	v7 =	vor.u32 v8, v3;
	v3 =	vshll.u32 v9, $0x3  }
0x2a9: {  	v13 =	vld.idx.msk [tilespmem:v0+s19+$0x0], $0xffff;
	v8 =	vand.u32 $0x7F, v9;
	v3 =	vand.u32 $0xFFFFFC00, v3  }
0x2aa: {  	s0 =	simm.s32 $0x10900;
	v11 =	vld.idx.msk [tilespmem:v2+s19+$0x0], $0xffff;
	v3 =	vor.u32 v8, v3  }
0x2ab: {  	v20 =	vor.u32 $0x80, v0;
	[tilespmem:s0+$0xFFFFFF00] =	vst v10;
	v10 =	vld.idx.msk [tilespmem:v1+s19+$0x0], $0xffff  }
0x2ac: {  	v18 =	vld.idx.msk [tilespmem:v12+s19+$0x0], $0xffff;
	v12 =	vor.u32 $0x80, v5  }
0x2ad: {  	v15 =	vor.u32 $0x80, v2;
	v16 =	vld.idx.msk [tilespmem:v6+s19+$0x0], $0xffff  }
0x2ae: {  	s10 =	simm.s32 $0x10900;
	s2 =	simm.s32 $0x0;
	s9 =	simm.s32 $0xC0;
	v9 =	vor.u32 $0x80, v1;
	v14 =	vor.u32 $0x80, v7;
	v8 =	vor.u32 $0x80, v3;
	v19 =	vld.idx.msk [tilespmem:v7+s19+$0x0], $0xffff  }
.LBB2_15:
0x2af: {  	s2 =	sadd.s32 $0x8, s2;
	[tilespmem:s0+$0xFFFFFF40] =	vst v13;
	v13 =	vld.idx.msk [tilespmem:v3+s19+$0x0], $0xffff;
	s10 =	sadd.s32 $0x400, s10  }
0x2b0: {  	p1 =	slt.u32 s2, $0x78;
	v20 =	vld.idx.msk [tilespmem:v20+s19+$0x0], $0xffff;
	[tilespmem:s0+$0xFFFFFF50] =	vst v17  }
0x2b1: {  	v17 =	vor.u32 $0x100, v4;
	v12 =	vld.idx.msk [tilespmem:v12+s19+$0x0], $0xffff  }
0x2b2: {  	v21 =	vld [tilespmem:s9+$0x10];
	[tilespmem:s0+$0xFFFFFF80] =	vst v18  }
0x2b3: {  	v18 =	vld [tilespmem:s9+$0xFFFFFFE0];
	[tilespmem:s0+$0xFFFFFF10] =	vst v19;
	v19 =	vor.u32 $0x80, v6  }
0x2b4: {  	v14 =	vld.idx.msk [tilespmem:v14+s19+$0x0], $0xffff;
	[tilespmem:s0+$0xFFFFFF20] =	vst v11  }
0x2b5: {  	v11 =	vld.idx.msk [tilespmem:v15+s19+$0x0], $0xffff;
	[tilespmem:s0+$0xFFFFFF70] =	vst v13  }
0x2b6: {  	v13 =	vld.idx.msk [tilespmem:v17+s19+$0x0], $0xffff;
	[tilespmem:s0+$0xFFFFFFC0] =	vst v20  }
0x2b7: {  	v15 =	vld [tilespmem:s9+$0xFFFFFFF0];
	[tilespmem:s0+$0xFFFFFF30] =	vst v16  }
0x2b8: {  	v16 =	vld.idx.msk [tilespmem:v19+s19+$0x0], $0xffff;
	[tilespmem:s0+$0xFFFFFFD0] =	vst v12  }
0x2b9: {  	v12 =	vld [tilespmem:s9+$0xFFFFFFC0];
	[tilespmem:s0+$0xFFFFFF60] =	vst v10  }
0x2ba: {  	[tilespmem:s0+$0xFFFFFF90] =	vst v14;
	v8 =	vld.idx.msk [tilespmem:v8+s19+$0x0], $0xffff  }
0x2bb: {  	v10 =	vld [tilespmem:s9+$0x20];
	[tilespmem:s0+$0xFFFFFFA0] =	vst v11;
	v11 =	vor.u32 $0x100, v5  }
0x2bc: {  	v14 =	vld [tilespmem:s9+$0x30];
	[tilespmem:s0+$0x0] =	vst v13;
	v13 =	vor.u32 $0x100, v7  }
0x2bd: {  	v19 =	vor.u32 $0x100, v6;
	v17 =	vld [tilespmem:s9+$0xFFFFFFD0]  }
0x2be: {  	v20 =	vor.u32 $0x180, v4;
	[tilespmem:s0+$0xFFFFFFB0] =	vst v16;
	v9 =	vld.idx.msk [tilespmem:v9+s19+$0x0], $0xffff  }
0x2bf: {  	v22 =	vor.u32 $0x100, v2;
	v23 =	vor.u32 $0x180, v5;
	v5 =	vor.u32 $0x100, v1;
	v16 =	vld [tilespmem:s9+$0x0]  }
0x2c0: {  	v24 =	vor.u32 $0x100, v0;
	v4 =	vshll.u32 v12, $0x3;
	v11 =	vld.idx.msk [tilespmem:v11+s19+$0x0], $0xffff;
	[tilespmem:s0+$0xFFFFFFF0] =	vst v8;
	v8 =	vor.u32 $0x100, v3  }
0x2c1: {  	v4 =	vand.u32 $0xFFFFFC00, v4;
	v25 =	vand.u32 $0x7F, v14;
	v14 =	vshll.u32 v14, $0x3;
	v13 =	vld.idx.msk [tilespmem:v13+s19+$0x0], $0xffff  }
0x2c2: {  	v6 =	vor.u32 $0x180, v6;
	v12 =	vand.u32 $0x7F, v12;
	v14 =	vand.u32 $0xFFFFFC00, v14;
	v19 =	vld.idx.msk [tilespmem:v19+s19+$0x0], $0xffff  }
0x2c3: {  	v7 =	vor.u32 $0x180, v7;
	v4 =	vor.u32 v12, v4;
	v12 =	vshll.u32 v21, $0x3;
	v20 =	vld.idx.msk [tilespmem:v20+s19+$0x0], $0xffff  }
0x2c4: {  	v26 =	vshll.u32 v15, $0x3;
	v14 =	vor.u32 v25, v14;
	v27 =	vshll.u32 v16, $0x3;
	v22 =	vld.idx.msk [tilespmem:v22+s19+$0x0], $0xffff;
	[tilespmem:s0+$0xFFFFFFE0] =	vst v9  }
0x2c5: {  	v21 =	vand.u32 $0x7F, v21;
	v9 =	vand.u32 $0xFFFFFC00, v26;
	v16 =	vand.u32 $0x7F, v16;
	v25 =	vld.idx.msk [tilespmem:v5+s19+$0x0], $0xffff  }
0x2c6: {  	v12 =	vand.u32 $0xFFFFFC00, v12;
	v26 =	vor.u32 $0x180, v2;
	v5 =	vand.u32 $0xFFFFFC00, v27;
	[tilespmem:s0+$0x50] =	vst v11;
	v8 =	vld.idx.msk [tilespmem:v8+s19+$0x0], $0xffff  }
0x2c7: {  	v2 =	vshll.u32 v18, $0x3;
	v11 =	vor.u32 v16, v5;
	v5 =	vor.u32 v21, v12;
	[tilespmem:s0+$0x10] =	vst v13;
	v12 =	vld.idx.msk [tilespmem:v24+s19+$0x0], $0xffff  }
0x2c8: {  	v2 =	vand.u32 $0xFFFFFC00, v2;
	v13 =	vor.u32 $0x180, v3;
	v3 =	vmov v14;
	v7 =	vld.idx.msk [tilespmem:v7+s19+$0x0], $0xffff;
	[tilespmem:s0+$0x30] =	vst v19  }
0x2c9: {  	v14 =	vand.u32 $0x7F, v18;
	v18 =	vor.u32 $0x180, v0;
	v0 =	vmovc v11;
	v19 =	vor.u32 $0x180, v1;
	[tilespmem:s0+$0x80] =	vst v20;
	v16 =	vld.idx.msk [tilespmem:v6+s19+$0x0], $0xffff  }
0x2ca: {  	v21 =	vor.u32 $0x80, v4;
	v2 =	vor.u32 v14, v2;
	v1 =	vand.u32 $0x7F, v15;
	[tilespmem:s0+$0x20] =	vst v22;
	v11 =	vld.idx.msk [tilespmem:v23+s19+$0x0], $0xffff  }
0x2cb: {  	v6 =	vor.u32 v1, v9;
	v1 =	vshll.u32 v10, $0x3;
	v9 =	vld.idx.msk [tilespmem:v26+s19+$0x0], $0xffff;
	[tilespmem:s0+$0x60] =	vst v25  }
0x2cc: {  	v10 =	vand.u32 $0x7F, v10;
	v1 =	vand.u32 $0xFFFFFC00, v1;
	v15 =	vld.idx.msk [tilespmem:v4+s19+$0x0], $0xffff;
	[tilespmem:s0+$0x70] =	vst v8  }
0x2cd: {  	v1 =	vor.u32 v10, v1;
	[tilespmem:s0+$0x40] =	vst v12;
	v22 =	vld.idx.msk [tilespmem:v13+s19+$0x0], $0xffff  }
0x2ce: {  	v8 =	vshll.u32 v17, $0x3;
	v12 =	vor.u32 $0x80, v5;
	v13 =	vld.idx.msk [tilespmem:v0+s19+$0x0], $0xffff;
	[tilespmem:s0+$0x90] =	vst v7  }
0x2cf: {  	v10 =	vand.u32 $0xFFFFFC00, v8;
	v8 =	vor.u32 $0x80, v3;
	v7 =	vand.u32 $0x7F, v17;
	[tilespmem:s0+$0xB0] =	vst v16;
	v16 =	vld.idx.msk [tilespmem:v18+s19+$0x0], $0xffff  }
0x2d0: {  	v7 =	vor.u32 v7, v10;
	[tilespmem:s0+$0xD0] =	vst v11;
	v23 =	vld.idx.msk [tilespmem:v19+s19+$0x0], $0xffff  }
0x2d1: {  	v14 =	vor.u32 $0x80, v7;
	v11 =	vld.idx.msk [tilespmem:v2+s19+$0x0], $0xffff  }
.Ltmp9:
0x2d2: {  	[tilespmem:s10+$0xFFFFFF00] =	vst v15;
	v15 =	vor.u32 $0x80, v2;
	v17 =	vld.idx.msk [tilespmem:v5+s19+$0x0], $0xffff;
	(pc) =	sbr.rel @p1 .LBB2_15-.Ltmp9, $4  }
0x2d3: {  	v20 =	vor.u32 $0x80, v0;
	v10 =	vld.idx.msk [tilespmem:v1+s19+$0x0], $0xffff;
	[tilespmem:s0+$0xF0] =	vst v22  }
0x2d4: {  	v18 =	vld.idx.msk [tilespmem:v21+s19+$0x0], $0xffff;
	[tilespmem:s0+$0xA0] =	vst v9  }
0x2d5: {  	v19 =	vld.idx.msk [tilespmem:v7+s19+$0x0], $0xffff;
	[tilespmem:s0+$0xC0] =	vst v16  }
0x2d6: {  	s9 =	sadd.s32 $0x80, s9;
	v9 =	vor.u32 $0x80, v1;
	v16 =	vld.idx.msk [tilespmem:v6+s19+$0x0], $0xffff;
	[tilespmem:s0+$0xE0] =	vst v23;
	s0 =	smov.u32 s10  }
0x2d7: {  	_ =	sdelay $0x2  }
0x2d8: {  	[tilespmem:s0+$0xFFFFFF40] =	vst v13  }
0x2d9: {  	v13 =	vld.idx.msk [tilespmem:v3+s19+$0x0], $0xffff;
	[tilespmem:s0+$0xFFFFFF50] =	vst v17  }
0x2da: {  	v43 =	vor.u32 $0x80, v6;
	[tilespmem:s0+$0xFFFFFF20] =	vst v11  }
0x2db: {  	v44 =	vor.u32 $0x100, v4;
	v12 =	vld.idx.msk [tilespmem:v12+s19+$0x0], $0xffff;
	[tilespmem:s0+$0xFFFFFF60] =	vst v10  }
0x2dc: {  	v42 =	vld.idx.msk [tilespmem:v20+s19+$0x0], $0xffff;
	[tilespmem:s0+$0xFFFFFF10] =	vst v19  }
0x2dd: {  	v11 =	vld.idx.msk [tilespmem:v14+s19+$0x0], $0xffff;
	[tilespmem:s0+$0xFFFFFF30] =	vst v16  }
0x2de: {  	v14 =	vor.u32 $0x100, v5;
	[tilespmem:s0+$0xFFFFFF70] =	vst v13;
	v13 =	vld.idx.msk [tilespmem:v15+s19+$0x0], $0xffff  }
0x2df: {  	v45 =	vor.u32 $0x100, v7;
	[tilespmem:s0+$0xFFFFFF80] =	vst v18;
	v15 =	vld.idx.msk [tilespmem:v43+s19+$0x0], $0xffff  }
0x2e0: {  	v46 =	vld.idx.msk [tilespmem:v44+s19+$0x0], $0xffff;
	[tilespmem:s0+$0xFFFFFFD0] =	vst v12;
	v12 =	vor.u32 $0x100, v6  }
0x2e1: {  	v4 =	vor.u32 $0x180, v4;
	v9 =	vld.idx.msk [tilespmem:v9+s19+$0x0], $0xffff;
	[tilespmem:s0+$0xFFFFFFC0] =	vst v42  }
0x2e2: {  	v10 =	vor.u32 $0x100, v2;
	v8 =	vld.idx.msk [tilespmem:v8+s19+$0x0], $0xffff;
	[tilespmem:s0+$0xFFFFFF90] =	vst v11  }
0x2e3: {  	v11 =	vld.idx.msk [tilespmem:v14+s19+$0x0], $0xffff;
	v14 =	vor.u32 $0x100, v1;
	[tilespmem:s0+$0xFFFFFFA0] =	vst v13  }
0x2e4: {  	v47 =	vor.u32 $0x100, v0;
	[tilespmem:s0+$0xFFFFFFB0] =	vst v15;
	v15 =	vld.idx.msk [tilespmem:v45+s19+$0x0], $0xffff  }
0x2e5: {  	v13 =	vor.u32 $0x100, v3;
	[tilespmem:s0+$0x0] =	vst v46;
	v12 =	vld.idx.msk [tilespmem:v12+s19+$0x0], $0xffff  }
0x2e6: {  	v5 =	vor.u32 $0x180, v5;
	[tilespmem:s0+$0xFFFFFFE0] =	vst v9;
	v4 =	vld.idx.msk [tilespmem:v4+s19+$0x0], $0xffff  }
0x2e7: {  	v7 =	vor.u32 $0x180, v7;
	[tilespmem:s0+$0xFFFFFFF0] =	vst v8;
	v8 =	vld.idx.msk [tilespmem:v10+s19+$0x0], $0xffff  }
0x2e8: {  	v6 =	vor.u32 $0x180, v6;
	[tilespmem:s0+$0x50] =	vst v11;
	v10 =	vld.idx.msk [tilespmem:v14+s19+$0x0], $0xffff  }
0x2e9: {  	v2 =	vor.u32 $0x180, v2;
	v11 =	vld.idx.msk [tilespmem:v47+s19+$0x0], $0xffff;
	[tilespmem:s0+$0x10] =	vst v15  }
0x2ea: {  	v0 =	vor.u32 $0x180, v0;
	v9 =	vld.idx.msk [tilespmem:v13+s19+$0x0], $0xffff;
	[tilespmem:s0+$0x30] =	vst v12  }
0x2eb: {  	v1 =	vor.u32 $0x180, v1;
	v5 =	vld.idx.msk [tilespmem:v5+s19+$0x0], $0xffff;
	[tilespmem:s0+$0x80] =	vst v4  }
0x2ec: {  	v3 =	vor.u32 $0x180, v3;
	v7 =	vld.idx.msk [tilespmem:v7+s19+$0x0], $0xffff;
	[tilespmem:s0+$0x20] =	vst v8  }
0x2ed: {  	v4 =	vld.idx.msk [tilespmem:v6+s19+$0x0], $0xffff;
	[tilespmem:s0+$0x60] =	vst v10  }
0x2ee: {  	v2 =	vld.idx.msk [tilespmem:v2+s19+$0x0], $0xffff;
	[tilespmem:s0+$0x40] =	vst v11  }
0x2ef: {  	[tilespmem:s0+$0x70] =	vst v9;
	v0 =	vld.idx.msk [tilespmem:v0+s19+$0x0], $0xffff  }
0x2f0: {  	v1 =	vld.idx.msk [tilespmem:v1+s19+$0x0], $0xffff;
	[tilespmem:s0+$0xD0] =	vst v5  }
0x2f1: {  	v3 =	vld.idx.msk [tilespmem:v3+s19+$0x0], $0xffff;
	[tilespmem:s0+$0x90] =	vst v7  }
0x2f2: {  	[tilespmem:s0+$0xB0] =	vst v4  }
0x2f3: {  	[tilespmem:s0+$0xA0] =	vst v2  }
0x2f4: {  	[tilespmem:s0+$0xC0] =	vst v0  }
0x2f5: {  	s2 =	sor.u32 $0x1000, s31;
	[tilespmem:s0+$0xE0] =	vst v1  }
0x2f6: {  	s9 =	simm.s32 $0x10800;
	[tilespmem:s0+$0xF0] =	vst v3;
	s0 =	sadd.s32 s4, s2  }
0x2f7: {  	[hbm4b:s0+s6] =	stream.linear.scatter [tilespmem:s9], [sflag:$0x5], $0x200, $0x38;
	[tilespmem:$0x18800] =	vst v63  }
0x2f8: {  	s10 =	simm.s32 $0x10C00;
	s16 =	sadd.s32 $0x80, s0  }
0x2f9: {  	[hbm4b:s16+s6] =	stream.linear.scatter [tilespmem:s10], [sflag:$0x5], $0x200, $0x38;
	[tilespmem:$0x18800] =	vst v63  }
0x2fa: {  	s10 =	sadd.s32 $0x100, s0;
	s16 =	simm.s32 $0x11000  }
0x2fb: {  	[hbm4b:s10+s6] =	stream.linear.scatter [tilespmem:s16], [sflag:$0x5], $0x200, $0x38;
	[tilespmem:$0x18800] =	vst v63  }
0x2fc: {  	s10 =	sadd.s32 $0x180, s0;
	s16 =	simm.s32 $0x11400  }
0x2fd: {  	[hbm4b:s10+s6] =	stream.linear.scatter [tilespmem:s16], [sflag:$0x5], $0x200, $0x38;
	[tilespmem:$0x18800] =	vst v63  }
0x2fe: {  	s10 =	sadd.s32 $0x200, s0;
	s16 =	simm.s32 $0x11800  }
0x2ff: {  	[hbm4b:s10+s6] =	stream.linear.scatter [tilespmem:s16], [sflag:$0x5], $0x200, $0x38;
	[tilespmem:$0x18800] =	vst v63  }
0x300: {  	s10 =	sadd.s32 $0x280, s0;
	s16 =	simm.s32 $0x11C00  }
0x301: {  	[hbm4b:s10+s6] =	stream.linear.scatter [tilespmem:s16], [sflag:$0x5], $0x200, $0x38;
	[tilespmem:$0x18800] =	vst v63  }
0x302: {  	s10 =	sadd.s32 $0x300, s0;
	s16 =	simm.s32 $0x12000  }
0x303: {  	[hbm4b:s10+s6] =	stream.linear.scatter [tilespmem:s16], [sflag:$0x5], $0x200, $0x38;
	[tilespmem:$0x18800] =	vst v63  }
0x304: {  	s10 =	sadd.s32 $0x380, s0;
	s16 =	simm.s32 $0x12400  }
0x305: {  	[hbm4b:s10+s6] =	stream.linear.scatter [tilespmem:s16], [sflag:$0x5], $0x200, $0x38;
	[tilespmem:$0x18800] =	vst v63  }
0x306: {  	s10 =	sadd.s32 $0x400, s0;
	s16 =	simm.s32 $0x12800  }
0x307: {  	[hbm4b:s10+s6] =	stream.linear.scatter [tilespmem:s16], [sflag:$0x5], $0x200, $0x38;
	[tilespmem:$0x18800] =	vst v63  }
0x308: {  	s10 =	sadd.s32 $0x480, s0;
	s16 =	simm.s32 $0x12C00  }
0x309: {  	[hbm4b:s10+s6] =	stream.linear.scatter [tilespmem:s16], [sflag:$0x5], $0x200, $0x38;
	[tilespmem:$0x18800] =	vst v63  }
0x30a: {  	s10 =	sadd.s32 $0x500, s0;
	s16 =	simm.s32 $0x13000  }
0x30b: {  	[hbm4b:s10+s6] =	stream.linear.scatter [tilespmem:s16], [sflag:$0x5], $0x200, $0x38;
	[tilespmem:$0x18800] =	vst v63  }
0x30c: {  	s10 =	sadd.s32 $0x580, s0;
	s16 =	simm.s32 $0x13400  }
0x30d: {  	[hbm4b:s10+s6] =	stream.linear.scatter [tilespmem:s16], [sflag:$0x5], $0x200, $0x38;
	[tilespmem:$0x18800] =	vst v63  }
0x30e: {  	s10 =	sadd.s32 $0x600, s0;
	s16 =	simm.s32 $0x13800  }
0x30f: {  	[hbm4b:s10+s6] =	stream.linear.scatter [tilespmem:s16], [sflag:$0x5], $0x200, $0x38;
	[tilespmem:$0x18800] =	vst v63  }
0x310: {  	s10 =	sadd.s32 $0x680, s0;
	s16 =	simm.s32 $0x13C00  }
0x311: {  	[hbm4b:s10+s6] =	stream.linear.scatter [tilespmem:s16], [sflag:$0x5], $0x200, $0x38;
	[tilespmem:$0x18800] =	vst v63  }
0x312: {  	s10 =	sadd.s32 $0x700, s0;
	s16 =	simm.s32 $0x14000  }
0x313: {  	[hbm4b:s10+s6] =	stream.linear.scatter [tilespmem:s16], [sflag:$0x5], $0x200, $0x38;
	[tilespmem:$0x18800] =	vst v63  }
0x314: {  	s0 =	sadd.s32 $0x780, s0;
	s10 =	simm.s32 $0x14400;
	s16 =	simm.s32 $0x40  }
0x315: {  	[hbm4b:s0+s6] =	stream.linear.scatter [tilespmem:s10], [sflag:$0x5], $0x200, $0x38;
	[tilespmem:$0x18800] =	vst v63  }
0x316: {  	v0 =	vld [tilespmem:s16+$0x30];
	_ =	sdelay $0x3  }
0x317: {  	v2 =	vld [tilespmem:s16+$0xFFFFFFC0]  }
0x318: {  	v1 =	vshll.u32 v0, $0x3  }
0x319: {  	v0 =	vand.u32 $0x7F, v0;
	v1 =	vand.u32 $0xFFFFFC00, v1  }
0x31a: {  	v1 =	vor.u32 v0, v1  }
0x31b: {  	v0 =	vor.u32 $0x200, v1  }
0x31c: {  	v4 =	vshll.u32 v2, $0x3  }
0x31d: {  	v9 =	vld [tilespmem:s16+$0xFFFFFFF0];
	v2 =	vand.u32 $0x7F, v2;
	v4 =	vand.u32 $0xFFFFFC00, v4  }
0x31e: {  	v4 =	vor.u32 v2, v4;
	v2 =	vld [tilespmem:s16+$0x10]  }
0x31f: {  	v5 =	vld [tilespmem:s16+$0xFFFFFFD0]  }
0x320: {  	v0 =	vld.idx.msk [tilespmem:v0+s19+$0x0], $0xffff  }
0x321: {  	v3 =	vor.u32 $0x280, v1;
	_ =	sdelay $0x1  }
0x322: {  	v6 =	vld [tilespmem:s16+$0x0];
	v48 =	vand.u32 $0x7F, v9;
	v12 =	vshll.u32 v2, $0x3  }
0x323: {  	s0 =	simm.s32 $0x10BF0;
	v7 =	vld [tilespmem:s16+$0x20];
	v9 =	vshll.u32 v9, $0x3;
	v2 =	vand.u32 $0x7F, v2;
	v12 =	vand.u32 $0xFFFFFC00, v12  }
0x324: {  	v10 =	vld [tilespmem:s16+$0xFFFFFFE0];
	v49 =	vshll.u32 v5, $0x3;
	v12 =	vor.u32 v2, v12;
	[tilespmem:s0+$0xFFFFFE80] =	vst v0;
	v0 =	vor.u32 $0x200, v4  }
0x325: {  	s10 =	simm.s32 $0xC0;
	v5 =	vand.u32 $0x7F, v5;
	v9 =	vand.u32 $0xFFFFFC00, v9;
	v15 =	vor.u32 $0x200, v12;
	v3 =	vld.idx.msk [tilespmem:v3+s19+$0x0], $0xffff  }
0x326: {  	v51 =	vld [tilespmem:s10+$0x30];
	v17 =	vand.u32 $0xFFFFFC00, v49;
	v9 =	vor.u32 v48, v9;
	v8 =	vor.u32 $0x300, v1  }
0x327: {  	v22 =	vld [tilespmem:s10+$0xFFFFFFC0];
	v17 =	vor.u32 v5, v17;
	v5 =	vor.u32 $0x200, v9  }
0x328: {  	v14 =	vor.u32 $0x380, v1;
	v1 =	vld [tilespmem:s10+$0x0]  }
0x329: {  	v11 =	vld.idx.msk [tilespmem:v0+s19+$0x0], $0xffff  }
0x32a: {  	v13 =	vor.u32 $0x280, v4;
	v15 =	vld.idx.msk [tilespmem:v15+s19+$0x0], $0xffff;
	[tilespmem:s0+$0xFFFFFF00] =	vst v3;
	v3 =	vshll.u32 v7, $0x3  }
0x32b: {  	v21 =	vor.u32 $0x280, v12;
	v7 =	vand.u32 $0x7F, v7;
	v8 =	vld.idx.msk [tilespmem:v8+s19+$0x0], $0xffff;
	v3 =	vand.u32 $0xFFFFFC00, v3  }
0x32c: {  	v5 =	vld.idx.msk [tilespmem:v5+s19+$0x0], $0xffff;
	v7 =	vor.u32 v7, v3  }
0x32d: {  	v2 =	vld [tilespmem:s10+$0x10];
	v50 =	vor.u32 $0x200, v7  }
0x32e: {  	v0 =	vld [tilespmem:s10+$0xFFFFFFD0];
	[tilespmem:s0+$0xFFFFFE10] =	vst v11;
	v11 =	vshll.u32 v6, $0x3  }
0x32f: {  	v52 =	vor.u32 $0x200, v17;
	[tilespmem:s0+$0xFFFFFE60] =	vst v15;
	v6 =	vand.u32 $0x7F, v6;
	v13 =	vld.idx.msk [tilespmem:v13+s19+$0x0], $0xffff;
	v11 =	vand.u32 $0xFFFFFC00, v11  }
0x330: {  	v21 =	vld.idx.msk [tilespmem:v21+s19+$0x0], $0xffff;
	[tilespmem:s0+$0xFFFFFF80] =	vst v8;
	v6 =	vor.u32 v6, v11;
	v8 =	vor.u32 $0x300, v4  }
0x331: {  	v11 =	vld.idx.msk [tilespmem:v14+s19+$0x0], $0xffff;
	v14 =	vshll.u32 v10, $0x3;
	v53 =	vor.u32 $0x200, v6  }
0x332: {  	v55 =	vor.u32 $0x300, v12;
	v10 =	vand.u32 $0x7F, v10;
	v18 =	vld.idx.msk [tilespmem:v50+s19+$0x0], $0xffff;
	v14 =	vand.u32 $0xFFFFFC00, v14  }
0x333: {  	v3 =	vld [tilespmem:s10+$0x20];
	v10 =	vor.u32 v10, v14;
	v14 =	vor.u32 $0x280, v7  }
0x334: {  	v23 =	vor.u32 $0x200, v10;
	[tilespmem:s0+$0xFFFFFE90] =	vst v13;
	v13 =	vld.idx.msk [tilespmem:v52+s19+$0x0], $0xffff  }
0x335: {  	v54 =	vor.u32 $0x280, v9;
	[tilespmem:s0+$0xFFFFFE40] =	vst v5;
	v8 =	vld.idx.msk [tilespmem:v8+s19+$0x0], $0xffff  }
0x336: {  	v15 =	vor.u32 $0x280, v17;
	[tilespmem:s0+$0xFFFFFEE0] =	vst v21;
	v20 =	vld.idx.msk [tilespmem:v53+s19+$0x0], $0xffff  }
0x337: {  	v4 =	vor.u32 $0x380, v4;
	[tilespmem:s0+$0xFFFFFE70] =	vst v18;
	v18 =	vld.idx.msk [tilespmem:v55+s19+$0x0], $0xffff  }
0x338: {  	[tilespmem:s0+$0x0] =	vst v11;
	v11 =	vor.u32 $0x280, v6;
	v14 =	vld.idx.msk [tilespmem:v14+s19+$0x0], $0xffff  }
0x339: {  	v56 =	vor.u32 $0x300, v7;
	v23 =	vld.idx.msk [tilespmem:v23+s19+$0x0], $0xffff;
	[tilespmem:s0+$0xFFFFFE20] =	vst v13  }
0x33a: {  	v5 =	vshll.u32 v51, $0x3;
	v24 =	vor.u32 $0x280, v10;
	v13 =	vld.idx.msk [tilespmem:v54+s19+$0x0], $0xffff;
	[tilespmem:s0+$0xFFFFFF10] =	vst v8  }
0x33b: {  	v57 =	vor.u32 $0x300, v9;
	v5 =	vand.u32 $0xFFFFFC00, v5;
	v8 =	vld.idx.msk [tilespmem:v15+s19+$0x0], $0xffff;
	v15 =	vand.u32 $0x7F, v51;
	[tilespmem:s0+$0xFFFFFE50] =	vst v20  }
0x33c: {  	v4 =	vld.idx.msk [tilespmem:v4+s19+$0x0], $0xffff;
	v5 =	vor.u32 v15, v5;
	v15 =	vor.u32 $0x300, v17;
	[tilespmem:s0+$0xFFFFFF60] =	vst v18  }
0x33d: {  	v12 =	vor.u32 $0x380, v12;
	v11 =	vld.idx.msk [tilespmem:v11+s19+$0x0], $0xffff;
	[tilespmem:s0+$0xFFFFFEF0] =	vst v14  }
0x33e: {  	v58 =	vor.u32 $0x200, v5;
	[tilespmem:s0+$0xFFFFFE30] =	vst v23;
	v19 =	vld.idx.msk [tilespmem:v56+s19+$0x0], $0xffff  }
0x33f: {  	v14 =	vor.u32 $0x300, v6;
	[tilespmem:s0+$0xFFFFFEC0] =	vst v13;
	v59 =	vld.idx.msk [tilespmem:v24+s19+$0x0], $0xffff  }
0x340: {  	v7 =	vor.u32 $0x380, v7;
	[tilespmem:s0+$0xFFFFFEA0] =	vst v8;
	v8 =	vld.idx.msk [tilespmem:v57+s19+$0x0], $0xffff  }
0x341: {  	v13 =	vor.u32 $0x300, v10;
	[tilespmem:s0+$0xFFFFFF90] =	vst v4;
	v4 =	vld.idx.msk [tilespmem:v15+s19+$0x0], $0xffff  }
0x342: {  	v9 =	vor.u32 $0x380, v9;
	v12 =	vld.idx.msk [tilespmem:v12+s19+$0x0], $0xffff;
	[tilespmem:s0+$0xFFFFFED0] =	vst v11  }
0x343: {  	v15 =	vld.idx.msk [tilespmem:v58+s19+$0x0], $0xffff;
	[tilespmem:s0+$0xFFFFFF70] =	vst v19  }
0x344: {  	v11 =	vor.u32 $0x380, v17;
	v14 =	vld.idx.msk [tilespmem:v14+s19+$0x0], $0xffff;
	[tilespmem:s0+$0xFFFFFEB0] =	vst v59  }
0x345: {  	v60 =	vor.u32 $0x280, v5;
	v62 =	vld.idx.msk [tilespmem:v7+s19+$0x0], $0xffff;
	[tilespmem:s0+$0xFFFFFF40] =	vst v8  }
0x346: {  	v61 =	vor.u32 $0x380, v6;
	v63 =	vld.idx.msk [tilespmem:v13+s19+$0x0], $0xffff;
	[tilespmem:s0+$0xFFFFFF20] =	vst v4;
	v4 =	vshll.u32 v22, $0x3  }
0x347: {  	s9 =	simm.s32 $0x10FF0;
	[tilespmem:s0+$0xFFFFFFE0] =	vst v12;
	v8 =	vld.idx.msk [tilespmem:v9+s19+$0x0], $0xffff;
	v9 =	vand.u32 $0x7F, v22;
	v4 =	vand.u32 $0xFFFFFC00, v4  }
0x348: {  	v10 =	vor.u32 $0x380, v10;
	v12 =	vld [tilespmem:s10+$0xFFFFFFF0];
	[tilespmem:s9+$0xFFFFFE80] =	vst v15;
	v4 =	vor.u32 v9, v4  }
0x349: {  	v6 =	vld.idx.msk [tilespmem:v11+s19+$0x0], $0xffff;
	[tilespmem:s0+$0xFFFFFF50] =	vst v14;
	v14 =	vor.u32 $0x200, v4  }
0x34a: {  	v11 =	vld.idx.msk [tilespmem:v60+s19+$0x0], $0xffff  }
0x34b: {  	v13 =	vor.u32 $0x300, v5;
	v7 =	vld.idx.msk [tilespmem:v61+s19+$0x0], $0xffff;
	[tilespmem:s0+$0xFFFFFFF0] =	vst v62  }
0x34c: {  	s16 =	simm.s32 $0x8;
	v9 =	vld [tilespmem:s10+$0xFFFFFFE0];
	[tilespmem:s0+$0xFFFFFF30] =	vst v63  }
.LBB2_17:
0x34d: {  	s16 =	sadd.s32 $0x8, s16;
	v15 =	vor.u32 $0x280, v4;
	v16 =	vshll.u32 v3, $0x3;
	v5 =	vor.u32 $0x380, v5;
	v10 =	vld.idx.msk [tilespmem:v10+s19+$0x0], $0xffff  }
0x34e: {  	v17 =	vshll.u32 v2, $0x3;
	v3 =	vand.u32 $0x7F, v3;
	s10 =	sadd.s32 $0x80, s10;
	p1 =	slt.u32 s16, $0x78;
	v14 =	vld.idx.msk [tilespmem:v14+s19+$0x0], $0xffff;
	v16 =	vand.u32 $0xFFFFFC00, v16;
	[tilespmem:s0+$0xFFFFFFC0] =	vst v8  }
0x34f: {  	v18 =	vand.u32 $0x7F, v1;
	v2 =	vand.u32 $0x7F, v2;
	v17 =	vand.u32 $0xFFFFFC00, v17;
	v8 =	vld [tilespmem:s10+$0xFFFFFFD0];
	[tilespmem:s9+$0xFFFFFF00] =	vst v11  }
0x350: {  	v17 =	vor.u32 v2, v17;
	v11 =	vand.u32 $0x7F, v12;
	v12 =	vshll.u32 v12, $0x3;
	v13 =	vld.idx.msk [tilespmem:v13+s19+$0x0], $0xffff;
	[tilespmem:s0+$0xFFFFFFD0] =	vst v7  }
0x351: {  	v20 =	vor.u32 $0x200, v17;
	v7 =	vld [tilespmem:s10+$0x0];
	v19 =	vand.u32 $0x7F, v9;
	v12 =	vand.u32 $0xFFFFFC00, v12;
	[tilespmem:s0+$0xFFFFFFA0] =	vst v6  }
0x352: {  	v16 =	vor.u32 v3, v16;
	v6 =	vshll.u32 v0, $0x3;
	v9 =	vshll.u32 v9, $0x3;
	v2 =	vld [tilespmem:s10+$0x10]  }
0x353: {  	v6 =	vand.u32 $0xFFFFFC00, v6;
	v11 =	vor.u32 v11, v12;
	v12 =	vor.u32 $0x200, v16;
	v3 =	vld [tilespmem:s10+$0x20];
	[tilespmem:s0+$0xFFFFFFB0] =	vst v10;
	s0 =	smov.u32 s9  }
0x354: {  	v1 =	vshll.u32 v1, $0x3;
	v9 =	vand.u32 $0xFFFFFC00, v9;
	v10 =	vld [tilespmem:s10+$0x30];
	[tilespmem:s9+$0xFFFFFE10] =	vst v14;
	v14 =	vand.u32 $0x7F, v0;
	v0 =	vmovc v8  }
0x355: {  	v23 =	vand.u32 $0xFFFFFC00, v1;
	v8 =	vld.idx.msk [tilespmem:v15+s19+$0x0], $0xffff;
	v6 =	vor.u32 v14, v6;
	v14 =	vor.u32 $0x200, v11  }
0x356: {  	v18 =	vor.u32 v18, v23;
	v9 =	vor.u32 v19, v9;
	v15 =	vor.u32 $0x200, v6;
	v19 =	vld.idx.msk [tilespmem:v20+s19+$0x0], $0xffff;
	[tilespmem:s9+$0xFFFFFF80] =	vst v13  }
0x357: {  	v21 =	vor.u32 $0x200, v18;
	v13 =	vor.u32 $0x300, v4;
	v20 =	vor.u32 $0x200, v9;
	v1 =	vmovc v7;
	v22 =	vld.idx.msk [tilespmem:v5+s19+$0x0], $0xffff  }
0x358: {  	v7 =	vor.u32 $0x280, v17;
	v12 =	vld.idx.msk [tilespmem:v12+s19+$0x0], $0xffff  }
0x359: {  	v23 =	vld [tilespmem:s10+$0xFFFFFFC0];
	v5 =	vshll.u32 v10, $0x3  }
0x35a: {  	v24 =	vor.u32 $0x280, v16;
	v10 =	vand.u32 $0x7F, v10;
	v5 =	vand.u32 $0xFFFFFC00, v5;
	v14 =	vld.idx.msk [tilespmem:v14+s19+$0x0], $0xffff  }
0x35b: {  	v5 =	vor.u32 v10, v5;
	[tilespmem:s9+$0xFFFFFE90] =	vst v8;
	v8 =	vld.idx.msk [tilespmem:v15+s19+$0x0], $0xffff  }
0x35c: {  	v10 =	vld.idx.msk [tilespmem:v13+s19+$0x0], $0xffff;
	v13 =	vor.u32 $0x280, v11;
	[tilespmem:s9+$0xFFFFFE60] =	vst v19  }
0x35d: {  	v15 =	vor.u32 $0x380, v4;
	v19 =	vor.u32 $0x280, v6;
	v21 =	vld.idx.msk [tilespmem:v21+s19+$0x0], $0xffff;
	[tilespmem:s9+$0x0] =	vst v22  }
0x35e: {  	v25 =	vor.u32 $0x280, v18;
	v22 =	vor.u32 $0x280, v9;
	v4 =	vshll.u32 v23, $0x3;
	v7 =	vld.idx.msk [tilespmem:v7+s19+$0x0], $0xffff;
	[tilespmem:s9+$0xFFFFFE70] =	vst v12  }
0x35f: {  	v12 =	vand.u32 $0x7F, v23;
	v23 =	vor.u32 $0x300, v17;
	v4 =	vand.u32 $0xFFFFFC00, v4;
	v24 =	vld.idx.msk [tilespmem:v24+s19+$0x0], $0xffff  }
0x360: {  	v4 =	vor.u32 v12, v4;
	v12 =	vld.idx.msk [tilespmem:v20+s19+$0x0], $0xffff;
	[tilespmem:s9+$0xFFFFFE40] =	vst v14  }
0x361: {  	[tilespmem:s9+$0xFFFFFE20] =	vst v8;
	v8 =	vld.idx.msk [tilespmem:v13+s19+$0x0], $0xffff;
	v13 =	vor.u32 $0x300, v16  }
0x362: {  	[tilespmem:s9+$0xFFFFFF10] =	vst v10;
	v10 =	vld.idx.msk [tilespmem:v19+s19+$0x0], $0xffff  }
0x363: {  	v14 =	vld.idx.msk [tilespmem:v15+s19+$0x0], $0xffff;
	v15 =	vor.u32 $0x300, v11;
	[tilespmem:s9+$0xFFFFFE50] =	vst v21  }
0x364: {  	v19 =	vor.u32 $0x300, v6;
	v20 =	vld.idx.msk [tilespmem:v25+s19+$0x0], $0xffff;
	[tilespmem:s9+$0xFFFFFEE0] =	vst v7  }
0x365: {  	v21 =	vor.u32 $0x300, v9;
	v7 =	vor.u32 $0x200, v5;
	v25 =	vor.u32 $0x300, v18;
	v23 =	vld.idx.msk [tilespmem:v23+s19+$0x0], $0xffff;
	[tilespmem:s9+$0xFFFFFEF0] =	vst v24  }
0x366: {  	[tilespmem:s9+$0xFFFFFE30] =	vst v12;
	v12 =	vld.idx.msk [tilespmem:v13+s19+$0x0], $0xffff  }
0x367: {  	v13 =	vld.idx.msk [tilespmem:v22+s19+$0x0], $0xffff;
	[tilespmem:s9+$0xFFFFFEC0] =	vst v8;
	v8 =	vor.u32 $0x380, v17  }
0x368: {  	[tilespmem:s9+$0xFFFFFEA0] =	vst v10;
	v15 =	vld.idx.msk [tilespmem:v15+s19+$0x0], $0xffff;
	v10 =	vor.u32 $0x380, v16  }
0x369: {  	[tilespmem:s9+$0xFFFFFF90] =	vst v14;
	v14 =	vld.idx.msk [tilespmem:v19+s19+$0x0], $0xffff  }
0x36a: {  	v11 =	vor.u32 $0x380, v11;
	v7 =	vld.idx.msk [tilespmem:v7+s19+$0x0], $0xffff;
	[tilespmem:s9+$0xFFFFFED0] =	vst v20  }
0x36b: {  	v6 =	vor.u32 $0x380, v6;
	v16 =	vld.idx.msk [tilespmem:v25+s19+$0x0], $0xffff;
	[tilespmem:s9+$0xFFFFFF60] =	vst v23  }
0x36c: {  	v17 =	vor.u32 $0x280, v5;
	v19 =	vld.idx.msk [tilespmem:v8+s19+$0x0], $0xffff;
	[tilespmem:s9+$0xFFFFFF70] =	vst v12  }
0x36d: {  	v12 =	vor.u32 $0x380, v18;
	[tilespmem:s9+$0xFFFFFEB0] =	vst v13;
	v18 =	vld.idx.msk [tilespmem:v10+s19+$0x0], $0xffff  }
0x36e: {  	v10 =	vor.u32 $0x380, v9;
	v20 =	vld.idx.msk [tilespmem:v21+s19+$0x0], $0xffff;
	[tilespmem:s9+$0xFFFFFF40] =	vst v15  }
0x36f: {  	s9 =	sadd.s32 $0x400, s9;
	[tilespmem:s0+$0xFFFFFF20] =	vst v14;
	v8 =	vld.idx.msk [tilespmem:v11+s19+$0x0], $0xffff  }
.Ltmp10:
0x370: {  	[tilespmem:s9+$0xFFFFFE80] =	vst v7;
	v6 =	vld.idx.msk [tilespmem:v6+s19+$0x0], $0xffff;
	(pc) =	sbr.rel @p1 .LBB2_17-.Ltmp10, $4  }
0x371: {  	v14 =	vor.u32 $0x200, v4;
	v11 =	vld.idx.msk [tilespmem:v17+s19+$0x0], $0xffff;
	[tilespmem:s0+$0xFFFFFF50] =	vst v16  }
0x372: {  	v7 =	vld.idx.msk [tilespmem:v12+s19+$0x0], $0xffff;
	[tilespmem:s0+$0xFFFFFFE0] =	vst v19  }
0x373: {  	v13 =	vor.u32 $0x300, v5;
	v12 =	vld [tilespmem:s10+$0xFFFFFFF0];
	[tilespmem:s0+$0xFFFFFFF0] =	vst v18  }
0x374: {  	v9 =	vld [tilespmem:s10+$0xFFFFFFE0];
	[tilespmem:s0+$0xFFFFFF30] =	vst v20  }
0x375: {  	_ =	sdelay $0x1  }
0x376: {  	v15 =	vor.u32 $0x280, v4  }
0x377: {  	v16 =	vshll.u32 v3, $0x3;
	v5 =	vor.u32 $0x380, v5;
	v17 =	vshll.u32 v2, $0x3  }
0x378: {  	v14 =	vld.idx.msk [tilespmem:v14+s19+$0x0], $0xffff;
	v3 =	vand.u32 $0x7F, v3;
	v2 =	vand.u32 $0x7F, v2;
	v17 =	vand.u32 $0xFFFFFC00, v17  }
0x379: {  	v18 =	vshll.u32 v0, $0x3;
	v16 =	vand.u32 $0xFFFFFC00, v16;
	[tilespmem:s9+$0xFFFFFF00] =	vst v11;
	v2 =	vor.u32 v2, v17  }
0x37a: {  	v13 =	vld.idx.msk [tilespmem:v13+s19+$0x0], $0xffff;
	v11 =	vand.u32 $0x7F, v12;
	v12 =	vshll.u32 v12, $0x3;
	v17 =	vor.u32 $0x200, v2  }
0x37b: {  	v0 =	vand.u32 $0x7F, v0;
	v3 =	vor.u32 v3, v16;
	v12 =	vand.u32 $0xFFFFFC00, v12  }
0x37c: {  	v16 =	vand.u32 $0xFFFFFC00, v18;
	v11 =	vor.u32 v11, v12;
	v12 =	vor.u32 $0x200, v3  }
0x37d: {  	v10 =	vld.idx.msk [tilespmem:v10+s19+$0x0], $0xffff;
	v0 =	vor.u32 v0, v16;
	[tilespmem:s9+$0xFFFFFE10] =	vst v14;
	v14 =	vshll.u32 v1, $0x3;
	v16 =	vor.u32 $0x200, v11  }
0x37e: {  	[tilespmem:s0+$0xFFFFFFC0] =	vst v8;
	v1 =	vand.u32 $0x7F, v1;
	v8 =	vld.idx.msk [tilespmem:v15+s19+$0x0], $0xffff;
	v14 =	vand.u32 $0xFFFFFC00, v14;
	v15 =	vor.u32 $0x200, v0  }
0x37f: {  	v18 =	vshll.u32 v9, $0x3;
	v1 =	vor.u32 v1, v14;
	[tilespmem:s9+$0xFFFFFF80] =	vst v13;
	v13 =	vor.u32 $0x300, v4;
	v14 =	vld.idx.msk [tilespmem:v17+s19+$0x0], $0xffff  }
0x380: {  	[tilespmem:s0+$0xFFFFFFD0] =	vst v7;
	v7 =	vand.u32 $0x7F, v9;
	v9 =	vand.u32 $0xFFFFFC00, v18;
	v17 =	vor.u32 $0x200, v1;
	v5 =	vld.idx.msk [tilespmem:v5+s19+$0x0], $0xffff  }
0x381: {  	[tilespmem:s0+$0xFFFFFFA0] =	vst v6;
	v6 =	vor.u32 v7, v9;
	v7 =	vor.u32 $0x280, v2;
	v9 =	vld.idx.msk [tilespmem:v12+s19+$0x0], $0xffff  }
0x382: {  	[tilespmem:s0+$0xFFFFFFB0] =	vst v10;
	v10 =	vor.u32 $0x200, v6;
	v12 =	vld.idx.msk [tilespmem:v16+s19+$0x0], $0xffff  }
0x383: {  	v16 =	vor.u32 $0x280, v3;
	[tilespmem:s9+$0xFFFFFE90] =	vst v8;
	v8 =	vld.idx.msk [tilespmem:v15+s19+$0x0], $0xffff  }
0x384: {  	v15 =	vor.u32 $0x280, v11;
	v13 =	vld.idx.msk [tilespmem:v13+s19+$0x0], $0xffff;
	[tilespmem:s9+$0xFFFFFE60] =	vst v14  }
0x385: {  	v14 =	vor.u32 $0x280, v0;
	v17 =	vld.idx.msk [tilespmem:v17+s19+$0x0], $0xffff;
	[tilespmem:s9+$0x0] =	vst v5  }
0x386: {  	v5 =	vor.u32 $0x280, v1;
	v7 =	vld.idx.msk [tilespmem:v7+s19+$0x0], $0xffff;
	[tilespmem:s9+$0xFFFFFE70] =	vst v9  }
0x387: {  	v4 =	vor.u32 $0x380, v4;
	v9 =	vld.idx.msk [tilespmem:v10+s19+$0x0], $0xffff;
	[tilespmem:s9+$0xFFFFFE40] =	vst v12  }
0x388: {  	v10 =	vor.u32 $0x280, v6;
	v12 =	vld.idx.msk [tilespmem:v16+s19+$0x0], $0xffff;
	[tilespmem:s9+$0xFFFFFE20] =	vst v8  }
0x389: {  	v8 =	vor.u32 $0x300, v2;
	v15 =	vld.idx.msk [tilespmem:v15+s19+$0x0], $0xffff;
	[tilespmem:s9+$0xFFFFFF10] =	vst v13  }
0x38a: {  	v13 =	vor.u32 $0x300, v3;
	v14 =	vld.idx.msk [tilespmem:v14+s19+$0x0], $0xffff;
	[tilespmem:s9+$0xFFFFFE50] =	vst v17  }
0x38b: {  	v16 =	vor.u32 $0x300, v11;
	v5 =	vld.idx.msk [tilespmem:v5+s19+$0x0], $0xffff;
	[tilespmem:s9+$0xFFFFFEE0] =	vst v7  }
0x38c: {  	v4 =	vld.idx.msk [tilespmem:v4+s19+$0x0], $0xffff;
	v7 =	vor.u32 $0x300, v1;
	[tilespmem:s9+$0xFFFFFE30] =	vst v9  }
0x38d: {  	v9 =	vor.u32 $0x300, v0;
	[tilespmem:s9+$0xFFFFFEF0] =	vst v12;
	v10 =	vld.idx.msk [tilespmem:v10+s19+$0x0], $0xffff  }
0x38e: {  	v12 =	vor.u32 $0x300, v6;
	v8 =	vld.idx.msk [tilespmem:v8+s19+$0x0], $0xffff;
	[tilespmem:s9+$0xFFFFFEC0] =	vst v15  }
0x38f: {  	v2 =	vor.u32 $0x380, v2;
	v13 =	vld.idx.msk [tilespmem:v13+s19+$0x0], $0xffff;
	[tilespmem:s9+$0xFFFFFEA0] =	vst v14  }
0x390: {  	v3 =	vor.u32 $0x380, v3;
	v14 =	vld.idx.msk [tilespmem:v16+s19+$0x0], $0xffff;
	[tilespmem:s9+$0xFFFFFED0] =	vst v5  }
0x391: {  	[tilespmem:s9+$0xFFFFFF90] =	vst v4;
	v4 =	vor.u32 $0x380, v11;
	v5 =	vld.idx.msk [tilespmem:v7+s19+$0x0], $0xffff  }
0x392: {  	v1 =	vor.u32 $0x380, v1;
	v7 =	vld.idx.msk [tilespmem:v9+s19+$0x0], $0xffff;
	[tilespmem:s9+$0xFFFFFEB0] =	vst v10  }
0x393: {  	v0 =	vor.u32 $0x380, v0;
	[tilespmem:s9+$0xFFFFFF60] =	vst v8;
	v8 =	vld.idx.msk [tilespmem:v12+s19+$0x0], $0xffff  }
0x394: {  	v6 =	vor.u32 $0x380, v6;
	v2 =	vld.idx.msk [tilespmem:v2+s19+$0x0], $0xffff;
	[tilespmem:s9+$0xFFFFFF70] =	vst v13  }
0x395: {  	v3 =	vld.idx.msk [tilespmem:v3+s19+$0x0], $0xffff;
	[tilespmem:s9+$0xFFFFFF40] =	vst v14  }
0x396: {  	v4 =	vld.idx.msk [tilespmem:v4+s19+$0x0], $0xffff;
	[tilespmem:s9+$0xFFFFFF50] =	vst v5  }
0x397: {  	[tilespmem:s9+$0xFFFFFF20] =	vst v7;
	v1 =	vld.idx.msk [tilespmem:v1+s19+$0x0], $0xffff  }
0x398: {  	v0 =	vld.idx.msk [tilespmem:v0+s19+$0x0], $0xffff;
	[tilespmem:s9+$0xFFFFFF30] =	vst v8  }
0x399: {  	[tilespmem:s9+$0xFFFFFFE0] =	vst v2;
	v2 =	vld.idx.msk [tilespmem:v6+s19+$0x0], $0xffff  }
0x39a: {  	[tilespmem:s9+$0xFFFFFFF0] =	vst v3  }
0x39b: {  	[tilespmem:s9+$0xFFFFFFC0] =	vst v4  }
0x39c: {  	[tilespmem:s9+$0xFFFFFFD0] =	vst v1  }
0x39d: {  	[tilespmem:s9+$0xFFFFFFA0] =	vst v0  }
0x39e: {  	s0 =	sadd.s32 s2, s11;
	[tilespmem:s9+$0xFFFFFFB0] =	vst v2;
	s9 =	simm.s32 $0x10A00  }
0x39f: {  	[hbm4b:s0+s6] =	stream.linear.scatter [tilespmem:s9], [sflag:$0x5], $0x200, $0x38;
	[tilespmem:$0x18800] =	vst v63  }
0x3a0: {  	s16 =	simm.s32 $0x10E00;
	s10 =	sadd.s32 $0x80, s0  }
0x3a1: {  	[hbm4b:s10+s6] =	stream.linear.scatter [tilespmem:s16], [sflag:$0x5], $0x200, $0x38;
	[tilespmem:$0x18800] =	vst v63  }
0x3a2: {  	s10 =	sadd.s32 $0x100, s0;
	s16 =	simm.s32 $0x11200  }
0x3a3: {  	[hbm4b:s10+s6] =	stream.linear.scatter [tilespmem:s16], [sflag:$0x5], $0x200, $0x38;
	[tilespmem:$0x18800] =	vst v63  }
0x3a4: {  	s10 =	sadd.s32 $0x180, s0;
	s16 =	simm.s32 $0x11600  }
0x3a5: {  	[hbm4b:s10+s6] =	stream.linear.scatter [tilespmem:s16], [sflag:$0x5], $0x200, $0x38;
	[tilespmem:$0x18800] =	vst v63  }
0x3a6: {  	s10 =	sadd.s32 $0x200, s0;
	s16 =	simm.s32 $0x11A00  }
0x3a7: {  	[hbm4b:s10+s6] =	stream.linear.scatter [tilespmem:s16], [sflag:$0x5], $0x200, $0x38;
	[tilespmem:$0x18800] =	vst v63  }
0x3a8: {  	s10 =	sadd.s32 $0x280, s0;
	s16 =	simm.s32 $0x11E00  }
0x3a9: {  	[hbm4b:s10+s6] =	stream.linear.scatter [tilespmem:s16], [sflag:$0x5], $0x200, $0x38;
	[tilespmem:$0x18800] =	vst v63  }
0x3aa: {  	s10 =	sadd.s32 $0x300, s0;
	s16 =	simm.s32 $0x12200  }
0x3ab: {  	[hbm4b:s10+s6] =	stream.linear.scatter [tilespmem:s16], [sflag:$0x5], $0x200, $0x38;
	[tilespmem:$0x18800] =	vst v63  }
0x3ac: {  	s10 =	sadd.s32 $0x380, s0;
	s16 =	simm.s32 $0x12600  }
0x3ad: {  	[hbm4b:s10+s6] =	stream.linear.scatter [tilespmem:s16], [sflag:$0x5], $0x200, $0x38;
	[tilespmem:$0x18800] =	vst v63  }
0x3ae: {  	s10 =	sadd.s32 $0x400, s0;
	s16 =	simm.s32 $0x12A00  }
0x3af: {  	[hbm4b:s10+s6] =	stream.linear.scatter [tilespmem:s16], [sflag:$0x5], $0x200, $0x38;
	[tilespmem:$0x18800] =	vst v63  }
0x3b0: {  	s10 =	sadd.s32 $0x480, s0;
	s16 =	simm.s32 $0x12E00  }
0x3b1: {  	[hbm4b:s10+s6] =	stream.linear.scatter [tilespmem:s16], [sflag:$0x5], $0x200, $0x38;
	[tilespmem:$0x18800] =	vst v63  }
0x3b2: {  	s10 =	sadd.s32 $0x500, s0;
	s16 =	simm.s32 $0x13200  }
0x3b3: {  	[hbm4b:s10+s6] =	stream.linear.scatter [tilespmem:s16], [sflag:$0x5], $0x200, $0x38;
	[tilespmem:$0x18800] =	vst v63  }
0x3b4: {  	s10 =	sadd.s32 $0x580, s0;
	s16 =	simm.s32 $0x13600  }
0x3b5: {  	[hbm4b:s10+s6] =	stream.linear.scatter [tilespmem:s16], [sflag:$0x5], $0x200, $0x38;
	[tilespmem:$0x18800] =	vst v63  }
0x3b6: {  	s10 =	sadd.s32 $0x600, s0;
	s16 =	simm.s32 $0x13A00  }
0x3b7: {  	[hbm4b:s10+s6] =	stream.linear.scatter [tilespmem:s16], [sflag:$0x5], $0x200, $0x38;
	[tilespmem:$0x18800] =	vst v63  }
0x3b8: {  	s10 =	sadd.s32 $0x680, s0;
	s16 =	simm.s32 $0x13E00  }
0x3b9: {  	[hbm4b:s10+s6] =	stream.linear.scatter [tilespmem:s16], [sflag:$0x5], $0x200, $0x38;
	[tilespmem:$0x18800] =	vst v63  }
0x3ba: {  	s10 =	sadd.s32 $0x700, s0;
	s16 =	simm.s32 $0x14200  }
0x3bb: {  	[hbm4b:s10+s6] =	stream.linear.scatter [tilespmem:s16], [sflag:$0x5], $0x200, $0x38;
	[tilespmem:$0x18800] =	vst v63  }
0x3bc: {  	s0 =	sadd.s32 $0x780, s0;
	s10 =	simm.s32 $0x14600  }
0x3bd: {  	[hbm4b:s0+s6] =	stream.linear.scatter [tilespmem:s10], [sflag:$0x5], $0x200, $0x38;
	[tilespmem:$0x18800] =	vst v63  }
0x3be: {  	s0 =	rddreg [dreg:$0xb]  }
0x3bf: {  	s0 =	sadd.s32 @!p0 s30, s0  }
0x3c0: {  	s0 =	sshll.u32 @!p0 s0, $0x8  }
0x3c1: {  	s2 =	simm.s32 @!p0 $0x0;
	s9 =	simm.s32 @!p0 $0x8800;
	s0 =	sadd.s32 @!p0 s1, s0  }
0x3c2: {  	[tilespmem:s9], [sflag:$0x3] =	stream.linear.gather @!p0 [hbm4b:s0+s2], $0x4000, $0x38;
	[tilespmem:$0x18800] =	vst v63  }
0x3c3: {  	_ =	swait.ge [sflag:s28], $0x4000  }
0x3c4: {  	[sflag:s28] =	ssyncset.done $0x0  }
0x3c5: {  	[sflag:s28] =	ssyncadd.s32 $0xFFFFC000  }
0x3c6: {  	_ =	swait.ge [sflag:s8], $0x4000  }
0x3c7: {  	[sflag:s8] =	ssyncset.done $0x0  }
0x3c8: {  	s16 =	simm.s32 $0x40;
	[sflag:s8] =	ssyncadd.s32 $0xFFFFC000  }
0x3c9: {  	v0 =	vld [tilespmem:s16+$0xFFFFFFC0]  }
0x3ca: {  	v1 =	vld [tilespmem:s16+$0x10]  }
0x3cb: {  	v3 =	vld [tilespmem:s16+$0xFFFFFFE0]  }
0x3cc: {  	v2 =	vld [tilespmem:s16+$0x0];
	_ =	sdelay $0x1  }
0x3cd: {  	v6 =	vld [tilespmem:s16+$0x20]  }
0x3ce: {  	v7 =	vld [tilespmem:s16+$0xFFFFFFF0];
	v4 =	vshll.u32 v0, $0x3;
	v0 =	vand.u32 $0x7F, v0;
	v5 =	vshll.u32 v1, $0x3  }
0x3cf: {  	v1 =	vand.u32 $0x7F, v1;
	v9 =	vshll.u32 v3, $0x3;
	v4 =	vand.u32 $0xFFFFFC00, v4  }
0x3d0: {  	v8 =	vld [tilespmem:s16+$0xFFFFFFD0];
	v3 =	vand.u32 $0x7F, v3;
	v4 =	vor.u32 v0, v4;
	v0 =	vshll.u32 v2, $0x3  }
0x3d1: {  	v5 =	vand.u32 $0xFFFFFC00, v5;
	v2 =	vand.u32 $0x7F, v2;
	v0 =	vand.u32 $0xFFFFFC00, v0  }
0x3d2: {  	v5 =	vor.u32 v1, v5;
	v0 =	vor.u32 v2, v0;
	v2 =	vand.u32 $0xFFFFFC00, v9;
	v9 =	vld [tilespmem:s16+$0x30]  }
0x3d3: {  	v11 =	vand.u32 $0x7F, v7;
	v2 =	vor.u32 v3, v2;
	v3 =	vshll.u32 v6, $0x3  }
0x3d4: {  	v1 =	vand.u32 $0x7F, v6;
	v12 =	vor.u32 $0x80, v4;
	v3 =	vand.u32 $0xFFFFFC00, v3  }
0x3d5: {  	v6 =	vshll.u32 v7, $0x3;
	v10 =	vld.idx.msk [tilespmem:v4+s20+$0x0], $0xffff;
	v1 =	vor.u32 v1, v3;
	v3 =	vshll.u32 v8, $0x3  }
0x3d6: {  	v6 =	vand.u32 $0xFFFFFC00, v6;
	v8 =	vand.u32 $0x7F, v8;
	v3 =	vand.u32 $0xFFFFFC00, v3  }
0x3d7: {  	v6 =	vor.u32 v11, v6;
	v17 =	vld.idx.msk [tilespmem:v5+s20+$0x0], $0xffff;
	v7 =	vor.u32 v8, v3;
	v3 =	vshll.u32 v9, $0x3  }
0x3d8: {  	v13 =	vld.idx.msk [tilespmem:v0+s20+$0x0], $0xffff;
	v8 =	vand.u32 $0x7F, v9;
	v3 =	vand.u32 $0xFFFFFC00, v3  }
0x3d9: {  	s0 =	simm.s32 $0x14900;
	v11 =	vld.idx.msk [tilespmem:v2+s20+$0x0], $0xffff;
	v3 =	vor.u32 v8, v3  }
0x3da: {  	v20 =	vor.u32 $0x80, v0;
	[tilespmem:s0+$0xFFFFFF00] =	vst v10;
	v10 =	vld.idx.msk [tilespmem:v1+s20+$0x0], $0xffff  }
0x3db: {  	v18 =	vld.idx.msk [tilespmem:v12+s20+$0x0], $0xffff;
	v12 =	vor.u32 $0x80, v5  }
0x3dc: {  	v15 =	vor.u32 $0x80, v2;
	v16 =	vld.idx.msk [tilespmem:v6+s20+$0x0], $0xffff  }
0x3dd: {  	s10 =	simm.s32 $0x14900;
	s2 =	simm.s32 $0x0;
	s9 =	simm.s32 $0xC0;
	v9 =	vor.u32 $0x80, v1;
	v14 =	vor.u32 $0x80, v7;
	v8 =	vor.u32 $0x80, v3;
	v19 =	vld.idx.msk [tilespmem:v7+s20+$0x0], $0xffff  }
.LBB2_19:
0x3de: {  	s2 =	sadd.s32 $0x8, s2;
	[tilespmem:s0+$0xFFFFFF40] =	vst v13;
	v13 =	vld.idx.msk [tilespmem:v3+s20+$0x0], $0xffff;
	s10 =	sadd.s32 $0x400, s10  }
0x3df: {  	p1 =	slt.u32 s2, $0x78;
	v20 =	vld.idx.msk [tilespmem:v20+s20+$0x0], $0xffff;
	[tilespmem:s0+$0xFFFFFF50] =	vst v17  }
0x3e0: {  	v17 =	vor.u32 $0x100, v4;
	v12 =	vld.idx.msk [tilespmem:v12+s20+$0x0], $0xffff  }
0x3e1: {  	v21 =	vld [tilespmem:s9+$0x10];
	[tilespmem:s0+$0xFFFFFF80] =	vst v18  }
0x3e2: {  	v18 =	vld [tilespmem:s9+$0xFFFFFFE0];
	[tilespmem:s0+$0xFFFFFF10] =	vst v19;
	v19 =	vor.u32 $0x80, v6  }
0x3e3: {  	v14 =	vld.idx.msk [tilespmem:v14+s20+$0x0], $0xffff;
	[tilespmem:s0+$0xFFFFFF20] =	vst v11  }
0x3e4: {  	v11 =	vld.idx.msk [tilespmem:v15+s20+$0x0], $0xffff;
	[tilespmem:s0+$0xFFFFFF70] =	vst v13  }
0x3e5: {  	v13 =	vld.idx.msk [tilespmem:v17+s20+$0x0], $0xffff;
	[tilespmem:s0+$0xFFFFFFC0] =	vst v20  }
0x3e6: {  	v15 =	vld [tilespmem:s9+$0xFFFFFFF0];
	[tilespmem:s0+$0xFFFFFF30] =	vst v16  }
0x3e7: {  	v16 =	vld.idx.msk [tilespmem:v19+s20+$0x0], $0xffff;
	[tilespmem:s0+$0xFFFFFFD0] =	vst v12  }
0x3e8: {  	v12 =	vld [tilespmem:s9+$0xFFFFFFC0];
	[tilespmem:s0+$0xFFFFFF60] =	vst v10  }
0x3e9: {  	[tilespmem:s0+$0xFFFFFF90] =	vst v14;
	v8 =	vld.idx.msk [tilespmem:v8+s20+$0x0], $0xffff  }
0x3ea: {  	v10 =	vld [tilespmem:s9+$0x20];
	[tilespmem:s0+$0xFFFFFFA0] =	vst v11;
	v11 =	vor.u32 $0x100, v5  }
0x3eb: {  	v14 =	vld [tilespmem:s9+$0x30];
	[tilespmem:s0+$0x0] =	vst v13;
	v13 =	vor.u32 $0x100, v7  }
0x3ec: {  	v19 =	vor.u32 $0x100, v6;
	v17 =	vld [tilespmem:s9+$0xFFFFFFD0]  }
0x3ed: {  	v20 =	vor.u32 $0x180, v4;
	[tilespmem:s0+$0xFFFFFFB0] =	vst v16;
	v9 =	vld.idx.msk [tilespmem:v9+s20+$0x0], $0xffff  }
0x3ee: {  	v22 =	vor.u32 $0x100, v2;
	v23 =	vor.u32 $0x180, v5;
	v5 =	vor.u32 $0x100, v1;
	v16 =	vld [tilespmem:s9+$0x0]  }
0x3ef: {  	v24 =	vor.u32 $0x100, v0;
	v4 =	vshll.u32 v12, $0x3;
	v11 =	vld.idx.msk [tilespmem:v11+s20+$0x0], $0xffff;
	[tilespmem:s0+$0xFFFFFFF0] =	vst v8;
	v8 =	vor.u32 $0x100, v3  }
0x3f0: {  	v4 =	vand.u32 $0xFFFFFC00, v4;
	v25 =	vand.u32 $0x7F, v14;
	v14 =	vshll.u32 v14, $0x3;
	v13 =	vld.idx.msk [tilespmem:v13+s20+$0x0], $0xffff  }
0x3f1: {  	v6 =	vor.u32 $0x180, v6;
	v12 =	vand.u32 $0x7F, v12;
	v14 =	vand.u32 $0xFFFFFC00, v14;
	v19 =	vld.idx.msk [tilespmem:v19+s20+$0x0], $0xffff  }
0x3f2: {  	v7 =	vor.u32 $0x180, v7;
	v4 =	vor.u32 v12, v4;
	v12 =	vshll.u32 v21, $0x3;
	v20 =	vld.idx.msk [tilespmem:v20+s20+$0x0], $0xffff  }
0x3f3: {  	v26 =	vshll.u32 v15, $0x3;
	v14 =	vor.u32 v25, v14;
	v27 =	vshll.u32 v16, $0x3;
	v22 =	vld.idx.msk [tilespmem:v22+s20+$0x0], $0xffff;
	[tilespmem:s0+$0xFFFFFFE0] =	vst v9  }
0x3f4: {  	v21 =	vand.u32 $0x7F, v21;
	v9 =	vand.u32 $0xFFFFFC00, v26;
	v16 =	vand.u32 $0x7F, v16;
	v25 =	vld.idx.msk [tilespmem:v5+s20+$0x0], $0xffff  }
0x3f5: {  	v12 =	vand.u32 $0xFFFFFC00, v12;
	v26 =	vor.u32 $0x180, v2;
	v5 =	vand.u32 $0xFFFFFC00, v27;
	[tilespmem:s0+$0x50] =	vst v11;
	v8 =	vld.idx.msk [tilespmem:v8+s20+$0x0], $0xffff  }
0x3f6: {  	v2 =	vshll.u32 v18, $0x3;
	v11 =	vor.u32 v16, v5;
	v5 =	vor.u32 v21, v12;
	[tilespmem:s0+$0x10] =	vst v13;
	v12 =	vld.idx.msk [tilespmem:v24+s20+$0x0], $0xffff  }
0x3f7: {  	v2 =	vand.u32 $0xFFFFFC00, v2;
	v13 =	vor.u32 $0x180, v3;
	v3 =	vmov v14;
	v7 =	vld.idx.msk [tilespmem:v7+s20+$0x0], $0xffff;
	[tilespmem:s0+$0x30] =	vst v19  }
0x3f8: {  	v14 =	vand.u32 $0x7F, v18;
	v18 =	vor.u32 $0x180, v0;
	v0 =	vmovc v11;
	v19 =	vor.u32 $0x180, v1;
	[tilespmem:s0+$0x80] =	vst v20;
	v16 =	vld.idx.msk [tilespmem:v6+s20+$0x0], $0xffff  }
0x3f9: {  	v21 =	vor.u32 $0x80, v4;
	v2 =	vor.u32 v14, v2;
	v1 =	vand.u32 $0x7F, v15;
	[tilespmem:s0+$0x20] =	vst v22;
	v11 =	vld.idx.msk [tilespmem:v23+s20+$0x0], $0xffff  }
0x3fa: {  	v6 =	vor.u32 v1, v9;
	v1 =	vshll.u32 v10, $0x3;
	v9 =	vld.idx.msk [tilespmem:v26+s20+$0x0], $0xffff;
	[tilespmem:s0+$0x60] =	vst v25  }
0x3fb: {  	v10 =	vand.u32 $0x7F, v10;
	v1 =	vand.u32 $0xFFFFFC00, v1;
	v15 =	vld.idx.msk [tilespmem:v4+s20+$0x0], $0xffff;
	[tilespmem:s0+$0x70] =	vst v8  }
0x3fc: {  	v1 =	vor.u32 v10, v1;
	[tilespmem:s0+$0x40] =	vst v12;
	v22 =	vld.idx.msk [tilespmem:v13+s20+$0x0], $0xffff  }
0x3fd: {  	v8 =	vshll.u32 v17, $0x3;
	v12 =	vor.u32 $0x80, v5;
	v13 =	vld.idx.msk [tilespmem:v0+s20+$0x0], $0xffff;
	[tilespmem:s0+$0x90] =	vst v7  }
0x3fe: {  	v10 =	vand.u32 $0xFFFFFC00, v8;
	v8 =	vor.u32 $0x80, v3;
	v7 =	vand.u32 $0x7F, v17;
	[tilespmem:s0+$0xB0] =	vst v16;
	v16 =	vld.idx.msk [tilespmem:v18+s20+$0x0], $0xffff  }
0x3ff: {  	v7 =	vor.u32 v7, v10;
	[tilespmem:s0+$0xD0] =	vst v11;
	v23 =	vld.idx.msk [tilespmem:v19+s20+$0x0], $0xffff  }
0x400: {  	v14 =	vor.u32 $0x80, v7;
	v11 =	vld.idx.msk [tilespmem:v2+s20+$0x0], $0xffff  }
.Ltmp11:
0x401: {  	[tilespmem:s10+$0xFFFFFF00] =	vst v15;
	v15 =	vor.u32 $0x80, v2;
	v17 =	vld.idx.msk [tilespmem:v5+s20+$0x0], $0xffff;
	(pc) =	sbr.rel @p1 .LBB2_19-.Ltmp11, $4  }
0x402: {  	v20 =	vor.u32 $0x80, v0;
	v10 =	vld.idx.msk [tilespmem:v1+s20+$0x0], $0xffff;
	[tilespmem:s0+$0xF0] =	vst v22  }
0x403: {  	v18 =	vld.idx.msk [tilespmem:v21+s20+$0x0], $0xffff;
	[tilespmem:s0+$0xA0] =	vst v9  }
0x404: {  	v19 =	vld.idx.msk [tilespmem:v7+s20+$0x0], $0xffff;
	[tilespmem:s0+$0xC0] =	vst v16  }
0x405: {  	s9 =	sadd.s32 $0x80, s9;
	v9 =	vor.u32 $0x80, v1;
	v16 =	vld.idx.msk [tilespmem:v6+s20+$0x0], $0xffff;
	[tilespmem:s0+$0xE0] =	vst v23;
	s0 =	smov.u32 s10  }
0x406: {  	_ =	sdelay $0x2  }
0x407: {  	[tilespmem:s0+$0xFFFFFF40] =	vst v13  }
0x408: {  	v13 =	vld.idx.msk [tilespmem:v3+s20+$0x0], $0xffff;
	[tilespmem:s0+$0xFFFFFF50] =	vst v17  }
0x409: {  	v43 =	vor.u32 $0x80, v6;
	[tilespmem:s0+$0xFFFFFF20] =	vst v11  }
0x40a: {  	v44 =	vor.u32 $0x100, v4;
	v12 =	vld.idx.msk [tilespmem:v12+s20+$0x0], $0xffff;
	[tilespmem:s0+$0xFFFFFF60] =	vst v10  }
0x40b: {  	v42 =	vld.idx.msk [tilespmem:v20+s20+$0x0], $0xffff;
	[tilespmem:s0+$0xFFFFFF10] =	vst v19  }
0x40c: {  	v11 =	vld.idx.msk [tilespmem:v14+s20+$0x0], $0xffff;
	[tilespmem:s0+$0xFFFFFF30] =	vst v16  }
0x40d: {  	v14 =	vor.u32 $0x100, v5;
	[tilespmem:s0+$0xFFFFFF70] =	vst v13;
	v13 =	vld.idx.msk [tilespmem:v15+s20+$0x0], $0xffff  }
0x40e: {  	v45 =	vor.u32 $0x100, v7;
	[tilespmem:s0+$0xFFFFFF80] =	vst v18;
	v15 =	vld.idx.msk [tilespmem:v43+s20+$0x0], $0xffff  }
0x40f: {  	v46 =	vld.idx.msk [tilespmem:v44+s20+$0x0], $0xffff;
	[tilespmem:s0+$0xFFFFFFD0] =	vst v12;
	v12 =	vor.u32 $0x100, v6  }
0x410: {  	v4 =	vor.u32 $0x180, v4;
	v9 =	vld.idx.msk [tilespmem:v9+s20+$0x0], $0xffff;
	[tilespmem:s0+$0xFFFFFFC0] =	vst v42  }
0x411: {  	v10 =	vor.u32 $0x100, v2;
	v8 =	vld.idx.msk [tilespmem:v8+s20+$0x0], $0xffff;
	[tilespmem:s0+$0xFFFFFF90] =	vst v11  }
0x412: {  	v11 =	vld.idx.msk [tilespmem:v14+s20+$0x0], $0xffff;
	v14 =	vor.u32 $0x100, v1;
	[tilespmem:s0+$0xFFFFFFA0] =	vst v13  }
0x413: {  	v47 =	vor.u32 $0x100, v0;
	[tilespmem:s0+$0xFFFFFFB0] =	vst v15;
	v15 =	vld.idx.msk [tilespmem:v45+s20+$0x0], $0xffff  }
0x414: {  	v13 =	vor.u32 $0x100, v3;
	[tilespmem:s0+$0x0] =	vst v46;
	v12 =	vld.idx.msk [tilespmem:v12+s20+$0x0], $0xffff  }
0x415: {  	v5 =	vor.u32 $0x180, v5;
	[tilespmem:s0+$0xFFFFFFE0] =	vst v9;
	v4 =	vld.idx.msk [tilespmem:v4+s20+$0x0], $0xffff  }
0x416: {  	v7 =	vor.u32 $0x180, v7;
	[tilespmem:s0+$0xFFFFFFF0] =	vst v8;
	v8 =	vld.idx.msk [tilespmem:v10+s20+$0x0], $0xffff  }
0x417: {  	v6 =	vor.u32 $0x180, v6;
	[tilespmem:s0+$0x50] =	vst v11;
	v10 =	vld.idx.msk [tilespmem:v14+s20+$0x0], $0xffff  }
0x418: {  	v2 =	vor.u32 $0x180, v2;
	v11 =	vld.idx.msk [tilespmem:v47+s20+$0x0], $0xffff;
	[tilespmem:s0+$0x10] =	vst v15  }
0x419: {  	v0 =	vor.u32 $0x180, v0;
	v9 =	vld.idx.msk [tilespmem:v13+s20+$0x0], $0xffff;
	[tilespmem:s0+$0x30] =	vst v12  }
0x41a: {  	v1 =	vor.u32 $0x180, v1;
	v5 =	vld.idx.msk [tilespmem:v5+s20+$0x0], $0xffff;
	[tilespmem:s0+$0x80] =	vst v4  }
0x41b: {  	v3 =	vor.u32 $0x180, v3;
	v7 =	vld.idx.msk [tilespmem:v7+s20+$0x0], $0xffff;
	[tilespmem:s0+$0x20] =	vst v8  }
0x41c: {  	v4 =	vld.idx.msk [tilespmem:v6+s20+$0x0], $0xffff;
	[tilespmem:s0+$0x60] =	vst v10  }
0x41d: {  	v2 =	vld.idx.msk [tilespmem:v2+s20+$0x0], $0xffff;
	[tilespmem:s0+$0x40] =	vst v11  }
0x41e: {  	[tilespmem:s0+$0x70] =	vst v9;
	v0 =	vld.idx.msk [tilespmem:v0+s20+$0x0], $0xffff  }
0x41f: {  	v1 =	vld.idx.msk [tilespmem:v1+s20+$0x0], $0xffff;
	[tilespmem:s0+$0xD0] =	vst v5  }
0x420: {  	v3 =	vld.idx.msk [tilespmem:v3+s20+$0x0], $0xffff;
	[tilespmem:s0+$0x90] =	vst v7  }
0x421: {  	[tilespmem:s0+$0xB0] =	vst v4  }
0x422: {  	[tilespmem:s0+$0xA0] =	vst v2  }
0x423: {  	[tilespmem:s0+$0xC0] =	vst v0  }
0x424: {  	s2 =	sor.u32 $0x1800, s31;
	[tilespmem:s0+$0xE0] =	vst v1  }
0x425: {  	s9 =	simm.s32 $0x14800;
	[tilespmem:s0+$0xF0] =	vst v3;
	s0 =	sadd.s32 s4, s2  }
0x426: {  	[hbm4b:s0+s6] =	stream.linear.scatter [tilespmem:s9], [sflag:$0x6], $0x200, $0x38;
	[tilespmem:$0x18800] =	vst v63  }
0x427: {  	s10 =	simm.s32 $0x14C00;
	s31 =	sadd.s32 $0x80, s0  }
0x428: {  	[hbm4b:s31+s6] =	stream.linear.scatter [tilespmem:s10], [sflag:$0x6], $0x200, $0x38;
	[tilespmem:$0x18800] =	vst v63  }
0x429: {  	s16 =	sadd.s32 $0x100, s0;
	s31 =	simm.s32 $0x15000  }
0x42a: {  	[hbm4b:s16+s6] =	stream.linear.scatter [tilespmem:s31], [sflag:$0x6], $0x200, $0x38;
	[tilespmem:$0x18800] =	vst v63  }
0x42b: {  	s16 =	sadd.s32 $0x180, s0;
	s31 =	simm.s32 $0x15400  }
0x42c: {  	[hbm4b:s16+s6] =	stream.linear.scatter [tilespmem:s31], [sflag:$0x6], $0x200, $0x38;
	[tilespmem:$0x18800] =	vst v63  }
0x42d: {  	s16 =	sadd.s32 $0x200, s0;
	s31 =	simm.s32 $0x15800  }
0x42e: {  	[hbm4b:s16+s6] =	stream.linear.scatter [tilespmem:s31], [sflag:$0x6], $0x200, $0x38;
	[tilespmem:$0x18800] =	vst v63  }
0x42f: {  	s16 =	sadd.s32 $0x280, s0;
	s31 =	simm.s32 $0x15C00  }
0x430: {  	[hbm4b:s16+s6] =	stream.linear.scatter [tilespmem:s31], [sflag:$0x6], $0x200, $0x38;
	[tilespmem:$0x18800] =	vst v63  }
0x431: {  	s16 =	sadd.s32 $0x300, s0;
	s31 =	simm.s32 $0x16000  }
0x432: {  	[hbm4b:s16+s6] =	stream.linear.scatter [tilespmem:s31], [sflag:$0x6], $0x200, $0x38;
	[tilespmem:$0x18800] =	vst v63  }
0x433: {  	s16 =	sadd.s32 $0x380, s0;
	s31 =	simm.s32 $0x16400  }
0x434: {  	[hbm4b:s16+s6] =	stream.linear.scatter [tilespmem:s31], [sflag:$0x6], $0x200, $0x38;
	[tilespmem:$0x18800] =	vst v63  }
0x435: {  	s16 =	sadd.s32 $0x400, s0;
	s31 =	simm.s32 $0x16800  }
0x436: {  	[hbm4b:s16+s6] =	stream.linear.scatter [tilespmem:s31], [sflag:$0x6], $0x200, $0x38;
	[tilespmem:$0x18800] =	vst v63  }
0x437: {  	s16 =	sadd.s32 $0x480, s0;
	s31 =	simm.s32 $0x16C00  }
0x438: {  	[hbm4b:s16+s6] =	stream.linear.scatter [tilespmem:s31], [sflag:$0x6], $0x200, $0x38;
	[tilespmem:$0x18800] =	vst v63  }
0x439: {  	s16 =	sadd.s32 $0x500, s0;
	s31 =	simm.s32 $0x17000  }
0x43a: {  	[hbm4b:s16+s6] =	stream.linear.scatter [tilespmem:s31], [sflag:$0x6], $0x200, $0x38;
	[tilespmem:$0x18800] =	vst v63  }
0x43b: {  	s16 =	sadd.s32 $0x580, s0;
	s31 =	simm.s32 $0x17400  }
0x43c: {  	[hbm4b:s16+s6] =	stream.linear.scatter [tilespmem:s31], [sflag:$0x6], $0x200, $0x38;
	[tilespmem:$0x18800] =	vst v63  }
0x43d: {  	s16 =	sadd.s32 $0x600, s0;
	s31 =	simm.s32 $0x17800  }
0x43e: {  	[hbm4b:s16+s6] =	stream.linear.scatter [tilespmem:s31], [sflag:$0x6], $0x200, $0x38;
	[tilespmem:$0x18800] =	vst v63  }
0x43f: {  	s16 =	sadd.s32 $0x680, s0;
	s31 =	simm.s32 $0x17C00  }
0x440: {  	[hbm4b:s16+s6] =	stream.linear.scatter [tilespmem:s31], [sflag:$0x6], $0x200, $0x38;
	[tilespmem:$0x18800] =	vst v63  }
0x441: {  	s16 =	sadd.s32 $0x700, s0;
	s31 =	simm.s32 $0x18000  }
0x442: {  	[hbm4b:s16+s6] =	stream.linear.scatter [tilespmem:s31], [sflag:$0x6], $0x200, $0x38;
	[tilespmem:$0x18800] =	vst v63  }
0x443: {  	s0 =	sadd.s32 $0x780, s0;
	s16 =	simm.s32 $0x18400;
	s31 =	simm.s32 $0x40  }
0x444: {  	[hbm4b:s0+s6] =	stream.linear.scatter [tilespmem:s16], [sflag:$0x6], $0x200, $0x38;
	[tilespmem:$0x18800] =	vst v63  }
0x445: {  	v0 =	vld [tilespmem:s31+$0x30];
	_ =	sdelay $0x3  }
0x446: {  	v2 =	vld [tilespmem:s31+$0xFFFFFFC0]  }
0x447: {  	v1 =	vshll.u32 v0, $0x3  }
0x448: {  	v0 =	vand.u32 $0x7F, v0;
	v1 =	vand.u32 $0xFFFFFC00, v1  }
0x449: {  	v1 =	vor.u32 v0, v1  }
0x44a: {  	v0 =	vor.u32 $0x200, v1  }
0x44b: {  	v4 =	vshll.u32 v2, $0x3  }
0x44c: {  	v9 =	vld [tilespmem:s31+$0xFFFFFFF0];
	v2 =	vand.u32 $0x7F, v2;
	v4 =	vand.u32 $0xFFFFFC00, v4  }
0x44d: {  	v4 =	vor.u32 v2, v4;
	v2 =	vld [tilespmem:s31+$0x10]  }
0x44e: {  	v5 =	vld [tilespmem:s31+$0xFFFFFFD0]  }
0x44f: {  	v0 =	vld.idx.msk [tilespmem:v0+s20+$0x0], $0xffff  }
0x450: {  	v3 =	vor.u32 $0x280, v1;
	_ =	sdelay $0x1  }
0x451: {  	v6 =	vld [tilespmem:s31+$0x0];
	v48 =	vand.u32 $0x7F, v9;
	v12 =	vshll.u32 v2, $0x3  }
0x452: {  	s0 =	simm.s32 $0x14BF0;
	v7 =	vld [tilespmem:s31+$0x20];
	v9 =	vshll.u32 v9, $0x3;
	v2 =	vand.u32 $0x7F, v2;
	v12 =	vand.u32 $0xFFFFFC00, v12  }
0x453: {  	v10 =	vld [tilespmem:s31+$0xFFFFFFE0];
	v49 =	vshll.u32 v5, $0x3;
	v12 =	vor.u32 v2, v12;
	[tilespmem:s0+$0xFFFFFE80] =	vst v0;
	v0 =	vor.u32 $0x200, v4  }
0x454: {  	s10 =	simm.s32 $0xC0;
	v5 =	vand.u32 $0x7F, v5;
	v9 =	vand.u32 $0xFFFFFC00, v9;
	v15 =	vor.u32 $0x200, v12;
	v3 =	vld.idx.msk [tilespmem:v3+s20+$0x0], $0xffff  }
0x455: {  	v51 =	vld [tilespmem:s10+$0x30];
	v17 =	vand.u32 $0xFFFFFC00, v49;
	v9 =	vor.u32 v48, v9;
	v8 =	vor.u32 $0x300, v1  }
0x456: {  	v22 =	vld [tilespmem:s10+$0xFFFFFFC0];
	v17 =	vor.u32 v5, v17;
	v5 =	vor.u32 $0x200, v9  }
0x457: {  	v14 =	vor.u32 $0x380, v1;
	v1 =	vld [tilespmem:s10+$0x0]  }
0x458: {  	v11 =	vld.idx.msk [tilespmem:v0+s20+$0x0], $0xffff  }
0x459: {  	v13 =	vor.u32 $0x280, v4;
	v15 =	vld.idx.msk [tilespmem:v15+s20+$0x0], $0xffff;
	[tilespmem:s0+$0xFFFFFF00] =	vst v3;
	v3 =	vshll.u32 v7, $0x3  }
0x45a: {  	v21 =	vor.u32 $0x280, v12;
	v7 =	vand.u32 $0x7F, v7;
	v8 =	vld.idx.msk [tilespmem:v8+s20+$0x0], $0xffff;
	v3 =	vand.u32 $0xFFFFFC00, v3  }
0x45b: {  	v5 =	vld.idx.msk [tilespmem:v5+s20+$0x0], $0xffff;
	v7 =	vor.u32 v7, v3  }
0x45c: {  	v2 =	vld [tilespmem:s10+$0x10];
	v50 =	vor.u32 $0x200, v7  }
0x45d: {  	v0 =	vld [tilespmem:s10+$0xFFFFFFD0];
	[tilespmem:s0+$0xFFFFFE10] =	vst v11;
	v11 =	vshll.u32 v6, $0x3  }
0x45e: {  	v52 =	vor.u32 $0x200, v17;
	[tilespmem:s0+$0xFFFFFE60] =	vst v15;
	v6 =	vand.u32 $0x7F, v6;
	v13 =	vld.idx.msk [tilespmem:v13+s20+$0x0], $0xffff;
	v11 =	vand.u32 $0xFFFFFC00, v11  }
0x45f: {  	v21 =	vld.idx.msk [tilespmem:v21+s20+$0x0], $0xffff;
	[tilespmem:s0+$0xFFFFFF80] =	vst v8;
	v6 =	vor.u32 v6, v11;
	v8 =	vor.u32 $0x300, v4  }
0x460: {  	v11 =	vld.idx.msk [tilespmem:v14+s20+$0x0], $0xffff;
	v14 =	vshll.u32 v10, $0x3;
	v53 =	vor.u32 $0x200, v6  }
0x461: {  	v55 =	vor.u32 $0x300, v12;
	v10 =	vand.u32 $0x7F, v10;
	v18 =	vld.idx.msk [tilespmem:v50+s20+$0x0], $0xffff;
	v14 =	vand.u32 $0xFFFFFC00, v14  }
0x462: {  	v3 =	vld [tilespmem:s10+$0x20];
	v10 =	vor.u32 v10, v14;
	v14 =	vor.u32 $0x280, v7  }
0x463: {  	v23 =	vor.u32 $0x200, v10;
	[tilespmem:s0+$0xFFFFFE90] =	vst v13;
	v13 =	vld.idx.msk [tilespmem:v52+s20+$0x0], $0xffff  }
0x464: {  	v54 =	vor.u32 $0x280, v9;
	[tilespmem:s0+$0xFFFFFE40] =	vst v5;
	v8 =	vld.idx.msk [tilespmem:v8+s20+$0x0], $0xffff  }
0x465: {  	v15 =	vor.u32 $0x280, v17;
	[tilespmem:s0+$0xFFFFFEE0] =	vst v21;
	v20 =	vld.idx.msk [tilespmem:v53+s20+$0x0], $0xffff  }
0x466: {  	v4 =	vor.u32 $0x380, v4;
	[tilespmem:s0+$0xFFFFFE70] =	vst v18;
	v18 =	vld.idx.msk [tilespmem:v55+s20+$0x0], $0xffff  }
0x467: {  	[tilespmem:s0+$0x0] =	vst v11;
	v11 =	vor.u32 $0x280, v6;
	v14 =	vld.idx.msk [tilespmem:v14+s20+$0x0], $0xffff  }
0x468: {  	v56 =	vor.u32 $0x300, v7;
	v23 =	vld.idx.msk [tilespmem:v23+s20+$0x0], $0xffff;
	[tilespmem:s0+$0xFFFFFE20] =	vst v13  }
0x469: {  	v5 =	vshll.u32 v51, $0x3;
	v24 =	vor.u32 $0x280, v10;
	v13 =	vld.idx.msk [tilespmem:v54+s20+$0x0], $0xffff;
	[tilespmem:s0+$0xFFFFFF10] =	vst v8  }
0x46a: {  	v57 =	vor.u32 $0x300, v9;
	v5 =	vand.u32 $0xFFFFFC00, v5;
	v8 =	vld.idx.msk [tilespmem:v15+s20+$0x0], $0xffff;
	v15 =	vand.u32 $0x7F, v51;
	[tilespmem:s0+$0xFFFFFE50] =	vst v20  }
0x46b: {  	v4 =	vld.idx.msk [tilespmem:v4+s20+$0x0], $0xffff;
	v5 =	vor.u32 v15, v5;
	v15 =	vor.u32 $0x300, v17;
	[tilespmem:s0+$0xFFFFFF60] =	vst v18  }
0x46c: {  	v12 =	vor.u32 $0x380, v12;
	v11 =	vld.idx.msk [tilespmem:v11+s20+$0x0], $0xffff;
	[tilespmem:s0+$0xFFFFFEF0] =	vst v14  }
0x46d: {  	v58 =	vor.u32 $0x200, v5;
	[tilespmem:s0+$0xFFFFFE30] =	vst v23;
	v19 =	vld.idx.msk [tilespmem:v56+s20+$0x0], $0xffff  }
0x46e: {  	v14 =	vor.u32 $0x300, v6;
	[tilespmem:s0+$0xFFFFFEC0] =	vst v13;
	v59 =	vld.idx.msk [tilespmem:v24+s20+$0x0], $0xffff  }
0x46f: {  	v7 =	vor.u32 $0x380, v7;
	[tilespmem:s0+$0xFFFFFEA0] =	vst v8;
	v8 =	vld.idx.msk [tilespmem:v57+s20+$0x0], $0xffff  }
0x470: {  	v13 =	vor.u32 $0x300, v10;
	[tilespmem:s0+$0xFFFFFF90] =	vst v4;
	v4 =	vld.idx.msk [tilespmem:v15+s20+$0x0], $0xffff  }
0x471: {  	v9 =	vor.u32 $0x380, v9;
	v12 =	vld.idx.msk [tilespmem:v12+s20+$0x0], $0xffff;
	[tilespmem:s0+$0xFFFFFED0] =	vst v11  }
0x472: {  	v15 =	vld.idx.msk [tilespmem:v58+s20+$0x0], $0xffff;
	[tilespmem:s0+$0xFFFFFF70] =	vst v19  }
0x473: {  	v11 =	vor.u32 $0x380, v17;
	v14 =	vld.idx.msk [tilespmem:v14+s20+$0x0], $0xffff;
	[tilespmem:s0+$0xFFFFFEB0] =	vst v59  }
0x474: {  	v60 =	vor.u32 $0x280, v5;
	v62 =	vld.idx.msk [tilespmem:v7+s20+$0x0], $0xffff;
	[tilespmem:s0+$0xFFFFFF40] =	vst v8  }
0x475: {  	v61 =	vor.u32 $0x380, v6;
	v63 =	vld.idx.msk [tilespmem:v13+s20+$0x0], $0xffff;
	[tilespmem:s0+$0xFFFFFF20] =	vst v4;
	v4 =	vshll.u32 v22, $0x3  }
0x476: {  	s9 =	simm.s32 $0x14FF0;
	[tilespmem:s0+$0xFFFFFFE0] =	vst v12;
	v8 =	vld.idx.msk [tilespmem:v9+s20+$0x0], $0xffff;
	v9 =	vand.u32 $0x7F, v22;
	v4 =	vand.u32 $0xFFFFFC00, v4  }
0x477: {  	v10 =	vor.u32 $0x380, v10;
	v12 =	vld [tilespmem:s10+$0xFFFFFFF0];
	[tilespmem:s9+$0xFFFFFE80] =	vst v15;
	v4 =	vor.u32 v9, v4  }
0x478: {  	v6 =	vld.idx.msk [tilespmem:v11+s20+$0x0], $0xffff;
	[tilespmem:s0+$0xFFFFFF50] =	vst v14;
	v14 =	vor.u32 $0x200, v4  }
0x479: {  	v11 =	vld.idx.msk [tilespmem:v60+s20+$0x0], $0xffff  }
0x47a: {  	v13 =	vor.u32 $0x300, v5;
	v7 =	vld.idx.msk [tilespmem:v61+s20+$0x0], $0xffff;
	[tilespmem:s0+$0xFFFFFFF0] =	vst v62  }
0x47b: {  	s16 =	simm.s32 $0x8;
	v9 =	vld [tilespmem:s10+$0xFFFFFFE0];
	[tilespmem:s0+$0xFFFFFF30] =	vst v63  }
.LBB2_21:
0x47c: {  	s16 =	sadd.s32 $0x8, s16;
	v15 =	vor.u32 $0x280, v4;
	v16 =	vshll.u32 v3, $0x3;
	v5 =	vor.u32 $0x380, v5;
	v10 =	vld.idx.msk [tilespmem:v10+s20+$0x0], $0xffff  }
0x47d: {  	v17 =	vshll.u32 v2, $0x3;
	v3 =	vand.u32 $0x7F, v3;
	s10 =	sadd.s32 $0x80, s10;
	p1 =	slt.u32 s16, $0x78;
	v14 =	vld.idx.msk [tilespmem:v14+s20+$0x0], $0xffff;
	v16 =	vand.u32 $0xFFFFFC00, v16;
	[tilespmem:s0+$0xFFFFFFC0] =	vst v8  }
0x47e: {  	v18 =	vand.u32 $0x7F, v1;
	v2 =	vand.u32 $0x7F, v2;
	v17 =	vand.u32 $0xFFFFFC00, v17;
	v8 =	vld [tilespmem:s10+$0xFFFFFFD0];
	[tilespmem:s9+$0xFFFFFF00] =	vst v11  }
0x47f: {  	v17 =	vor.u32 v2, v17;
	v11 =	vand.u32 $0x7F, v12;
	v12 =	vshll.u32 v12, $0x3;
	v13 =	vld.idx.msk [tilespmem:v13+s20+$0x0], $0xffff;
	[tilespmem:s0+$0xFFFFFFD0] =	vst v7  }
0x480: {  	v20 =	vor.u32 $0x200, v17;
	v7 =	vld [tilespmem:s10+$0x0];
	v19 =	vand.u32 $0x7F, v9;
	v12 =	vand.u32 $0xFFFFFC00, v12;
	[tilespmem:s0+$0xFFFFFFA0] =	vst v6  }
0x481: {  	v16 =	vor.u32 v3, v16;
	v6 =	vshll.u32 v0, $0x3;
	v9 =	vshll.u32 v9, $0x3;
	v2 =	vld [tilespmem:s10+$0x10]  }
0x482: {  	v6 =	vand.u32 $0xFFFFFC00, v6;
	v11 =	vor.u32 v11, v12;
	v12 =	vor.u32 $0x200, v16;
	v3 =	vld [tilespmem:s10+$0x20];
	[tilespmem:s0+$0xFFFFFFB0] =	vst v10;
	s0 =	smov.u32 s9  }
0x483: {  	v1 =	vshll.u32 v1, $0x3;
	v9 =	vand.u32 $0xFFFFFC00, v9;
	v10 =	vld [tilespmem:s10+$0x30];
	[tilespmem:s9+$0xFFFFFE10] =	vst v14;
	v14 =	vand.u32 $0x7F, v0;
	v0 =	vmovc v8  }
0x484: {  	v23 =	vand.u32 $0xFFFFFC00, v1;
	v8 =	vld.idx.msk [tilespmem:v15+s20+$0x0], $0xffff;
	v6 =	vor.u32 v14, v6;
	v14 =	vor.u32 $0x200, v11  }
0x485: {  	v18 =	vor.u32 v18, v23;
	v9 =	vor.u32 v19, v9;
	v15 =	vor.u32 $0x200, v6;
	v19 =	vld.idx.msk [tilespmem:v20+s20+$0x0], $0xffff;
	[tilespmem:s9+$0xFFFFFF80] =	vst v13  }
0x486: {  	v21 =	vor.u32 $0x200, v18;
	v13 =	vor.u32 $0x300, v4;
	v20 =	vor.u32 $0x200, v9;
	v1 =	vmovc v7;
	v22 =	vld.idx.msk [tilespmem:v5+s20+$0x0], $0xffff  }
0x487: {  	v7 =	vor.u32 $0x280, v17;
	v12 =	vld.idx.msk [tilespmem:v12+s20+$0x0], $0xffff  }
0x488: {  	v23 =	vld [tilespmem:s10+$0xFFFFFFC0];
	v5 =	vshll.u32 v10, $0x3  }
0x489: {  	v24 =	vor.u32 $0x280, v16;
	v10 =	vand.u32 $0x7F, v10;
	v5 =	vand.u32 $0xFFFFFC00, v5;
	v14 =	vld.idx.msk [tilespmem:v14+s20+$0x0], $0xffff  }
0x48a: {  	v5 =	vor.u32 v10, v5;
	[tilespmem:s9+$0xFFFFFE90] =	vst v8;
	v8 =	vld.idx.msk [tilespmem:v15+s20+$0x0], $0xffff  }
0x48b: {  	v10 =	vld.idx.msk [tilespmem:v13+s20+$0x0], $0xffff;
	v13 =	vor.u32 $0x280, v11;
	[tilespmem:s9+$0xFFFFFE60] =	vst v19  }
0x48c: {  	v15 =	vor.u32 $0x380, v4;
	v19 =	vor.u32 $0x280, v6;
	v21 =	vld.idx.msk [tilespmem:v21+s20+$0x0], $0xffff;
	[tilespmem:s9+$0x0] =	vst v22  }
0x48d: {  	v25 =	vor.u32 $0x280, v18;
	v22 =	vor.u32 $0x280, v9;
	v4 =	vshll.u32 v23, $0x3;
	v7 =	vld.idx.msk [tilespmem:v7+s20+$0x0], $0xffff;
	[tilespmem:s9+$0xFFFFFE70] =	vst v12  }
0x48e: {  	v12 =	vand.u32 $0x7F, v23;
	v23 =	vor.u32 $0x300, v17;
	v4 =	vand.u32 $0xFFFFFC00, v4;
	v24 =	vld.idx.msk [tilespmem:v24+s20+$0x0], $0xffff  }
0x48f: {  	v4 =	vor.u32 v12, v4;
	v12 =	vld.idx.msk [tilespmem:v20+s20+$0x0], $0xffff;
	[tilespmem:s9+$0xFFFFFE40] =	vst v14  }
0x490: {  	[tilespmem:s9+$0xFFFFFE20] =	vst v8;
	v8 =	vld.idx.msk [tilespmem:v13+s20+$0x0], $0xffff;
	v13 =	vor.u32 $0x300, v16  }
0x491: {  	[tilespmem:s9+$0xFFFFFF10] =	vst v10;
	v10 =	vld.idx.msk [tilespmem:v19+s20+$0x0], $0xffff  }
0x492: {  	v14 =	vld.idx.msk [tilespmem:v15+s20+$0x0], $0xffff;
	v15 =	vor.u32 $0x300, v11;
	[tilespmem:s9+$0xFFFFFE50] =	vst v21  }
0x493: {  	v19 =	vor.u32 $0x300, v6;
	v20 =	vld.idx.msk [tilespmem:v25+s20+$0x0], $0xffff;
	[tilespmem:s9+$0xFFFFFEE0] =	vst v7  }
0x494: {  	v21 =	vor.u32 $0x300, v9;
	v7 =	vor.u32 $0x200, v5;
	v25 =	vor.u32 $0x300, v18;
	v23 =	vld.idx.msk [tilespmem:v23+s20+$0x0], $0xffff;
	[tilespmem:s9+$0xFFFFFEF0] =	vst v24  }
0x495: {  	[tilespmem:s9+$0xFFFFFE30] =	vst v12;
	v12 =	vld.idx.msk [tilespmem:v13+s20+$0x0], $0xffff  }
0x496: {  	v13 =	vld.idx.msk [tilespmem:v22+s20+$0x0], $0xffff;
	[tilespmem:s9+$0xFFFFFEC0] =	vst v8;
	v8 =	vor.u32 $0x380, v17  }
0x497: {  	[tilespmem:s9+$0xFFFFFEA0] =	vst v10;
	v15 =	vld.idx.msk [tilespmem:v15+s20+$0x0], $0xffff;
	v10 =	vor.u32 $0x380, v16  }
0x498: {  	[tilespmem:s9+$0xFFFFFF90] =	vst v14;
	v14 =	vld.idx.msk [tilespmem:v19+s20+$0x0], $0xffff  }
0x499: {  	v11 =	vor.u32 $0x380, v11;
	v7 =	vld.idx.msk [tilespmem:v7+s20+$0x0], $0xffff;
	[tilespmem:s9+$0xFFFFFED0] =	vst v20  }
0x49a: {  	v6 =	vor.u32 $0x380, v6;
	v16 =	vld.idx.msk [tilespmem:v25+s20+$0x0], $0xffff;
	[tilespmem:s9+$0xFFFFFF60] =	vst v23  }
0x49b: {  	v17 =	vor.u32 $0x280, v5;
	v19 =	vld.idx.msk [tilespmem:v8+s20+$0x0], $0xffff;
	[tilespmem:s9+$0xFFFFFF70] =	vst v12  }
0x49c: {  	v12 =	vor.u32 $0x380, v18;
	[tilespmem:s9+$0xFFFFFEB0] =	vst v13;
	v18 =	vld.idx.msk [tilespmem:v10+s20+$0x0], $0xffff  }
0x49d: {  	v10 =	vor.u32 $0x380, v9;
	v20 =	vld.idx.msk [tilespmem:v21+s20+$0x0], $0xffff;
	[tilespmem:s9+$0xFFFFFF40] =	vst v15  }
0x49e: {  	s9 =	sadd.s32 $0x400, s9;
	[tilespmem:s0+$0xFFFFFF20] =	vst v14;
	v8 =	vld.idx.msk [tilespmem:v11+s20+$0x0], $0xffff  }
.Ltmp12:
0x49f: {  	[tilespmem:s9+$0xFFFFFE80] =	vst v7;
	v6 =	vld.idx.msk [tilespmem:v6+s20+$0x0], $0xffff;
	(pc) =	sbr.rel @p1 .LBB2_21-.Ltmp12, $4  }
0x4a0: {  	v14 =	vor.u32 $0x200, v4;
	v11 =	vld.idx.msk [tilespmem:v17+s20+$0x0], $0xffff;
	[tilespmem:s0+$0xFFFFFF50] =	vst v16  }
0x4a1: {  	v7 =	vld.idx.msk [tilespmem:v12+s20+$0x0], $0xffff;
	[tilespmem:s0+$0xFFFFFFE0] =	vst v19  }
0x4a2: {  	v13 =	vor.u32 $0x300, v5;
	v12 =	vld [tilespmem:s10+$0xFFFFFFF0];
	[tilespmem:s0+$0xFFFFFFF0] =	vst v18  }
0x4a3: {  	v9 =	vld [tilespmem:s10+$0xFFFFFFE0];
	[tilespmem:s0+$0xFFFFFF30] =	vst v20  }
0x4a4: {  	_ =	sdelay $0x1  }
0x4a5: {  	v15 =	vor.u32 $0x280, v4;
	v16 =	vshll.u32 v3, $0x3;
	v5 =	vor.u32 $0x380, v5  }
0x4a6: {  	v17 =	vshll.u32 v2, $0x3;
	v21 =	vand.u32 $0x7F, v3;
	v22 =	vand.u32 $0x7F, v2  }
0x4a7: {  	v14 =	vld.idx.msk [tilespmem:v14+s20+$0x0], $0xffff;
	v18 =	vshll.u32 v0, $0x3;
	v27 =	vand.u32 $0x7F, v0;
	v17 =	vand.u32 $0xFFFFFC00, v17  }
0x4a8: {  	v28 =	vshll.u32 v1, $0x3;
	v30 =	vand.u32 $0x7F, v1;
	[tilespmem:s9+$0xFFFFFF00] =	vst v11;
	v2 =	vor.u32 v22, v17  }
0x4a9: {  	v16 =	vand.u32 $0xFFFFFC00, v16;
	v25 =	vand.u32 $0xFFFFFC00, v18;
	v13 =	vld.idx.msk [tilespmem:v13+s20+$0x0], $0xffff;
	v17 =	vor.u32 $0x200, v2  }
0x4aa: {  	v3 =	vor.u32 v21, v16;
	v0 =	vor.u32 v27, v25;
	v24 =	vshll.u32 v12, $0x3  }
0x4ab: {  	v23 =	vand.u32 $0x7F, v12;
	v26 =	vor.u32 $0x200, v3;
	v12 =	vand.u32 $0xFFFFFC00, v24  }
0x4ac: {  	v10 =	vld.idx.msk [tilespmem:v10+s20+$0x0], $0xffff;
	v35 =	vor.u32 $0x300, v4;
	v32 =	vor.u32 $0x200, v0;
	v11 =	vor.u32 v23, v12;
	[tilespmem:s9+$0xFFFFFE10] =	vst v14  }
0x4ad: {  	[tilespmem:s0+$0xFFFFFFC0] =	vst v8;
	v33 =	vshll.u32 v9, $0x3;
	v14 =	vand.u32 $0xFFFFFC00, v28;
	v29 =	vor.u32 $0x200, v11;
	v31 =	vld.idx.msk [tilespmem:v15+s20+$0x0], $0xffff  }
0x4ae: {  	v36 =	vand.u32 $0x7F, v9;
	v37 =	vand.u32 $0xFFFFFC00, v33;
	v1 =	vor.u32 v30, v14;
	[tilespmem:s9+$0xFFFFFF80] =	vst v13;
	v34 =	vld.idx.msk [tilespmem:v17+s20+$0x0], $0xffff  }
0x4af: {  	[tilespmem:s0+$0xFFFFFFA0] =	vst v6;
	v39 =	vor.u32 v36, v37;
	v38 =	vor.u32 $0x200, v1;
	v5 =	vld.idx.msk [tilespmem:v5+s20+$0x0], $0xffff  }
0x4b0: {  	[tilespmem:s0+$0xFFFFFFD0] =	vst v7;
	v42 =	vor.u32 $0x200, v39;
	v41 =	vld.idx.msk [tilespmem:v26+s20+$0x0], $0xffff  }
0x4b1: {  	v40 =	vor.u32 $0x280, v2;
	[tilespmem:s0+$0xFFFFFFB0] =	vst v10;
	v45 =	vld.idx.msk [tilespmem:v32+s20+$0x0], $0xffff  }
0x4b2: {  	v44 =	vor.u32 $0x280, v3;
	v43 =	vld.idx.msk [tilespmem:v29+s20+$0x0], $0xffff;
	[tilespmem:s9+$0xFFFFFE90] =	vst v31  }
0x4b3: {  	v47 =	vor.u32 $0x280, v0;
	v13 =	vld.idx.msk [tilespmem:v35+s20+$0x0], $0xffff;
	[tilespmem:s9+$0xFFFFFE60] =	vst v34  }
0x4b4: {  	v46 =	vor.u32 $0x280, v11;
	v17 =	vld.idx.msk [tilespmem:v38+s20+$0x0], $0xffff;
	[tilespmem:s9+$0x0] =	vst v5  }
0x4b5: {  	v48 =	vor.u32 $0x280, v1;
	v50 =	vld.idx.msk [tilespmem:v42+s20+$0x0], $0xffff;
	[tilespmem:s9+$0xFFFFFE70] =	vst v41  }
0x4b6: {  	v49 =	vor.u32 $0x380, v4;
	[tilespmem:s9+$0xFFFFFE20] =	vst v45;
	v7 =	vld.idx.msk [tilespmem:v40+s20+$0x0], $0xffff  }
0x4b7: {  	v51 =	vor.u32 $0x280, v39;
	v52 =	vld.idx.msk [tilespmem:v44+s20+$0x0], $0xffff;
	[tilespmem:s9+$0xFFFFFE40] =	vst v43  }
0x4b8: {  	v53 =	vor.u32 $0x300, v2;
	v14 =	vld.idx.msk [tilespmem:v47+s20+$0x0], $0xffff;
	[tilespmem:s9+$0xFFFFFF10] =	vst v13  }
0x4b9: {  	v54 =	vor.u32 $0x300, v3;
	v15 =	vld.idx.msk [tilespmem:v46+s20+$0x0], $0xffff;
	[tilespmem:s9+$0xFFFFFE50] =	vst v17  }
0x4ba: {  	v57 =	vor.u32 $0x300, v0;
	[tilespmem:s9+$0xFFFFFE30] =	vst v50;
	v5 =	vld.idx.msk [tilespmem:v48+s20+$0x0], $0xffff  }
0x4bb: {  	v55 =	vor.u32 $0x300, v11;
	v4 =	vld.idx.msk [tilespmem:v49+s20+$0x0], $0xffff;
	[tilespmem:s9+$0xFFFFFEE0] =	vst v7  }
0x4bc: {  	v56 =	vor.u32 $0x300, v1;
	v10 =	vld.idx.msk [tilespmem:v51+s20+$0x0], $0xffff;
	[tilespmem:s9+$0xFFFFFEF0] =	vst v52  }
0x4bd: {  	v58 =	vor.u32 $0x300, v39;
	[tilespmem:s9+$0xFFFFFEA0] =	vst v14;
	v8 =	vld.idx.msk [tilespmem:v53+s20+$0x0], $0xffff  }
0x4be: {  	v2 =	vor.u32 $0x380, v2;
	v13 =	vld.idx.msk [tilespmem:v54+s20+$0x0], $0xffff;
	[tilespmem:s9+$0xFFFFFEC0] =	vst v15  }
0x4bf: {  	v3 =	vor.u32 $0x380, v3;
	v61 =	vld.idx.msk [tilespmem:v57+s20+$0x0], $0xffff;
	[tilespmem:s9+$0xFFFFFED0] =	vst v5  }
0x4c0: {  	v0 =	vor.u32 $0x380, v0;
	v59 =	vld.idx.msk [tilespmem:v55+s20+$0x0], $0xffff;
	[tilespmem:s9+$0xFFFFFF90] =	vst v4  }
0x4c1: {  	v60 =	vor.u32 $0x380, v11;
	[tilespmem:s9+$0xFFFFFEB0] =	vst v10;
	v5 =	vld.idx.msk [tilespmem:v56+s20+$0x0], $0xffff  }
0x4c2: {  	v1 =	vor.u32 $0x380, v1;
	v62 =	vld.idx.msk [tilespmem:v58+s20+$0x0], $0xffff;
	[tilespmem:s9+$0xFFFFFF60] =	vst v8  }
0x4c3: {  	v6 =	vor.u32 $0x380, v39;
	[tilespmem:s9+$0xFFFFFF70] =	vst v13;
	v2 =	vld.idx.msk [tilespmem:v2+s20+$0x0], $0xffff  }
0x4c4: {  	[tilespmem:s9+$0xFFFFFF20] =	vst v61;
	v3 =	vld.idx.msk [tilespmem:v3+s20+$0x0], $0xffff  }
0x4c5: {  	v0 =	vld.idx.msk [tilespmem:v0+s20+$0x0], $0xffff;
	[tilespmem:s9+$0xFFFFFF40] =	vst v59  }
0x4c6: {  	v4 =	vld.idx.msk [tilespmem:v60+s20+$0x0], $0xffff;
	[tilespmem:s9+$0xFFFFFF50] =	vst v5  }
0x4c7: {  	[tilespmem:s9+$0xFFFFFF30] =	vst v62;
	v1 =	vld.idx.msk [tilespmem:v1+s20+$0x0], $0xffff  }
0x4c8: {  	v63 =	vld.idx.msk [tilespmem:v6+s20+$0x0], $0xffff;
	[tilespmem:s9+$0xFFFFFFE0] =	vst v2  }
0x4c9: {  	[tilespmem:s9+$0xFFFFFFF0] =	vst v3  }
0x4ca: {  	[tilespmem:s9+$0xFFFFFFA0] =	vst v0  }
0x4cb: {  	[tilespmem:s9+$0xFFFFFFC0] =	vst v4  }
0x4cc: {  	[tilespmem:s9+$0xFFFFFFD0] =	vst v1  }
0x4cd: {  	s31 =	simm.s32 $0x14A00;
	s0 =	sadd.s32 s2, s11;
	[tilespmem:s9+$0xFFFFFFB0] =	vst v63  }
0x4ce: {  	[hbm4b:s0+s6] =	stream.linear.scatter [tilespmem:s31], [sflag:$0x6], $0x200, $0x38;
	[tilespmem:$0x18800] =	vst v63  }
0x4cf: {  	s10 =	simm.s32 $0x14E00;
	s9 =	sadd.s32 $0x80, s0  }
0x4d0: {  	[hbm4b:s9+s6] =	stream.linear.scatter [tilespmem:s10], [sflag:$0x6], $0x200, $0x38;
	[tilespmem:$0x18800] =	vst v63  }
0x4d1: {  	s16 =	sadd.s32 $0x100, s0;
	s31 =	simm.s32 $0x15200  }
0x4d2: {  	[hbm4b:s16+s6] =	stream.linear.scatter [tilespmem:s31], [sflag:$0x6], $0x200, $0x38;
	[tilespmem:$0x18800] =	vst v63  }
0x4d3: {  	s9 =	sadd.s32 $0x180, s0;
	s10 =	simm.s32 $0x15600  }
0x4d4: {  	[hbm4b:s9+s6] =	stream.linear.scatter [tilespmem:s10], [sflag:$0x6], $0x200, $0x38;
	[tilespmem:$0x18800] =	vst v63  }
0x4d5: {  	s16 =	sadd.s32 $0x200, s0;
	s31 =	simm.s32 $0x15A00  }
0x4d6: {  	[hbm4b:s16+s6] =	stream.linear.scatter [tilespmem:s31], [sflag:$0x6], $0x200, $0x38;
	[tilespmem:$0x18800] =	vst v63  }
0x4d7: {  	s9 =	sadd.s32 $0x280, s0;
	s10 =	simm.s32 $0x15E00  }
0x4d8: {  	[hbm4b:s9+s6] =	stream.linear.scatter [tilespmem:s10], [sflag:$0x6], $0x200, $0x38;
	[tilespmem:$0x18800] =	vst v63  }
0x4d9: {  	s16 =	sadd.s32 $0x300, s0;
	s31 =	simm.s32 $0x16200  }
0x4da: {  	[hbm4b:s16+s6] =	stream.linear.scatter [tilespmem:s31], [sflag:$0x6], $0x200, $0x38;
	[tilespmem:$0x18800] =	vst v63  }
0x4db: {  	s9 =	sadd.s32 $0x380, s0  }
0x4dc: {  	[hbm4b:s9+s6] =	stream.linear.scatter [tilespmem:s7], [sflag:$0x6], $0x200, $0x38;
	[tilespmem:$0x18800] =	vst v63  }
0x4dd: {  	s10 =	sadd.s32 $0x400, s0  }
0x4de: {  	[hbm4b:s10+s6] =	stream.linear.scatter [tilespmem:s21], [sflag:$0x6], $0x200, $0x38;
	[tilespmem:$0x18800] =	vst v63  }
0x4df: {  	s16 =	sadd.s32 $0x480, s0  }
0x4e0: {  	[hbm4b:s16+s6] =	stream.linear.scatter [tilespmem:s12], [sflag:$0x6], $0x200, $0x38;
	[tilespmem:$0x18800] =	vst v63  }
0x4e1: {  	s31 =	sadd.s32 $0x500, s0  }
0x4e2: {  	[hbm4b:s31+s6] =	stream.linear.scatter [tilespmem:s15], [sflag:$0x6], $0x200, $0x38;
	[tilespmem:$0x18800] =	vst v63  }
0x4e3: {  	s9 =	sadd.s32 $0x580, s0  }
0x4e4: {  	[hbm4b:s9+s6] =	stream.linear.scatter [tilespmem:s13], [sflag:$0x6], $0x200, $0x38;
	[tilespmem:$0x18800] =	vst v63  }
0x4e5: {  	s10 =	sadd.s32 $0x600, s0  }
0x4e6: {  	[hbm4b:s10+s6] =	stream.linear.scatter [tilespmem:s14], [sflag:$0x6], $0x200, $0x38;
	[tilespmem:$0x18800] =	vst v63  }
0x4e7: {  	s16 =	sadd.s32 $0x680, s0  }
0x4e8: {  	[hbm4b:s16+s6] =	stream.linear.scatter [tilespmem:s5], [sflag:$0x6], $0x200, $0x38;
	[tilespmem:$0x18800] =	vst v63  }
.Ltmp13:
0x4e9: {  	_ = 	snop;
	(pc) =	sbr.rel @p0 .LBB2_24-.Ltmp13, $4  }
0x4ea: {  	s31 =	sadd.s32 $0x700, s0  }
0x4eb: {  	[hbm4b:s31+s6] =	stream.linear.scatter [tilespmem:s23], [sflag:$0x6], $0x200, $0x38;
	[tilespmem:$0x18800] =	vst v63  }
0x4ec: {  	s0 =	sadd.s32 $0x780, s0  }
0x4ed: {  	[hbm4b:s0+s6] =	stream.linear.scatter [tilespmem:s24], [sflag:$0x6], $0x200, $0x38;
	[tilespmem:$0x18800] =	vst v63  }
.Ltmp14:
0x4ee: {  	s0 =	rddreg [dreg:$0xc];
	(pc) =	sbr.rel .LBB2_2-.Ltmp14, $4  }
0x4ef: {  	s0 =	sadd.s32 s30, s0  }
0x4f0: {  	s0 =	sshll.u32 s0, $0x8  }
0x4f1: {  	s29 =	sadd.s32 $0x1, s29;
	s0 =	sadd.s32 s1, s0  }
0x4f2: {  	[tilespmem:s20], [sflag:$0x4] =	stream.linear.gather [hbm4b:s0+s6], $0x4000, $0x38;
	[tilespmem:$0x18800] =	vst v63  }
.LBB2_25:
0x4f3: {  	_ =	sfence.sel $0x180000  }
0x4f4: {  	[bflag:$0x0] =	sbarrier.arrive $0xFFFF  }
0x4f5: {  	_ =	strace $0x90000047  }
0x4f6: {  	s0 =	stileid.u32;
	[bflag:$0x2] =	sbarrier.arrive $0xFFFF  }
0x4f7: {  	p0 =	sne.s32 s0, $0x0;
	s0 =	rddreg [dreg:$0x3]  }
0x4f8: {  	s0 =	sadd.s32 @!p0 $0x100000, s0  }
0x4f9: {  	[sflag:s0] =	ssyncadd.tile.s32 @!p0 $0x1;
	_ =	shalt  }
.Lfunc_end2:
_tile_overlayer_lowered:
.L_overlay_start_2:
0x4fa: {  	(tag) =	ssettag $0x2  }
0x4fb: {  	s0 =	rddreg [dreg:$0x0];
	s2 =	stileid.u32  }
0x4fc: {  	s1 =	rddreg [dreg:$0x1];
	p0 =	sne.s32 s2, $0x0  }
0x4fd: {  	s3 =	rddreg [dreg:$0x2];
	[bflag:$0x3] =	sbarrier.arrive $0xFFFF;
	s2 =	simm.s32 @!p0 $0x1C07  }
0x4fe: {  	[timem:s3], [sflag:s2] =	dma.local @!p0 [hbm:s0], s1  }
0x4ff: {  	s0 =	simm.s32 @!p0 $0x7  }
0x500: {  	_ =	swait.ge @!p0 [sflag:s0], s1  }
0x501: {  	s1 =	ssub.s32 @!p0 $0x0, s1;
	[sflag:s0] =	ssyncset.done @!p0 $0x0  }
0x502: {  	[sflag:s0] =	ssyncadd.s32 @!p0 s1  }
0x503: {  	[bflag:$0x3] =	sbarrier.arrive $0xFFFF  }
0x504: {  	_ =	shalt  }

</sc_bundles>
